<compile_context>
chip_gen: v7x
topology: tpu7x:2x2x1
jax: 0.10.2.dev20260603
libtpu: 0.0.44.dev20260713+nightly
codegen_flags: <defaults>
</compile_context>

<pallas_src>
import functools

import jax
import jax.numpy as jnp
from jax import lax
from jax.experimental import pallas as pl
from jax.experimental.pallas import tpu as pltpu
from jax.experimental.pallas import tpu_sc as plsc

N = 20000
MAX_DET = 100
IOU_T = 0.5
L = 16
NB = N // L
NGRP = 79
NB_PAD = NGRP * L
S_PAD = NB_PAD * L
L1_PAD = 1280
NC2 = 5
NKC = 7
NEG = float("-inf")
BIG = 10_000


def _lanes():
    return lax.iota(jnp.int32, 16)


def _vmax(v):
    return jnp.max(v)


def _ffs(mask):
    return plsc.all_reduce_ffs(mask)[0]


def _splat_i(x):
    return jnp.full((16,), x, jnp.int32)


def _splat_f(x):
    return jnp.full((16,), x, jnp.float32)


def _nms_body(boxes_hbm, scores_hbm, out_hbm,
              boxes_v, scores_v, l1_v,
              kx1_v, ky1_v, kx2_v, ky2_v, kar_v, out_v, dma_sem):
    tile0 = (lax.axis_index("c") == 0) & (lax.axis_index("s") == 0)

    @pl.when(tile0)
    def _():
        lanes = _lanes()
        boxes_dma = pltpu.async_copy(boxes_hbm, boxes_v.at[pl.ds(0, N * 4)],
                                     dma_sem)
        pltpu.sync_copy(scores_hbm, scores_v.at[pl.ds(0, N)])
        for g in range(N // L, S_PAD // L):
            scores_v[pl.ds(g * L, L)] = _splat_f(NEG)
        l1_v[pl.ds(NB_PAD, L)] = _splat_f(NEG)
        for g in range(32):
            out_v[pl.ds(g * L, L)] = jnp.zeros((16,), jnp.float32)

        def build_l1(g, _):
            base = pl.multiple_of(g * 256, 256)
            acc = _splat_f(NEG)
            for j in range(16):
                m_j = _vmax(scores_v[pl.ds(base + j * L, L)])
                acc = jnp.where(lanes == j, m_j, acc)
            l1_v[pl.ds(pl.multiple_of(g * L, L), L)] = acc
            return 0

        lax.fori_loop(0, NGRP, build_l1, 0)

        c_init = []
        for c in range(NC2):
            acc = _splat_f(NEG)
            for j in range(16):
                m_j = _vmax(l1_v[pl.ds((c * 16 + j) * L, L)])
                acc = jnp.where(lanes == j, m_j, acc)
            c_init.append(acc)
        m0 = _vmax(jnp.maximum(
            jnp.maximum(jnp.maximum(c_init[0], c_init[1]),
                        jnp.maximum(c_init[2], c_init[3])), c_init[4]))

        boxes_dma.wait()


        def cond(carry):
            kept, done = carry[0], carry[1]
            return (kept < MAX_DET) & (done == 0)

        def body(carry):
            kept, done, m, l2 = carry
            valid = m > NEG

            j = jnp.int32(BIG)
            for c in range(NC2):
                lane_c = _ffs(l2[c] == m)
                j = jnp.minimum(
                    j, jnp.where(lane_c < 16, c * 16 + lane_c, BIG))
            j = jnp.minimum(j, jnp.int32(79))
            cj = j >> 4
            lane_j = j & 15
            l1c = l1_v[pl.ds(pl.multiple_of(j * L, L), L)]
            lane_b = jnp.minimum(_ffs(l1c == m), 15)
            b = j * 16 + lane_b
            sc = scores_v[pl.ds(pl.multiple_of(b * L, L), L)]
            lane_i = jnp.minimum(_ffs(sc == m), 15)
            idx = jnp.minimum(b * 16 + lane_i, jnp.int32(N - 1))

            g = boxes_v[pl.ds(pl.multiple_of(idx * 4, 4), L)]
            bx1 = g[0]
            by1 = g[1]
            bx2 = g[2]
            by2 = g[3]
            barea = (bx2 - bx1) * (by2 - by1)

            sup = jnp.zeros((16,), jnp.bool_)
            for k in range(NKC):
                live = (k * 16 + lanes) < kept
                xx1 = jnp.maximum(bx1, kx1_v[pl.ds(k * L, L)])
                yy1 = jnp.maximum(by1, ky1_v[pl.ds(k * L, L)])
                xx2 = jnp.minimum(bx2, kx2_v[pl.ds(k * L, L)])
                yy2 = jnp.minimum(by2, ky2_v[pl.ds(k * L, L)])
                inter = (jnp.maximum(xx2 - xx1, 0.0)
                         * jnp.maximum(yy2 - yy1, 0.0))
                union = barea + kar_v[pl.ds(k * L, L)] - inter
                iou = inter / jnp.maximum(union, 1e-9)
                sup = sup | (live & (iou > IOU_T))
            keep = valid & (plsc.all_reduce_population_count(sup)[0] == 0)

            app = (lanes == 0) & keep
            kidx = _splat_i(kept)
            plsc.store_scatter(kx1_v, [kidx], _splat_f(bx1), mask=app)
            plsc.store_scatter(ky1_v, [kidx], _splat_f(by1), mask=app)
            plsc.store_scatter(kx2_v, [kidx], _splat_f(bx2), mask=app)
            plsc.store_scatter(ky2_v, [kidx], _splat_f(by2), mask=app)
            plsc.store_scatter(kar_v, [kidx], _splat_f(barea), mask=app)
            row = jnp.where(lanes == 0, bx1,
                  jnp.where(lanes == 1, by1,
                  jnp.where(lanes == 2, bx2,
                  jnp.where(lanes == 3, by2, m))))
            plsc.store_scatter(out_v, [kept * 5 + lanes], row,
                               mask=(lanes < 5) & keep)

            vmask = (lanes == 0) & valid
            nm1 = _vmax(jnp.where(lanes == lane_i, _splat_f(NEG), sc))
            nm2x = _vmax(jnp.where(lanes == lane_b, _splat_f(NEG), l1c))
            plsc.store_scatter(scores_v, [_splat_i(idx)], _splat_f(NEG),
                               mask=vmask)
            nm2 = jnp.maximum(nm2x, nm1)
            plsc.store_scatter(l1_v, [_splat_i(b)], _splat_f(nm1), mask=vmask)
            new_l2 = []
            mx = _splat_f(NEG)
            for c in range(NC2):
                upd = valid & (cj == c)
                l2c = jnp.where(upd & (lanes == lane_j), nm2, l2[c])
                new_l2.append(l2c)
                mx = jnp.maximum(mx, l2c)
            m_new = jnp.where(valid, _vmax(mx), m)

            kept = kept + jnp.where(keep, 1, 0).astype(jnp.int32)
            done = jnp.where(valid, 0, 1).astype(jnp.int32)
            return kept, done, m_new, tuple(new_l2)

        lax.while_loop(cond, body,
                       (jnp.int32(0), jnp.int32(0), m0, tuple(c_init)))
        pltpu.sync_copy(out_v, out_hbm)


@jax.jit
def kernel(boxes, scores):
    f = functools.partial(
        pl.kernel,
        mesh=plsc.VectorSubcoreMesh(core_axis_name="c", subcore_axis_name="s",
                                    num_cores=1),
        compiler_params=pltpu.CompilerParams(needs_layout_passes=False,
                                             skip_device_barrier=True,
                                             disable_bounds_checks=True),
        out_type=jax.ShapeDtypeStruct((512,), jnp.float32),
        scratch_types=[
            pltpu.VMEM((N * 4 + L,), jnp.float32),
            pltpu.VMEM((S_PAD,), jnp.float32),
            pltpu.VMEM((L1_PAD,), jnp.float32),
            pltpu.VMEM((NKC * L,), jnp.float32),
            pltpu.VMEM((NKC * L,), jnp.float32),
            pltpu.VMEM((NKC * L,), jnp.float32),
            pltpu.VMEM((NKC * L,), jnp.float32),
            pltpu.VMEM((NKC * L,), jnp.float32),
            pltpu.VMEM((512,), jnp.float32),
            pltpu.SemaphoreType.DMA,
        ],
    )(_nms_body)
    out = f(boxes.reshape(N * 4), scores)
    return out[: MAX_DET * 5].reshape(MAX_DET, 5)

# --- scband reference (transcript-rebuilt; emitter-appended) ---
"""Pipeline reference for scband-search-cnncontroller-obj-56281251446880 (READ-ONLY COPY).

The authoritative reference and input builder live on the scoring server;
editing this copy changes nothing except your own understanding.
"""

import jax, jax.numpy as jnp
import numpy as np

N = 20000
IOU_THRESH = 0.5
MAX_DET = 100


def setup_inputs(seed: int = 0) -> dict:
    key = jax.random.key(seed)
    k1, k2 = jax.random.split(key)
    raw = jax.random.uniform(k1, (N, 4), dtype=jnp.float32)
    x1 = raw[:, 0] * 1000.0
    y1 = raw[:, 1] * 1000.0
    x2 = x1 + raw[:, 2] * 200.0 + 1.0
    y2 = y1 + raw[:, 3] * 200.0 + 1.0
    boxes = jnp.stack([x1, y1, x2, y2], axis=1)
    scores = jax.random.uniform(k2, (N,), dtype=jnp.float32)
    return {"boxes": boxes, "scores": scores}


def _iou_one_vs_all(box, boxes):
    xx1 = jnp.maximum(box[0], boxes[:, 0])
    yy1 = jnp.maximum(box[1], boxes[:, 1])
    xx2 = jnp.minimum(box[2], boxes[:, 2])
    yy2 = jnp.minimum(box[3], boxes[:, 3])
    inter = jnp.maximum(xx2 - xx1, 0.0) * jnp.maximum(yy2 - yy1, 0.0)
    area = (box[2] - box[0]) * (box[3] - box[1])
    areas = (boxes[:, 2] - boxes[:, 0]) * (boxes[:, 3] - boxes[:, 1])
    union = area + areas - inter
    return inter / jnp.maximum(union, 1e-9)


def _nms(boxes, scores, iou_thresh, max_det):
    n = scores.shape[0]

    def body(keep_mask, _):
        masked = jnp.where(keep_mask, scores, -jnp.inf)
        idx = jnp.argmax(masked)
        has = masked[idx] > -jnp.inf
        sel_box = boxes[idx]
        ious = _iou_one_vs_all(sel_box, boxes)
        new_mask = keep_mask & (ious <= iou_thresh)
        new_mask = new_mask.at[idx].set(False)
        keep_mask = jnp.where(has, new_mask, keep_mask)
        return keep_mask, (idx, has)

    _, (sel_idx, valid) = jax.lax.scan(body, jnp.ones((n,), dtype=bool), None, length=max_det)
    return sel_idx, valid


def reference(boxes, scores):
    # Greedy NMS postprocess (RoIHeads: nms_thresh=0.5, detections_per_img=100)
    sel_idx, valid = _nms(boxes, scores, IOU_THRESH, MAX_DET)
    vf = valid.astype(boxes.dtype)
    kept_boxes = jnp.take(boxes, sel_idx, axis=0) * vf[:, None]
    kept_scores = jnp.take(scores, sel_idx, axis=0) * vf
    return jnp.concatenate([kept_boxes, kept_scores[:, None]], axis=1)

if __name__ == "__main__":
    import jax
    _d = setup_inputs()
    print(jax.jit(kernel)(*tuple(_d.values())))

</pallas_src>

<mosaic_0001>
#map = affine_map<(d0, d1) -> (0)>
module attributes {stable_mosaic.version = 14 : i64} {
  func.func @_nms_body(%arg0: i32, %arg1: i32, %arg2: memref<80000xf32, #tpu.memory_space<hbm>>, %arg3: memref<20000xf32, #tpu.memory_space<hbm>>, %arg4: memref<512xf32, #tpu.memory_space<hbm>>, %arg5: memref<80016xf32, #tpu.memory_space<vmem>>, %arg6: memref<20224xf32, #tpu.memory_space<vmem>>, %arg7: memref<1280xf32, #tpu.memory_space<vmem>>, %arg8: memref<112xf32, #tpu.memory_space<vmem>>, %arg9: memref<112xf32, #tpu.memory_space<vmem>>, %arg10: memref<112xf32, #tpu.memory_space<vmem>>, %arg11: memref<112xf32, #tpu.memory_space<vmem>>, %arg12: memref<112xf32, #tpu.memory_space<vmem>>, %arg13: memref<512xf32, #tpu.memory_space<vmem>>, %arg14: memref<!tpu.dma_semaphore, #tpu.memory_space<semaphore_mem>>) attributes {dimension_semantics = [#tpu.dimension_semantics<core_parallel>, #tpu.dimension_semantics<subcore_parallel>], iteration_bounds = array<i64: 1, 16>, scalar_prefetch = 0 : i64, scratch_operands = 10 : i64, tpu.core_type = #tpu.core_type<sc_vector_subcore>, window_params = [{transform_indices = #map}, {transform_indices = #map}, {transform_indices = #map}]} {
    %eq3A = arith.constant 0 : i32
    %eq3A_0 = arith.cmpi eq, %arg0, %eq3A : i32
    %eq3A_1 = arith.constant 0 : i32
    %eq3A_2 = arith.cmpi eq, %arg1, %eq3A_1 : i32
    %and3A = arith.andi %eq3A_0, %eq3A_2 : i1
    %convert_element_type3A = arith.extui %and3A : i1 to i32
    %cond3A = arith.constant 0 : i32
    %cond3A_3 = arith.cmpi ne, %convert_element_type3A, %cond3A : i32
    scf.if %cond3A_3 {
      %iota3A = tpu.iota {dimensions = array<i32: 0>} : vector<16xi32>
      %dma_start3A = arith.constant 0 : i32
      %dma_start3A_4 = tpu.memref_slice %arg5[%dma_start3A] : memref<80016xf32, #tpu.memory_space<vmem>> -> memref<80000xf32, #tpu.memory_space<vmem>>
      %dma_start3A_5 = arith.constant 0 : i32
      %dma_start3A_6 = tpu.memref_slice %arg5[%dma_start3A_5] : memref<80016xf32, #tpu.memory_space<vmem>> -> memref<80000xf32, #tpu.memory_space<vmem>>
      tpu.enqueue_dma source(%arg2 : memref<80000xf32, #tpu.memory_space<hbm>>) target(%dma_start3A_6 : memref<80000xf32, #tpu.memory_space<vmem>>) target_semaphore(%arg14 : memref<!tpu.dma_semaphore, #tpu.memory_space<semaphore_mem>>)
      "tpu.region"() ({
        %run_scoped3A = tpu.sem_alloc : memref<!tpu.dma_semaphore, #tpu.memory_space<semaphore_mem>>
        %dma_start3A_1098 = arith.constant 0 : i32
        %dma_start3A_1099 = tpu.memref_slice %arg6[%dma_start3A_1098] : memref<20224xf32, #tpu.memory_space<vmem>> -> memref<20000xf32, #tpu.memory_space<vmem>>
        %dma_start3A_1100 = arith.constant 0 : i32
        %dma_start3A_1101 = tpu.memref_slice %arg6[%dma_start3A_1100] : memref<20224xf32, #tpu.memory_space<vmem>> -> memref<20000xf32, #tpu.memory_space<vmem>>
        tpu.enqueue_dma source(%arg3 : memref<20000xf32, #tpu.memory_space<hbm>>) target(%dma_start3A_1101 : memref<20000xf32, #tpu.memory_space<vmem>>) target_semaphore(%run_scoped3A : memref<!tpu.dma_semaphore, #tpu.memory_space<semaphore_mem>>)
        %dma_wait3A_1102 = arith.constant 0 : i32
        %dma_wait3A_1103 = tpu.memref_slice %arg6[%dma_wait3A_1102] : memref<20224xf32, #tpu.memory_space<vmem>> -> memref<20000xf32, #tpu.memory_space<vmem>>
        %dma_wait3A_1104 = arith.constant 0 : i32
        %dma_wait3A_1105 = tpu.memref_slice %arg6[%dma_wait3A_1104] : memref<20224xf32, #tpu.memory_space<vmem>> -> memref<20000xf32, #tpu.memory_space<vmem>>
        tpu.wait_dma2 semaphore(%run_scoped3A : memref<!tpu.dma_semaphore, #tpu.memory_space<semaphore_mem>>) src(%arg3 : memref<20000xf32, #tpu.memory_space<hbm>>) dst(%dma_wait3A_1105 : memref<20000xf32, #tpu.memory_space<vmem>>)
        tpu.yield
      }) : () -> ()
      %broadcast_in_dim3A = arith.constant 0xFF800000 : f32
      %broadcast_in_dim3A_7 = vector.broadcast %broadcast_in_dim3A : f32 to vector<16xf32>
      %swap3A = arith.constant 20000 : index
      %swap3A_8 = tpu.vector_load %arg6[%swap3A] {strides = array<i32>} : memref<20224xf32, #tpu.memory_space<vmem>>, vector<16xf32>,
      tpu.vector_store %arg6[%swap3A], %broadcast_in_dim3A_7 {strides = array<i32>} : memref<20224xf32, #tpu.memory_space<vmem>>, vector<16xf32>,
      %broadcast_in_dim3A_9 = arith.constant 0xFF800000 : f32
      %broadcast_in_dim3A_10 = vector.broadcast %broadcast_in_dim3A_9 : f32 to vector<16xf32>
      %swap3A_11 = arith.constant 20016 : index
      %swap3A_12 = tpu.vector_load %arg6[%swap3A_11] {strides = array<i32>} : memref<20224xf32, #tpu.memory_space<vmem>>, vector<16xf32>,
      tpu.vector_store %arg6[%swap3A_11], %broadcast_in_dim3A_10 {strides = array<i32>} : memref<20224xf32, #tpu.memory_space<vmem>>, vector<16xf32>,
      %broadcast_in_dim3A_13 = arith.constant 0xFF800000 : f32
      %broadcast_in_dim3A_14 = vector.broadcast %broadcast_in_dim3A_13 : f32 to vector<16xf32>
      %swap3A_15 = arith.constant 20032 : index
      %swap3A_16 = tpu.vector_load %arg6[%swap3A_15] {strides = array<i32>} : memref<20224xf32, #tpu.memory_space<vmem>>, vector<16xf32>,
      tpu.vector_store %arg6[%swap3A_15], %broadcast_in_dim3A_14 {strides = array<i32>} : memref<20224xf32, #tpu.memory_space<vmem>>, vector<16xf32>,
      %broadcast_in_dim3A_17 = arith.constant 0xFF800000 : f32
      %broadcast_in_dim3A_18 = vector.broadcast %broadcast_in_dim3A_17 : f32 to vector<16xf32>
      %swap3A_19 = arith.constant 20048 : index
      %swap3A_20 = tpu.vector_load %arg6[%swap3A_19] {strides = array<i32>} : memref<20224xf32, #tpu.memory_space<vmem>>, vector<16xf32>,
      tpu.vector_store %arg6[%swap3A_19], %broadcast_in_dim3A_18 {strides = array<i32>} : memref<20224xf32, #tpu.memory_space<vmem>>, vector<16xf32>,
      %broadcast_in_dim3A_21 = arith.constant 0xFF800000 : f32
      %broadcast_in_dim3A_22 = vector.broadcast %broadcast_in_dim3A_21 : f32 to vector<16xf32>
      %swap3A_23 = arith.constant 20064 : index
      %swap3A_24 = tpu.vector_load %arg6[%swap3A_23] {strides = array<i32>} : memref<20224xf32, #tpu.memory_space<vmem>>, vector<16xf32>,
      tpu.vector_store %arg6[%swap3A_23], %broadcast_in_dim3A_22 {strides = array<i32>} : memref<20224xf32, #tpu.memory_space<vmem>>, vector<16xf32>,
      %broadcast_in_dim3A_25 = arith.constant 0xFF800000 : f32
      %broadcast_in_dim3A_26 = vector.broadcast %broadcast_in_dim3A_25 : f32 to vector<16xf32>
      %swap3A_27 = arith.constant 20080 : index
      %swap3A_28 = tpu.vector_load %arg6[%swap3A_27] {strides = array<i32>} : memref<20224xf32, #tpu.memory_space<vmem>>, vector<16xf32>,
      tpu.vector_store %arg6[%swap3A_27], %broadcast_in_dim3A_26 {strides = array<i32>} : memref<20224xf32, #tpu.memory_space<vmem>>, vector<16xf32>,
      %broadcast_in_dim3A_29 = arith.constant 0xFF800000 : f32
      %broadcast_in_dim3A_30 = vector.broadcast %broadcast_in_dim3A_29 : f32 to vector<16xf32>
      %swap3A_31 = arith.constant 20096 : index
      %swap3A_32 = tpu.vector_load %arg6[%swap3A_31] {strides = array<i32>} : memref<20224xf32, #tpu.memory_space<vmem>>, vector<16xf32>,
      tpu.vector_store %arg6[%swap3A_31], %broadcast_in_dim3A_30 {strides = array<i32>} : memref<20224xf32, #tpu.memory_space<vmem>>, vector<16xf32>,
      %broadcast_in_dim3A_33 = arith.constant 0xFF800000 : f32
      %broadcast_in_dim3A_34 = vector.broadcast %broadcast_in_dim3A_33 : f32 to vector<16xf32>
      %swap3A_35 = arith.constant 20112 : index
      %swap3A_36 = tpu.vector_load %arg6[%swap3A_35] {strides = array<i32>} : memref<20224xf32, #tpu.memory_space<vmem>>, vector<16xf32>,
      tpu.vector_store %arg6[%swap3A_35], %broadcast_in_dim3A_34 {strides = array<i32>} : memref<20224xf32, #tpu.memory_space<vmem>>, vector<16xf32>,
      %broadcast_in_dim3A_37 = arith.constant 0xFF800000 : f32
      %broadcast_in_dim3A_38 = vector.broadcast %broadcast_in_dim3A_37 : f32 to vector<16xf32>
      %swap3A_39 = arith.constant 20128 : index
      %swap3A_40 = tpu.vector_load %arg6[%swap3A_39] {strides = array<i32>} : memref<20224xf32, #tpu.memory_space<vmem>>, vector<16xf32>,
      tpu.vector_store %arg6[%swap3A_39], %broadcast_in_dim3A_38 {strides = array<i32>} : memref<20224xf32, #tpu.memory_space<vmem>>, vector<16xf32>,
      %broadcast_in_dim3A_41 = arith.constant 0xFF800000 : f32
      %broadcast_in_dim3A_42 = vector.broadcast %broadcast_in_dim3A_41 : f32 to vector<16xf32>
      %swap3A_43 = arith.constant 20144 : index
      %swap3A_44 = tpu.vector_load %arg6[%swap3A_43] {strides = array<i32>} : memref<20224xf32, #tpu.memory_space<vmem>>, vector<16xf32>,
      tpu.vector_store %arg6[%swap3A_43], %broadcast_in_dim3A_42 {strides = array<i32>} : memref<20224xf32, #tpu.memory_space<vmem>>, vector<16xf32>,
      %broadcast_in_dim3A_45 = arith.constant 0xFF800000 : f32
      %broadcast_in_dim3A_46 = vector.broadcast %broadcast_in_dim3A_45 : f32 to vector<16xf32>
      %swap3A_47 = arith.constant 20160 : index
      %swap3A_48 = tpu.vector_load %arg6[%swap3A_47] {strides = array<i32>} : memref<20224xf32, #tpu.memory_space<vmem>>, vector<16xf32>,
      tpu.vector_store %arg6[%swap3A_47], %broadcast_in_dim3A_46 {strides = array<i32>} : memref<20224xf32, #tpu.memory_space<vmem>>, vector<16xf32>,
      %broadcast_in_dim3A_49 = arith.constant 0xFF800000 : f32
      %broadcast_in_dim3A_50 = vector.broadcast %broadcast_in_dim3A_49 : f32 to vector<16xf32>
      %swap3A_51 = arith.constant 20176 : index
      %swap3A_52 = tpu.vector_load %arg6[%swap3A_51] {strides = array<i32>} : memref<20224xf32, #tpu.memory_space<vmem>>, vector<16xf32>,
      tpu.vector_store %arg6[%swap3A_51], %broadcast_in_dim3A_50 {strides = array<i32>} : memref<20224xf32, #tpu.memory_space<vmem>>, vector<16xf32>,
      %broadcast_in_dim3A_53 = arith.constant 0xFF800000 : f32
      %broadcast_in_dim3A_54 = vector.broadcast %broadcast_in_dim3A_53 : f32 to vector<16xf32>
      %swap3A_55 = arith.constant 20192 : index
      %swap3A_56 = tpu.vector_load %arg6[%swap3A_55] {strides = array<i32>} : memref<20224xf32, #tpu.memory_space<vmem>>, vector<16xf32>,
      tpu.vector_store %arg6[%swap3A_55], %broadcast_in_dim3A_54 {strides = array<i32>} : memref<20224xf32, #tpu.memory_space<vmem>>, vector<16xf32>,
      %broadcast_in_dim3A_57 = arith.constant 0xFF800000 : f32
      %broadcast_in_dim3A_58 = vector.broadcast %broadcast_in_dim3A_57 : f32 to vector<16xf32>
      %swap3A_59 = arith.constant 20208 : index
      %swap3A_60 = tpu.vector_load %arg6[%swap3A_59] {strides = array<i32>} : memref<20224xf32, #tpu.memory_space<vmem>>, vector<16xf32>,
      tpu.vector_store %arg6[%swap3A_59], %broadcast_in_dim3A_58 {strides = array<i32>} : memref<20224xf32, #tpu.memory_space<vmem>>, vector<16xf32>,
      %broadcast_in_dim3A_61 = arith.constant 0xFF800000 : f32
      %broadcast_in_dim3A_62 = vector.broadcast %broadcast_in_dim3A_61 : f32 to vector<16xf32>
      %swap3A_63 = arith.constant 1264 : index
      %swap3A_64 = tpu.vector_load %arg7[%swap3A_63] {strides = array<i32>} : memref<1280xf32, #tpu.memory_space<vmem>>, vector<16xf32>,
      tpu.vector_store %arg7[%swap3A_63], %broadcast_in_dim3A_62 {strides = array<i32>} : memref<1280xf32, #tpu.memory_space<vmem>>, vector<16xf32>,
      %broadcast_in_dim3A_65 = arith.constant 0.000000e+00 : f32
      %broadcast_in_dim3A_66 = vector.broadcast %broadcast_in_dim3A_65 : f32 to vector<16xf32>
      %swap3A_67 = arith.constant 0 : index
      %swap3A_68 = tpu.vector_load %arg13[%swap3A_67] {strides = array<i32>} : memref<512xf32, #tpu.memory_space<vmem>>, vector<16xf32>,
      tpu.vector_store %arg13[%swap3A_67], %broadcast_in_dim3A_66 {strides = array<i32>} : memref<512xf32, #tpu.memory_space<vmem>>, vector<16xf32>,
      %broadcast_in_dim3A_69 = arith.constant 0.000000e+00 : f32
      %broadcast_in_dim3A_70 = vector.broadcast %broadcast_in_dim3A_69 : f32 to vector<16xf32>
      %swap3A_71 = arith.constant 16 : index
      %swap3A_72 = tpu.vector_load %arg13[%swap3A_71] {strides = array<i32>} : memref<512xf32, #tpu.memory_space<vmem>>, vector<16xf32>,
      tpu.vector_store %arg13[%swap3A_71], %broadcast_in_dim3A_70 {strides = array<i32>} : memref<512xf32, #tpu.memory_space<vmem>>, vector<16xf32>,
      %broadcast_in_dim3A_73 = arith.constant 0.000000e+00 : f32
      %broadcast_in_dim3A_74 = vector.broadcast %broadcast_in_dim3A_73 : f32 to vector<16xf32>
      %swap3A_75 = arith.constant 32 : index
      %swap3A_76 = tpu.vector_load %arg13[%swap3A_75] {strides = array<i32>} : memref<512xf32, #tpu.memory_space<vmem>>, vector<16xf32>,
      tpu.vector_store %arg13[%swap3A_75], %broadcast_in_dim3A_74 {strides = array<i32>} : memref<512xf32, #tpu.memory_space<vmem>>, vector<16xf32>,
      %broadcast_in_dim3A_77 = arith.constant 0.000000e+00 : f32
      %broadcast_in_dim3A_78 = vector.broadcast %broadcast_in_dim3A_77 : f32 to vector<16xf32>
      %swap3A_79 = arith.constant 48 : index
      %swap3A_80 = tpu.vector_load %arg13[%swap3A_79] {strides = array<i32>} : memref<512xf32, #tpu.memory_space<vmem>>, vector<16xf32>,
      tpu.vector_store %arg13[%swap3A_79], %broadcast_in_dim3A_78 {strides = array<i32>} : memref<512xf32, #tpu.memory_space<vmem>>, vector<16xf32>,
      %broadcast_in_dim3A_81 = arith.constant 0.000000e+00 : f32
      %broadcast_in_dim3A_82 = vector.broadcast %broadcast_in_dim3A_81 : f32 to vector<16xf32>
      %swap3A_83 = arith.constant 64 : index
      %swap3A_84 = tpu.vector_load %arg13[%swap3A_83] {strides = array<i32>} : memref<512xf32, #tpu.memory_space<vmem>>, vector<16xf32>,
      tpu.vector_store %arg13[%swap3A_83], %broadcast_in_dim3A_82 {strides = array<i32>} : memref<512xf32, #tpu.memory_space<vmem>>, vector<16xf32>,
      %broadcast_in_dim3A_85 = arith.constant 0.000000e+00 : f32
      %broadcast_in_dim3A_86 = vector.broadcast %broadcast_in_dim3A_85 : f32 to vector<16xf32>
      %swap3A_87 = arith.constant 80 : index
      %swap3A_88 = tpu.vector_load %arg13[%swap3A_87] {strides = array<i32>} : memref<512xf32, #tpu.memory_space<vmem>>, vector<16xf32>,
      tpu.vector_store %arg13[%swap3A_87], %broadcast_in_dim3A_86 {strides = array<i32>} : memref<512xf32, #tpu.memory_space<vmem>>, vector<16xf32>,
      %broadcast_in_dim3A_89 = arith.constant 0.000000e+00 : f32
      %broadcast_in_dim3A_90 = vector.broadcast %broadcast_in_dim3A_89 : f32 to vector<16xf32>
      %swap3A_91 = arith.constant 96 : index
      %swap3A_92 = tpu.vector_load %arg13[%swap3A_91] {strides = array<i32>} : memref<512xf32, #tpu.memory_space<vmem>>, vector<16xf32>,
      tpu.vector_store %arg13[%swap3A_91], %broadcast_in_dim3A_90 {strides = array<i32>} : memref<512xf32, #tpu.memory_space<vmem>>, vector<16xf32>,
      %broadcast_in_dim3A_93 = arith.constant 0.000000e+00 : f32
      %broadcast_in_dim3A_94 = vector.broadcast %broadcast_in_dim3A_93 : f32 to vector<16xf32>
      %swap3A_95 = arith.constant 112 : index
      %swap3A_96 = tpu.vector_load %arg13[%swap3A_95] {strides = array<i32>} : memref<512xf32, #tpu.memory_space<vmem>>, vector<16xf32>,
      tpu.vector_store %arg13[%swap3A_95], %broadcast_in_dim3A_94 {strides = array<i32>} : memref<512xf32, #tpu.memory_space<vmem>>, vector<16xf32>,
      %broadcast_in_dim3A_97 = arith.constant 0.000000e+00 : f32
      %broadcast_in_dim3A_98 = vector.broadcast %broadcast_in_dim3A_97 : f32 to vector<16xf32>
      %swap3A_99 = arith.constant 128 : index
      %swap3A_100 = tpu.vector_load %arg13[%swap3A_99] {strides = array<i32>} : memref<512xf32, #tpu.memory_space<vmem>>, vector<16xf32>,
      tpu.vector_store %arg13[%swap3A_99], %broadcast_in_dim3A_98 {strides = array<i32>} : memref<512xf32, #tpu.memory_space<vmem>>, vector<16xf32>,
      %broadcast_in_dim3A_101 = arith.constant 0.000000e+00 : f32
      %broadcast_in_dim3A_102 = vector.broadcast %broadcast_in_dim3A_101 : f32 to vector<16xf32>
      %swap3A_103 = arith.constant 144 : index
      %swap3A_104 = tpu.vector_load %arg13[%swap3A_103] {strides = array<i32>} : memref<512xf32, #tpu.memory_space<vmem>>, vector<16xf32>,
      tpu.vector_store %arg13[%swap3A_103], %broadcast_in_dim3A_102 {strides = array<i32>} : memref<512xf32, #tpu.memory_space<vmem>>, vector<16xf32>,
      %broadcast_in_dim3A_105 = arith.constant 0.000000e+00 : f32
      %broadcast_in_dim3A_106 = vector.broadcast %broadcast_in_dim3A_105 : f32 to vector<16xf32>
      %swap3A_107 = arith.constant 160 : index
      %swap3A_108 = tpu.vector_load %arg13[%swap3A_107] {strides = array<i32>} : memref<512xf32, #tpu.memory_space<vmem>>, vector<16xf32>,
      tpu.vector_store %arg13[%swap3A_107], %broadcast_in_dim3A_106 {strides = array<i32>} : memref<512xf32, #tpu.memory_space<vmem>>, vector<16xf32>,
      %broadcast_in_dim3A_109 = arith.constant 0.000000e+00 : f32
      %broadcast_in_dim3A_110 = vector.broadcast %broadcast_in_dim3A_109 : f32 to vector<16xf32>
      %swap3A_111 = arith.constant 176 : index
      %swap3A_112 = tpu.vector_load %arg13[%swap3A_111] {strides = array<i32>} : memref<512xf32, #tpu.memory_space<vmem>>, vector<16xf32>,
      tpu.vector_store %arg13[%swap3A_111], %broadcast_in_dim3A_110 {strides = array<i32>} : memref<512xf32, #tpu.memory_space<vmem>>, vector<16xf32>,
      %broadcast_in_dim3A_113 = arith.constant 0.000000e+00 : f32
      %broadcast_in_dim3A_114 = vector.broadcast %broadcast_in_dim3A_113 : f32 to vector<16xf32>
      %swap3A_115 = arith.constant 192 : index
      %swap3A_116 = tpu.vector_load %arg13[%swap3A_115] {strides = array<i32>} : memref<512xf32, #tpu.memory_space<vmem>>, vector<16xf32>,
      tpu.vector_store %arg13[%swap3A_115], %broadcast_in_dim3A_114 {strides = array<i32>} : memref<512xf32, #tpu.memory_space<vmem>>, vector<16xf32>,
      %broadcast_in_dim3A_117 = arith.constant 0.000000e+00 : f32
      %broadcast_in_dim3A_118 = vector.broadcast %broadcast_in_dim3A_117 : f32 to vector<16xf32>
      %swap3A_119 = arith.constant 208 : index
      %swap3A_120 = tpu.vector_load %arg13[%swap3A_119] {strides = array<i32>} : memref<512xf32, #tpu.memory_space<vmem>>, vector<16xf32>,
      tpu.vector_store %arg13[%swap3A_119], %broadcast_in_dim3A_118 {strides = array<i32>} : memref<512xf32, #tpu.memory_space<vmem>>, vector<16xf32>,
      %broadcast_in_dim3A_121 = arith.constant 0.000000e+00 : f32
      %broadcast_in_dim3A_122 = vector.broadcast %broadcast_in_dim3A_121 : f32 to vector<16xf32>
      %swap3A_123 = arith.constant 224 : index
      %swap3A_124 = tpu.vector_load %arg13[%swap3A_123] {strides = array<i32>} : memref<512xf32, #tpu.memory_space<vmem>>, vector<16xf32>,
      tpu.vector_store %arg13[%swap3A_123], %broadcast_in_dim3A_122 {strides = array<i32>} : memref<512xf32, #tpu.memory_space<vmem>>, vector<16xf32>,
      %broadcast_in_dim3A_125 = arith.constant 0.000000e+00 : f32
      %broadcast_in_dim3A_126 = vector.broadcast %broadcast_in_dim3A_125 : f32 to vector<16xf32>
      %swap3A_127 = arith.constant 240 : index
      %swap3A_128 = tpu.vector_load %arg13[%swap3A_127] {strides = array<i32>} : memref<512xf32, #tpu.memory_space<vmem>>, vector<16xf32>,
      tpu.vector_store %arg13[%swap3A_127], %broadcast_in_dim3A_126 {strides = array<i32>} : memref<512xf32, #tpu.memory_space<vmem>>, vector<16xf32>,
      %broadcast_in_dim3A_129 = arith.constant 0.000000e+00 : f32
      %broadcast_in_dim3A_130 = vector.broadcast %broadcast_in_dim3A_129 : f32 to vector<16xf32>
      %swap3A_131 = arith.constant 256 : index
      %swap3A_132 = tpu.vector_load %arg13[%swap3A_131] {strides = array<i32>} : memref<512xf32, #tpu.memory_space<vmem>>, vector<16xf32>,
      tpu.vector_store %arg13[%swap3A_131], %broadcast_in_dim3A_130 {strides = array<i32>} : memref<512xf32, #tpu.memory_space<vmem>>, vector<16xf32>,
      %broadcast_in_dim3A_133 = arith.constant 0.000000e+00 : f32
      %broadcast_in_dim3A_134 = vector.broadcast %broadcast_in_dim3A_133 : f32 to vector<16xf32>
      %swap3A_135 = arith.constant 272 : index
      %swap3A_136 = tpu.vector_load %arg13[%swap3A_135] {strides = array<i32>} : memref<512xf32, #tpu.memory_space<vmem>>, vector<16xf32>,
      tpu.vector_store %arg13[%swap3A_135], %broadcast_in_dim3A_134 {strides = array<i32>} : memref<512xf32, #tpu.memory_space<vmem>>, vector<16xf32>,
      %broadcast_in_dim3A_137 = arith.constant 0.000000e+00 : f32
      %broadcast_in_dim3A_138 = vector.broadcast %broadcast_in_dim3A_137 : f32 to vector<16xf32>
      %swap3A_139 = arith.constant 288 : index
      %swap3A_140 = tpu.vector_load %arg13[%swap3A_139] {strides = array<i32>} : memref<512xf32, #tpu.memory_space<vmem>>, vector<16xf32>,
      tpu.vector_store %arg13[%swap3A_139], %broadcast_in_dim3A_138 {strides = array<i32>} : memref<512xf32, #tpu.memory_space<vmem>>, vector<16xf32>,
      %broadcast_in_dim3A_141 = arith.constant 0.000000e+00 : f32
      %broadcast_in_dim3A_142 = vector.broadcast %broadcast_in_dim3A_141 : f32 to vector<16xf32>
      %swap3A_143 = arith.constant 304 : index
      %swap3A_144 = tpu.vector_load %arg13[%swap3A_143] {strides = array<i32>} : memref<512xf32, #tpu.memory_space<vmem>>, vector<16xf32>,
      tpu.vector_store %arg13[%swap3A_143], %broadcast_in_dim3A_142 {strides = array<i32>} : memref<512xf32, #tpu.memory_space<vmem>>, vector<16xf32>,
      %broadcast_in_dim3A_145 = arith.constant 0.000000e+00 : f32
      %broadcast_in_dim3A_146 = vector.broadcast %broadcast_in_dim3A_145 : f32 to vector<16xf32>
      %swap3A_147 = arith.constant 320 : index
      %swap3A_148 = tpu.vector_load %arg13[%swap3A_147] {strides = array<i32>} : memref<512xf32, #tpu.memory_space<vmem>>, vector<16xf32>,
      tpu.vector_store %arg13[%swap3A_147], %broadcast_in_dim3A_146 {strides = array<i32>} : memref<512xf32, #tpu.memory_space<vmem>>, vector<16xf32>,
      %broadcast_in_dim3A_149 = arith.constant 0.000000e+00 : f32
      %broadcast_in_dim3A_150 = vector.broadcast %broadcast_in_dim3A_149 : f32 to vector<16xf32>
      %swap3A_151 = arith.constant 336 : index
      %swap3A_152 = tpu.vector_load %arg13[%swap3A_151] {strides = array<i32>} : memref<512xf32, #tpu.memory_space<vmem>>, vector<16xf32>,
      tpu.vector_store %arg13[%swap3A_151], %broadcast_in_dim3A_150 {strides = array<i32>} : memref<512xf32, #tpu.memory_space<vmem>>, vector<16xf32>,
      %broadcast_in_dim3A_153 = arith.constant 0.000000e+00 : f32
      %broadcast_in_dim3A_154 = vector.broadcast %broadcast_in_dim3A_153 : f32 to vector<16xf32>
      %swap3A_155 = arith.constant 352 : index
      %swap3A_156 = tpu.vector_load %arg13[%swap3A_155] {strides = array<i32>} : memref<512xf32, #tpu.memory_space<vmem>>, vector<16xf32>,
      tpu.vector_store %arg13[%swap3A_155], %broadcast_in_dim3A_154 {strides = array<i32>} : memref<512xf32, #tpu.memory_space<vmem>>, vector<16xf32>,
      %broadcast_in_dim3A_157 = arith.constant 0.000000e+00 : f32
      %broadcast_in_dim3A_158 = vector.broadcast %broadcast_in_dim3A_157 : f32 to vector<16xf32>
      %swap3A_159 = arith.constant 368 : index
      %swap3A_160 = tpu.vector_load %arg13[%swap3A_159] {strides = array<i32>} : memref<512xf32, #tpu.memory_space<vmem>>, vector<16xf32>,
      tpu.vector_store %arg13[%swap3A_159], %broadcast_in_dim3A_158 {strides = array<i32>} : memref<512xf32, #tpu.memory_space<vmem>>, vector<16xf32>,
      %broadcast_in_dim3A_161 = arith.constant 0.000000e+00 : f32
      %broadcast_in_dim3A_162 = vector.broadcast %broadcast_in_dim3A_161 : f32 to vector<16xf32>
      %swap3A_163 = arith.constant 384 : index
      %swap3A_164 = tpu.vector_load %arg13[%swap3A_163] {strides = array<i32>} : memref<512xf32, #tpu.memory_space<vmem>>, vector<16xf32>,
      tpu.vector_store %arg13[%swap3A_163], %broadcast_in_dim3A_162 {strides = array<i32>} : memref<512xf32, #tpu.memory_space<vmem>>, vector<16xf32>,
      %broadcast_in_dim3A_165 = arith.constant 0.000000e+00 : f32
      %broadcast_in_dim3A_166 = vector.broadcast %broadcast_in_dim3A_165 : f32 to vector<16xf32>
      %swap3A_167 = arith.constant 400 : index
      %swap3A_168 = tpu.vector_load %arg13[%swap3A_167] {strides = array<i32>} : memref<512xf32, #tpu.memory_space<vmem>>, vector<16xf32>,
      tpu.vector_store %arg13[%swap3A_167], %broadcast_in_dim3A_166 {strides = array<i32>} : memref<512xf32, #tpu.memory_space<vmem>>, vector<16xf32>,
      %broadcast_in_dim3A_169 = arith.constant 0.000000e+00 : f32
      %broadcast_in_dim3A_170 = vector.broadcast %broadcast_in_dim3A_169 : f32 to vector<16xf32>
      %swap3A_171 = arith.constant 416 : index
      %swap3A_172 = tpu.vector_load %arg13[%swap3A_171] {strides = array<i32>} : memref<512xf32, #tpu.memory_space<vmem>>, vector<16xf32>,
      tpu.vector_store %arg13[%swap3A_171], %broadcast_in_dim3A_170 {strides = array<i32>} : memref<512xf32, #tpu.memory_space<vmem>>, vector<16xf32>,
      %broadcast_in_dim3A_173 = arith.constant 0.000000e+00 : f32
      %broadcast_in_dim3A_174 = vector.broadcast %broadcast_in_dim3A_173 : f32 to vector<16xf32>
      %swap3A_175 = arith.constant 432 : index
      %swap3A_176 = tpu.vector_load %arg13[%swap3A_175] {strides = array<i32>} : memref<512xf32, #tpu.memory_space<vmem>>, vector<16xf32>,
      tpu.vector_store %arg13[%swap3A_175], %broadcast_in_dim3A_174 {strides = array<i32>} : memref<512xf32, #tpu.memory_space<vmem>>, vector<16xf32>,
      %broadcast_in_dim3A_177 = arith.constant 0.000000e+00 : f32
      %broadcast_in_dim3A_178 = vector.broadcast %broadcast_in_dim3A_177 : f32 to vector<16xf32>
      %swap3A_179 = arith.constant 448 : index
      %swap3A_180 = tpu.vector_load %arg13[%swap3A_179] {strides = array<i32>} : memref<512xf32, #tpu.memory_space<vmem>>, vector<16xf32>,
      tpu.vector_store %arg13[%swap3A_179], %broadcast_in_dim3A_178 {strides = array<i32>} : memref<512xf32, #tpu.memory_space<vmem>>, vector<16xf32>,
      %broadcast_in_dim3A_181 = arith.constant 0.000000e+00 : f32
      %broadcast_in_dim3A_182 = vector.broadcast %broadcast_in_dim3A_181 : f32 to vector<16xf32>
      %swap3A_183 = arith.constant 464 : index
      %swap3A_184 = tpu.vector_load %arg13[%swap3A_183] {strides = array<i32>} : memref<512xf32, #tpu.memory_space<vmem>>, vector<16xf32>,
      tpu.vector_store %arg13[%swap3A_183], %broadcast_in_dim3A_182 {strides = array<i32>} : memref<512xf32, #tpu.memory_space<vmem>>, vector<16xf32>,
      %broadcast_in_dim3A_185 = arith.constant 0.000000e+00 : f32
      %broadcast_in_dim3A_186 = vector.broadcast %broadcast_in_dim3A_185 : f32 to vector<16xf32>
      %swap3A_187 = arith.constant 480 : index
      %swap3A_188 = tpu.vector_load %arg13[%swap3A_187] {strides = array<i32>} : memref<512xf32, #tpu.memory_space<vmem>>, vector<16xf32>,
      tpu.vector_store %arg13[%swap3A_187], %broadcast_in_dim3A_186 {strides = array<i32>} : memref<512xf32, #tpu.memory_space<vmem>>, vector<16xf32>,
      %broadcast_in_dim3A_189 = arith.constant 0.000000e+00 : f32
      %broadcast_in_dim3A_190 = vector.broadcast %broadcast_in_dim3A_189 : f32 to vector<16xf32>
      %swap3A_191 = arith.constant 496 : index
      %swap3A_192 = tpu.vector_load %arg13[%swap3A_191] {strides = array<i32>} : memref<512xf32, #tpu.memory_space<vmem>>, vector<16xf32>,
      tpu.vector_store %arg13[%swap3A_191], %broadcast_in_dim3A_190 {strides = array<i32>} : memref<512xf32, #tpu.memory_space<vmem>>, vector<16xf32>,
      %scan3A = arith.constant 0 : i32
      %scan3A_193 = arith.constant 0 : i32
      %scan3A_194 = arith.constant 79 : i32
      %scan3A_195 = arith.addi %scan3A_193, %scan3A_194 : i32
      %scan3A_196 = arith.constant 1 : i32
      %scan3A_197 = scf.for %scan3A_1098 = %scan3A_193 to %scan3A_195 step %scan3A_196 iter_args(%scan3A_1099 = %scan3A) -> (i32)  : i32 {
        %mul3A = arith.constant 256 : i32
        %mul3A_1100 = arith.muli %scan3A_1098, %mul3A : i32
        %multiple_of3A = tpu.assume_multiple %mul3A_1100, 256 : i32
        %broadcast_in_dim3A_1101 = arith.constant 0xFF800000 : f32
        %broadcast_in_dim3A_1102 = vector.broadcast %broadcast_in_dim3A_1101 : f32 to vector<16xf32>
        %add3A = arith.constant 0 : i32
        %add3A_1103 = arith.addi %multiple_of3A, %add3A : i32
        %get3A_1104 = arith.index_cast %add3A_1103 : i32 to index
        %get3A_1105 = tpu.vector_load %arg6[%get3A_1104] {strides = array<i32>} : memref<20224xf32, #tpu.memory_space<vmem>>, vector<16xf32>,
        %reduce_max3A_1106 = arith.constant true
        %reduce_max3A_1107 = vector.broadcast %reduce_max3A_1106 : i1 to vector<16xi1>
        %reduce_max3A_1108 = tpu.scan <max>, %get3A_1105 masked %reduce_max3A_1107 : vector<16xf32>, vector<16xi1> -> vector<16xf32>
        %reduce_max3A_1109 = vector.extract %reduce_max3A_1108[15] : f32 from vector<16xf32>
        %eq3A_1110 = arith.constant 0 : i32
        %eq3A_1111 = vector.broadcast %eq3A_1110 : i32 to vector<16xi32>
        %eq3A_1112 = arith.cmpi eq, %iota3A, %eq3A_1111 : vector<16xi32>
        %broadcast_in_dim3A_1113 = vector.broadcast %reduce_max3A_1109 : f32 to vector<16xf32>
        %select_n3A_1114 = arith.select %eq3A_1112, %broadcast_in_dim3A_1113, %broadcast_in_dim3A_1102 : vector<16xi1>, vector<16xf32>
        %add3A_1115 = arith.constant 16 : i32
        %add3A_1116 = arith.addi %multiple_of3A, %add3A_1115 : i32
        %get3A_1117 = arith.index_cast %add3A_1116 : i32 to index
        %get3A_1118 = tpu.vector_load %arg6[%get3A_1117] {strides = array<i32>} : memref<20224xf32, #tpu.memory_space<vmem>>, vector<16xf32>,
        %reduce_max3A_1119 = arith.constant true
        %reduce_max3A_1120 = vector.broadcast %reduce_max3A_1119 : i1 to vector<16xi1>
        %reduce_max3A_1121 = tpu.scan <max>, %get3A_1118 masked %reduce_max3A_1120 : vector<16xf32>, vector<16xi1> -> vector<16xf32>
        %reduce_max3A_1122 = vector.extract %reduce_max3A_1121[15] : f32 from vector<16xf32>
        %eq3A_1123 = arith.constant 1 : i32
        %eq3A_1124 = vector.broadcast %eq3A_1123 : i32 to vector<16xi32>
        %eq3A_1125 = arith.cmpi eq, %iota3A, %eq3A_1124 : vector<16xi32>
        %broadcast_in_dim3A_1126 = vector.broadcast %reduce_max3A_1122 : f32 to vector<16xf32>
        %select_n3A_1127 = arith.select %eq3A_1125, %broadcast_in_dim3A_1126, %select_n3A_1114 : vector<16xi1>, vector<16xf32>
        %add3A_1128 = arith.constant 32 : i32
        %add3A_1129 = arith.addi %multiple_of3A, %add3A_1128 : i32
        %get3A_1130 = arith.index_cast %add3A_1129 : i32 to index
        %get3A_1131 = tpu.vector_load %arg6[%get3A_1130] {strides = array<i32>} : memref<20224xf32, #tpu.memory_space<vmem>>, vector<16xf32>,
        %reduce_max3A_1132 = arith.constant true
        %reduce_max3A_1133 = vector.broadcast %reduce_max3A_1132 : i1 to vector<16xi1>
        %reduce_max3A_1134 = tpu.scan <max>, %get3A_1131 masked %reduce_max3A_1133 : vector<16xf32>, vector<16xi1> -> vector<16xf32>
        %reduce_max3A_1135 = vector.extract %reduce_max3A_1134[15] : f32 from vector<16xf32>
        %eq3A_1136 = arith.constant 2 : i32
        %eq3A_1137 = vector.broadcast %eq3A_1136 : i32 to vector<16xi32>
        %eq3A_1138 = arith.cmpi eq, %iota3A, %eq3A_1137 : vector<16xi32>
        %broadcast_in_dim3A_1139 = vector.broadcast %reduce_max3A_1135 : f32 to vector<16xf32>
        %select_n3A_1140 = arith.select %eq3A_1138, %broadcast_in_dim3A_1139, %select_n3A_1127 : vector<16xi1>, vector<16xf32>
        %add3A_1141 = arith.constant 48 : i32
        %add3A_1142 = arith.addi %multiple_of3A, %add3A_1141 : i32
        %get3A_1143 = arith.index_cast %add3A_1142 : i32 to index
        %get3A_1144 = tpu.vector_load %arg6[%get3A_1143] {strides = array<i32>} : memref<20224xf32, #tpu.memory_space<vmem>>, vector<16xf32>,
        %reduce_max3A_1145 = arith.constant true
        %reduce_max3A_1146 = vector.broadcast %reduce_max3A_1145 : i1 to vector<16xi1>
        %reduce_max3A_1147 = tpu.scan <max>, %get3A_1144 masked %reduce_max3A_1146 : vector<16xf32>, vector<16xi1> -> vector<16xf32>
        %reduce_max3A_1148 = vector.extract %reduce_max3A_1147[15] : f32 from vector<16xf32>
        %eq3A_1149 = arith.constant 3 : i32
        %eq3A_1150 = vector.broadcast %eq3A_1149 : i32 to vector<16xi32>
        %eq3A_1151 = arith.cmpi eq, %iota3A, %eq3A_1150 : vector<16xi32>
        %broadcast_in_dim3A_1152 = vector.broadcast %reduce_max3A_1148 : f32 to vector<16xf32>
        %select_n3A_1153 = arith.select %eq3A_1151, %broadcast_in_dim3A_1152, %select_n3A_1140 : vector<16xi1>, vector<16xf32>
        %add3A_1154 = arith.constant 64 : i32
        %add3A_1155 = arith.addi %multiple_of3A, %add3A_1154 : i32
        %get3A_1156 = arith.index_cast %add3A_1155 : i32 to index
        %get3A_1157 = tpu.vector_load %arg6[%get3A_1156] {strides = array<i32>} : memref<20224xf32, #tpu.memory_space<vmem>>, vector<16xf32>,
        %reduce_max3A_1158 = arith.constant true
        %reduce_max3A_1159 = vector.broadcast %reduce_max3A_1158 : i1 to vector<16xi1>
        %reduce_max3A_1160 = tpu.scan <max>, %get3A_1157 masked %reduce_max3A_1159 : vector<16xf32>, vector<16xi1> -> vector<16xf32>
        %reduce_max3A_1161 = vector.extract %reduce_max3A_1160[15] : f32 from vector<16xf32>
        %eq3A_1162 = arith.constant 4 : i32
        %eq3A_1163 = vector.broadcast %eq3A_1162 : i32 to vector<16xi32>
        %eq3A_1164 = arith.cmpi eq, %iota3A, %eq3A_1163 : vector<16xi32>
        %broadcast_in_dim3A_1165 = vector.broadcast %reduce_max3A_1161 : f32 to vector<16xf32>
        %select_n3A_1166 = arith.select %eq3A_1164, %broadcast_in_dim3A_1165, %select_n3A_1153 : vector<16xi1>, vector<16xf32>
        %add3A_1167 = arith.constant 80 : i32
        %add3A_1168 = arith.addi %multiple_of3A, %add3A_1167 : i32
        %get3A_1169 = arith.index_cast %add3A_1168 : i32 to index
        %get3A_1170 = tpu.vector_load %arg6[%get3A_1169] {strides = array<i32>} : memref<20224xf32, #tpu.memory_space<vmem>>, vector<16xf32>,
        %reduce_max3A_1171 = arith.constant true
        %reduce_max3A_1172 = vector.broadcast %reduce_max3A_1171 : i1 to vector<16xi1>
        %reduce_max3A_1173 = tpu.scan <max>, %get3A_1170 masked %reduce_max3A_1172 : vector<16xf32>, vector<16xi1> -> vector<16xf32>
        %reduce_max3A_1174 = vector.extract %reduce_max3A_1173[15] : f32 from vector<16xf32>
        %eq3A_1175 = arith.constant 5 : i32
        %eq3A_1176 = vector.broadcast %eq3A_1175 : i32 to vector<16xi32>
        %eq3A_1177 = arith.cmpi eq, %iota3A, %eq3A_1176 : vector<16xi32>
        %broadcast_in_dim3A_1178 = vector.broadcast %reduce_max3A_1174 : f32 to vector<16xf32>
        %select_n3A_1179 = arith.select %eq3A_1177, %broadcast_in_dim3A_1178, %select_n3A_1166 : vector<16xi1>, vector<16xf32>
        %add3A_1180 = arith.constant 96 : i32
        %add3A_1181 = arith.addi %multiple_of3A, %add3A_1180 : i32
        %get3A_1182 = arith.index_cast %add3A_1181 : i32 to index
        %get3A_1183 = tpu.vector_load %arg6[%get3A_1182] {strides = array<i32>} : memref<20224xf32, #tpu.memory_space<vmem>>, vector<16xf32>,
        %reduce_max3A_1184 = arith.constant true
        %reduce_max3A_1185 = vector.broadcast %reduce_max3A_1184 : i1 to vector<16xi1>
        %reduce_max3A_1186 = tpu.scan <max>, %get3A_1183 masked %reduce_max3A_1185 : vector<16xf32>, vector<16xi1> -> vector<16xf32>
        %reduce_max3A_1187 = vector.extract %reduce_max3A_1186[15] : f32 from vector<16xf32>
        %eq3A_1188 = arith.constant 6 : i32
        %eq3A_1189 = vector.broadcast %eq3A_1188 : i32 to vector<16xi32>
        %eq3A_1190 = arith.cmpi eq, %iota3A, %eq3A_1189 : vector<16xi32>
        %broadcast_in_dim3A_1191 = vector.broadcast %reduce_max3A_1187 : f32 to vector<16xf32>
        %select_n3A_1192 = arith.select %eq3A_1190, %broadcast_in_dim3A_1191, %select_n3A_1179 : vector<16xi1>, vector<16xf32>
        %add3A_1193 = arith.constant 112 : i32
        %add3A_1194 = arith.addi %multiple_of3A, %add3A_1193 : i32
        %get3A_1195 = arith.index_cast %add3A_1194 : i32 to index
        %get3A_1196 = tpu.vector_load %arg6[%get3A_1195] {strides = array<i32>} : memref<20224xf32, #tpu.memory_space<vmem>>, vector<16xf32>,
        %reduce_max3A_1197 = arith.constant true
        %reduce_max3A_1198 = vector.broadcast %reduce_max3A_1197 : i1 to vector<16xi1>
        %reduce_max3A_1199 = tpu.scan <max>, %get3A_1196 masked %reduce_max3A_1198 : vector<16xf32>, vector<16xi1> -> vector<16xf32>
        %reduce_max3A_1200 = vector.extract %reduce_max3A_1199[15] : f32 from vector<16xf32>
        %eq3A_1201 = arith.constant 7 : i32
        %eq3A_1202 = vector.broadcast %eq3A_1201 : i32 to vector<16xi32>
        %eq3A_1203 = arith.cmpi eq, %iota3A, %eq3A_1202 : vector<16xi32>
        %broadcast_in_dim3A_1204 = vector.broadcast %reduce_max3A_1200 : f32 to vector<16xf32>
        %select_n3A_1205 = arith.select %eq3A_1203, %broadcast_in_dim3A_1204, %select_n3A_1192 : vector<16xi1>, vector<16xf32>
        %add3A_1206 = arith.constant 128 : i32
        %add3A_1207 = arith.addi %multiple_of3A, %add3A_1206 : i32
        %get3A_1208 = arith.index_cast %add3A_1207 : i32 to index
        %get3A_1209 = tpu.vector_load %arg6[%get3A_1208] {strides = array<i32>} : memref<20224xf32, #tpu.memory_space<vmem>>, vector<16xf32>,
        %reduce_max3A_1210 = arith.constant true
        %reduce_max3A_1211 = vector.broadcast %reduce_max3A_1210 : i1 to vector<16xi1>
        %reduce_max3A_1212 = tpu.scan <max>, %get3A_1209 masked %reduce_max3A_1211 : vector<16xf32>, vector<16xi1> -> vector<16xf32>
        %reduce_max3A_1213 = vector.extract %reduce_max3A_1212[15] : f32 from vector<16xf32>
        %eq3A_1214 = arith.constant 8 : i32
        %eq3A_1215 = vector.broadcast %eq3A_1214 : i32 to vector<16xi32>
        %eq3A_1216 = arith.cmpi eq, %iota3A, %eq3A_1215 : vector<16xi32>
        %broadcast_in_dim3A_1217 = vector.broadcast %reduce_max3A_1213 : f32 to vector<16xf32>
        %select_n3A_1218 = arith.select %eq3A_1216, %broadcast_in_dim3A_1217, %select_n3A_1205 : vector<16xi1>, vector<16xf32>
        %add3A_1219 = arith.constant 144 : i32
        %add3A_1220 = arith.addi %multiple_of3A, %add3A_1219 : i32
        %get3A_1221 = arith.index_cast %add3A_1220 : i32 to index
        %get3A_1222 = tpu.vector_load %arg6[%get3A_1221] {strides = array<i32>} : memref<20224xf32, #tpu.memory_space<vmem>>, vector<16xf32>,
        %reduce_max3A_1223 = arith.constant true
        %reduce_max3A_1224 = vector.broadcast %reduce_max3A_1223 : i1 to vector<16xi1>
        %reduce_max3A_1225 = tpu.scan <max>, %get3A_1222 masked %reduce_max3A_1224 : vector<16xf32>, vector<16xi1> -> vector<16xf32>
        %reduce_max3A_1226 = vector.extract %reduce_max3A_1225[15] : f32 from vector<16xf32>
        %eq3A_1227 = arith.constant 9 : i32
        %eq3A_1228 = vector.broadcast %eq3A_1227 : i32 to vector<16xi32>
        %eq3A_1229 = arith.cmpi eq, %iota3A, %eq3A_1228 : vector<16xi32>
        %broadcast_in_dim3A_1230 = vector.broadcast %reduce_max3A_1226 : f32 to vector<16xf32>
        %select_n3A_1231 = arith.select %eq3A_1229, %broadcast_in_dim3A_1230, %select_n3A_1218 : vector<16xi1>, vector<16xf32>
        %add3A_1232 = arith.constant 160 : i32
        %add3A_1233 = arith.addi %multiple_of3A, %add3A_1232 : i32
        %get3A_1234 = arith.index_cast %add3A_1233 : i32 to index
        %get3A_1235 = tpu.vector_load %arg6[%get3A_1234] {strides = array<i32>} : memref<20224xf32, #tpu.memory_space<vmem>>, vector<16xf32>,
        %reduce_max3A_1236 = arith.constant true
        %reduce_max3A_1237 = vector.broadcast %reduce_max3A_1236 : i1 to vector<16xi1>
        %reduce_max3A_1238 = tpu.scan <max>, %get3A_1235 masked %reduce_max3A_1237 : vector<16xf32>, vector<16xi1> -> vector<16xf32>
        %reduce_max3A_1239 = vector.extract %reduce_max3A_1238[15] : f32 from vector<16xf32>
        %eq3A_1240 = arith.constant 10 : i32
        %eq3A_1241 = vector.broadcast %eq3A_1240 : i32 to vector<16xi32>
        %eq3A_1242 = arith.cmpi eq, %iota3A, %eq3A_1241 : vector<16xi32>
        %broadcast_in_dim3A_1243 = vector.broadcast %reduce_max3A_1239 : f32 to vector<16xf32>
        %select_n3A_1244 = arith.select %eq3A_1242, %broadcast_in_dim3A_1243, %select_n3A_1231 : vector<16xi1>, vector<16xf32>
        %add3A_1245 = arith.constant 176 : i32
        %add3A_1246 = arith.addi %multiple_of3A, %add3A_1245 : i32
        %get3A_1247 = arith.index_cast %add3A_1246 : i32 to index
        %get3A_1248 = tpu.vector_load %arg6[%get3A_1247] {strides = array<i32>} : memref<20224xf32, #tpu.memory_space<vmem>>, vector<16xf32>,
        %reduce_max3A_1249 = arith.constant true
        %reduce_max3A_1250 = vector.broadcast %reduce_max3A_1249 : i1 to vector<16xi1>
        %reduce_max3A_1251 = tpu.scan <max>, %get3A_1248 masked %reduce_max3A_1250 : vector<16xf32>, vector<16xi1> -> vector<16xf32>
        %reduce_max3A_1252 = vector.extract %reduce_max3A_1251[15] : f32 from vector<16xf32>
        %eq3A_1253 = arith.constant 11 : i32
        %eq3A_1254 = vector.broadcast %eq3A_1253 : i32 to vector<16xi32>
        %eq3A_1255 = arith.cmpi eq, %iota3A, %eq3A_1254 : vector<16xi32>
        %broadcast_in_dim3A_1256 = vector.broadcast %reduce_max3A_1252 : f32 to vector<16xf32>
        %select_n3A_1257 = arith.select %eq3A_1255, %broadcast_in_dim3A_1256, %select_n3A_1244 : vector<16xi1>, vector<16xf32>
        %add3A_1258 = arith.constant 192 : i32
        %add3A_1259 = arith.addi %multiple_of3A, %add3A_1258 : i32
        %get3A_1260 = arith.index_cast %add3A_1259 : i32 to index
        %get3A_1261 = tpu.vector_load %arg6[%get3A_1260] {strides = array<i32>} : memref<20224xf32, #tpu.memory_space<vmem>>, vector<16xf32>,
        %reduce_max3A_1262 = arith.constant true
        %reduce_max3A_1263 = vector.broadcast %reduce_max3A_1262 : i1 to vector<16xi1>
        %reduce_max3A_1264 = tpu.scan <max>, %get3A_1261 masked %reduce_max3A_1263 : vector<16xf32>, vector<16xi1> -> vector<16xf32>
        %reduce_max3A_1265 = vector.extract %reduce_max3A_1264[15] : f32 from vector<16xf32>
        %eq3A_1266 = arith.constant 12 : i32
        %eq3A_1267 = vector.broadcast %eq3A_1266 : i32 to vector<16xi32>
        %eq3A_1268 = arith.cmpi eq, %iota3A, %eq3A_1267 : vector<16xi32>
        %broadcast_in_dim3A_1269 = vector.broadcast %reduce_max3A_1265 : f32 to vector<16xf32>
        %select_n3A_1270 = arith.select %eq3A_1268, %broadcast_in_dim3A_1269, %select_n3A_1257 : vector<16xi1>, vector<16xf32>
        %add3A_1271 = arith.constant 208 : i32
        %add3A_1272 = arith.addi %multiple_of3A, %add3A_1271 : i32
        %get3A_1273 = arith.index_cast %add3A_1272 : i32 to index
        %get3A_1274 = tpu.vector_load %arg6[%get3A_1273] {strides = array<i32>} : memref<20224xf32, #tpu.memory_space<vmem>>, vector<16xf32>,
        %reduce_max3A_1275 = arith.constant true
        %reduce_max3A_1276 = vector.broadcast %reduce_max3A_1275 : i1 to vector<16xi1>
        %reduce_max3A_1277 = tpu.scan <max>, %get3A_1274 masked %reduce_max3A_1276 : vector<16xf32>, vector<16xi1> -> vector<16xf32>
        %reduce_max3A_1278 = vector.extract %reduce_max3A_1277[15] : f32 from vector<16xf32>
        %eq3A_1279 = arith.constant 13 : i32
        %eq3A_1280 = vector.broadcast %eq3A_1279 : i32 to vector<16xi32>
        %eq3A_1281 = arith.cmpi eq, %iota3A, %eq3A_1280 : vector<16xi32>
        %broadcast_in_dim3A_1282 = vector.broadcast %reduce_max3A_1278 : f32 to vector<16xf32>
        %select_n3A_1283 = arith.select %eq3A_1281, %broadcast_in_dim3A_1282, %select_n3A_1270 : vector<16xi1>, vector<16xf32>
        %add3A_1284 = arith.constant 224 : i32
        %add3A_1285 = arith.addi %multiple_of3A, %add3A_1284 : i32
        %get3A_1286 = arith.index_cast %add3A_1285 : i32 to index
        %get3A_1287 = tpu.vector_load %arg6[%get3A_1286] {strides = array<i32>} : memref<20224xf32, #tpu.memory_space<vmem>>, vector<16xf32>,
        %reduce_max3A_1288 = arith.constant true
        %reduce_max3A_1289 = vector.broadcast %reduce_max3A_1288 : i1 to vector<16xi1>
        %reduce_max3A_1290 = tpu.scan <max>, %get3A_1287 masked %reduce_max3A_1289 : vector<16xf32>, vector<16xi1> -> vector<16xf32>
        %reduce_max3A_1291 = vector.extract %reduce_max3A_1290[15] : f32 from vector<16xf32>
        %eq3A_1292 = arith.constant 14 : i32
        %eq3A_1293 = vector.broadcast %eq3A_1292 : i32 to vector<16xi32>
        %eq3A_1294 = arith.cmpi eq, %iota3A, %eq3A_1293 : vector<16xi32>
        %broadcast_in_dim3A_1295 = vector.broadcast %reduce_max3A_1291 : f32 to vector<16xf32>
        %select_n3A_1296 = arith.select %eq3A_1294, %broadcast_in_dim3A_1295, %select_n3A_1283 : vector<16xi1>, vector<16xf32>
        %add3A_1297 = arith.constant 240 : i32
        %add3A_1298 = arith.addi %multiple_of3A, %add3A_1297 : i32
        %get3A_1299 = arith.index_cast %add3A_1298 : i32 to index
        %get3A_1300 = tpu.vector_load %arg6[%get3A_1299] {strides = array<i32>} : memref<20224xf32, #tpu.memory_space<vmem>>, vector<16xf32>,
        %reduce_max3A_1301 = arith.constant true
        %reduce_max3A_1302 = vector.broadcast %reduce_max3A_1301 : i1 to vector<16xi1>
        %reduce_max3A_1303 = tpu.scan <max>, %get3A_1300 masked %reduce_max3A_1302 : vector<16xf32>, vector<16xi1> -> vector<16xf32>
        %reduce_max3A_1304 = vector.extract %reduce_max3A_1303[15] : f32 from vector<16xf32>
        %eq3A_1305 = arith.constant 15 : i32
        %eq3A_1306 = vector.broadcast %eq3A_1305 : i32 to vector<16xi32>
        %eq3A_1307 = arith.cmpi eq, %iota3A, %eq3A_1306 : vector<16xi32>
        %broadcast_in_dim3A_1308 = vector.broadcast %reduce_max3A_1304 : f32 to vector<16xf32>
        %select_n3A_1309 = arith.select %eq3A_1307, %broadcast_in_dim3A_1308, %select_n3A_1296 : vector<16xi1>, vector<16xf32>
        %mul3A_1310 = arith.constant 16 : i32
        %mul3A_1311 = arith.muli %scan3A_1098, %mul3A_1310 : i32
        %multiple_of3A_1312 = tpu.assume_multiple %mul3A_1311, 16 : i32
        %swap3A_1313 = arith.index_cast %multiple_of3A_1312 : i32 to index
        %swap3A_1314 = tpu.vector_load %arg7[%swap3A_1313] {strides = array<i32>} : memref<1280xf32, #tpu.memory_space<vmem>>, vector<16xf32>,
        tpu.vector_store %arg7[%swap3A_1313], %select_n3A_1309 {strides = array<i32>} : memref<1280xf32, #tpu.memory_space<vmem>>, vector<16xf32>,
        %scan3A_1315 = arith.constant 0 : i32
        scf.yield %scan3A_1315 : i32
      }
      %scan3A_198 = arith.constant 79 : i32
      %broadcast_in_dim3A_199 = arith.constant 0xFF800000 : f32
      %broadcast_in_dim3A_200 = vector.broadcast %broadcast_in_dim3A_199 : f32 to vector<16xf32>
      %get3A = arith.constant 0 : index
      %get3A_201 = tpu.vector_load %arg7[%get3A] {strides = array<i32>} : memref<1280xf32, #tpu.memory_space<vmem>>, vector<16xf32>,
      %reduce_max3A = arith.constant true
      %reduce_max3A_202 = vector.broadcast %reduce_max3A : i1 to vector<16xi1>
      %reduce_max3A_203 = tpu.scan <max>, %get3A_201 masked %reduce_max3A_202 : vector<16xf32>, vector<16xi1> -> vector<16xf32>
      %reduce_max3A_204 = vector.extract %reduce_max3A_203[15] : f32 from vector<16xf32>
      %eq3A_205 = arith.constant 0 : i32
      %eq3A_206 = vector.broadcast %eq3A_205 : i32 to vector<16xi32>
      %eq3A_207 = arith.cmpi eq, %iota3A, %eq3A_206 : vector<16xi32>
      %broadcast_in_dim3A_208 = vector.broadcast %reduce_max3A_204 : f32 to vector<16xf32>
      %select_n3A = arith.select %eq3A_207, %broadcast_in_dim3A_208, %broadcast_in_dim3A_200 : vector<16xi1>, vector<16xf32>
      %get3A_209 = arith.constant 16 : index
      %get3A_210 = tpu.vector_load %arg7[%get3A_209] {strides = array<i32>} : memref<1280xf32, #tpu.memory_space<vmem>>, vector<16xf32>,
      %reduce_max3A_211 = arith.constant true
      %reduce_max3A_212 = vector.broadcast %reduce_max3A_211 : i1 to vector<16xi1>
      %reduce_max3A_213 = tpu.scan <max>, %get3A_210 masked %reduce_max3A_212 : vector<16xf32>, vector<16xi1> -> vector<16xf32>
      %reduce_max3A_214 = vector.extract %reduce_max3A_213[15] : f32 from vector<16xf32>
      %eq3A_215 = arith.constant 1 : i32
      %eq3A_216 = vector.broadcast %eq3A_215 : i32 to vector<16xi32>
      %eq3A_217 = arith.cmpi eq, %iota3A, %eq3A_216 : vector<16xi32>
      %broadcast_in_dim3A_218 = vector.broadcast %reduce_max3A_214 : f32 to vector<16xf32>
      %select_n3A_219 = arith.select %eq3A_217, %broadcast_in_dim3A_218, %select_n3A : vector<16xi1>, vector<16xf32>
      %get3A_220 = arith.constant 32 : index
      %get3A_221 = tpu.vector_load %arg7[%get3A_220] {strides = array<i32>} : memref<1280xf32, #tpu.memory_space<vmem>>, vector<16xf32>,
      %reduce_max3A_222 = arith.constant true
      %reduce_max3A_223 = vector.broadcast %reduce_max3A_222 : i1 to vector<16xi1>
      %reduce_max3A_224 = tpu.scan <max>, %get3A_221 masked %reduce_max3A_223 : vector<16xf32>, vector<16xi1> -> vector<16xf32>
      %reduce_max3A_225 = vector.extract %reduce_max3A_224[15] : f32 from vector<16xf32>
      %eq3A_226 = arith.constant 2 : i32
      %eq3A_227 = vector.broadcast %eq3A_226 : i32 to vector<16xi32>
      %eq3A_228 = arith.cmpi eq, %iota3A, %eq3A_227 : vector<16xi32>
      %broadcast_in_dim3A_229 = vector.broadcast %reduce_max3A_225 : f32 to vector<16xf32>
      %select_n3A_230 = arith.select %eq3A_228, %broadcast_in_dim3A_229, %select_n3A_219 : vector<16xi1>, vector<16xf32>
      %get3A_231 = arith.constant 48 : index
      %get3A_232 = tpu.vector_load %arg7[%get3A_231] {strides = array<i32>} : memref<1280xf32, #tpu.memory_space<vmem>>, vector<16xf32>,
      %reduce_max3A_233 = arith.constant true
      %reduce_max3A_234 = vector.broadcast %reduce_max3A_233 : i1 to vector<16xi1>
      %reduce_max3A_235 = tpu.scan <max>, %get3A_232 masked %reduce_max3A_234 : vector<16xf32>, vector<16xi1> -> vector<16xf32>
      %reduce_max3A_236 = vector.extract %reduce_max3A_235[15] : f32 from vector<16xf32>
      %eq3A_237 = arith.constant 3 : i32
      %eq3A_238 = vector.broadcast %eq3A_237 : i32 to vector<16xi32>
      %eq3A_239 = arith.cmpi eq, %iota3A, %eq3A_238 : vector<16xi32>
      %broadcast_in_dim3A_240 = vector.broadcast %reduce_max3A_236 : f32 to vector<16xf32>
      %select_n3A_241 = arith.select %eq3A_239, %broadcast_in_dim3A_240, %select_n3A_230 : vector<16xi1>, vector<16xf32>
      %get3A_242 = arith.constant 64 : index
      %get3A_243 = tpu.vector_load %arg7[%get3A_242] {strides = array<i32>} : memref<1280xf32, #tpu.memory_space<vmem>>, vector<16xf32>,
      %reduce_max3A_244 = arith.constant true
      %reduce_max3A_245 = vector.broadcast %reduce_max3A_244 : i1 to vector<16xi1>
      %reduce_max3A_246 = tpu.scan <max>, %get3A_243 masked %reduce_max3A_245 : vector<16xf32>, vector<16xi1> -> vector<16xf32>
      %reduce_max3A_247 = vector.extract %reduce_max3A_246[15] : f32 from vector<16xf32>
      %eq3A_248 = arith.constant 4 : i32
      %eq3A_249 = vector.broadcast %eq3A_248 : i32 to vector<16xi32>
      %eq3A_250 = arith.cmpi eq, %iota3A, %eq3A_249 : vector<16xi32>
      %broadcast_in_dim3A_251 = vector.broadcast %reduce_max3A_247 : f32 to vector<16xf32>
      %select_n3A_252 = arith.select %eq3A_250, %broadcast_in_dim3A_251, %select_n3A_241 : vector<16xi1>, vector<16xf32>
      %get3A_253 = arith.constant 80 : index
      %get3A_254 = tpu.vector_load %arg7[%get3A_253] {strides = array<i32>} : memref<1280xf32, #tpu.memory_space<vmem>>, vector<16xf32>,
      %reduce_max3A_255 = arith.constant true
      %reduce_max3A_256 = vector.broadcast %reduce_max3A_255 : i1 to vector<16xi1>
      %reduce_max3A_257 = tpu.scan <max>, %get3A_254 masked %reduce_max3A_256 : vector<16xf32>, vector<16xi1> -> vector<16xf32>
      %reduce_max3A_258 = vector.extract %reduce_max3A_257[15] : f32 from vector<16xf32>
      %eq3A_259 = arith.constant 5 : i32
      %eq3A_260 = vector.broadcast %eq3A_259 : i32 to vector<16xi32>
      %eq3A_261 = arith.cmpi eq, %iota3A, %eq3A_260 : vector<16xi32>
      %broadcast_in_dim3A_262 = vector.broadcast %reduce_max3A_258 : f32 to vector<16xf32>
      %select_n3A_263 = arith.select %eq3A_261, %broadcast_in_dim3A_262, %select_n3A_252 : vector<16xi1>, vector<16xf32>
      %get3A_264 = arith.constant 96 : index
      %get3A_265 = tpu.vector_load %arg7[%get3A_264] {strides = array<i32>} : memref<1280xf32, #tpu.memory_space<vmem>>, vector<16xf32>,
      %reduce_max3A_266 = arith.constant true
      %reduce_max3A_267 = vector.broadcast %reduce_max3A_266 : i1 to vector<16xi1>
      %reduce_max3A_268 = tpu.scan <max>, %get3A_265 masked %reduce_max3A_267 : vector<16xf32>, vector<16xi1> -> vector<16xf32>
      %reduce_max3A_269 = vector.extract %reduce_max3A_268[15] : f32 from vector<16xf32>
      %eq3A_270 = arith.constant 6 : i32
      %eq3A_271 = vector.broadcast %eq3A_270 : i32 to vector<16xi32>
      %eq3A_272 = arith.cmpi eq, %iota3A, %eq3A_271 : vector<16xi32>
      %broadcast_in_dim3A_273 = vector.broadcast %reduce_max3A_269 : f32 to vector<16xf32>
      %select_n3A_274 = arith.select %eq3A_272, %broadcast_in_dim3A_273, %select_n3A_263 : vector<16xi1>, vector<16xf32>
      %get3A_275 = arith.constant 112 : index
      %get3A_276 = tpu.vector_load %arg7[%get3A_275] {strides = array<i32>} : memref<1280xf32, #tpu.memory_space<vmem>>, vector<16xf32>,
      %reduce_max3A_277 = arith.constant true
      %reduce_max3A_278 = vector.broadcast %reduce_max3A_277 : i1 to vector<16xi1>
      %reduce_max3A_279 = tpu.scan <max>, %get3A_276 masked %reduce_max3A_278 : vector<16xf32>, vector<16xi1> -> vector<16xf32>
      %reduce_max3A_280 = vector.extract %reduce_max3A_279[15] : f32 from vector<16xf32>
      %eq3A_281 = arith.constant 7 : i32
      %eq3A_282 = vector.broadcast %eq3A_281 : i32 to vector<16xi32>
      %eq3A_283 = arith.cmpi eq, %iota3A, %eq3A_282 : vector<16xi32>
      %broadcast_in_dim3A_284 = vector.broadcast %reduce_max3A_280 : f32 to vector<16xf32>
      %select_n3A_285 = arith.select %eq3A_283, %broadcast_in_dim3A_284, %select_n3A_274 : vector<16xi1>, vector<16xf32>
      %get3A_286 = arith.constant 128 : index
      %get3A_287 = tpu.vector_load %arg7[%get3A_286] {strides = array<i32>} : memref<1280xf32, #tpu.memory_space<vmem>>, vector<16xf32>,
      %reduce_max3A_288 = arith.constant true
      %reduce_max3A_289 = vector.broadcast %reduce_max3A_288 : i1 to vector<16xi1>
      %reduce_max3A_290 = tpu.scan <max>, %get3A_287 masked %reduce_max3A_289 : vector<16xf32>, vector<16xi1> -> vector<16xf32>
      %reduce_max3A_291 = vector.extract %reduce_max3A_290[15] : f32 from vector<16xf32>
      %eq3A_292 = arith.constant 8 : i32
      %eq3A_293 = vector.broadcast %eq3A_292 : i32 to vector<16xi32>
      %eq3A_294 = arith.cmpi eq, %iota3A, %eq3A_293 : vector<16xi32>
      %broadcast_in_dim3A_295 = vector.broadcast %reduce_max3A_291 : f32 to vector<16xf32>
      %select_n3A_296 = arith.select %eq3A_294, %broadcast_in_dim3A_295, %select_n3A_285 : vector<16xi1>, vector<16xf32>
      %get3A_297 = arith.constant 144 : index
      %get3A_298 = tpu.vector_load %arg7[%get3A_297] {strides = array<i32>} : memref<1280xf32, #tpu.memory_space<vmem>>, vector<16xf32>,
      %reduce_max3A_299 = arith.constant true
      %reduce_max3A_300 = vector.broadcast %reduce_max3A_299 : i1 to vector<16xi1>
      %reduce_max3A_301 = tpu.scan <max>, %get3A_298 masked %reduce_max3A_300 : vector<16xf32>, vector<16xi1> -> vector<16xf32>
      %reduce_max3A_302 = vector.extract %reduce_max3A_301[15] : f32 from vector<16xf32>
      %eq3A_303 = arith.constant 9 : i32
      %eq3A_304 = vector.broadcast %eq3A_303 : i32 to vector<16xi32>
      %eq3A_305 = arith.cmpi eq, %iota3A, %eq3A_304 : vector<16xi32>
      %broadcast_in_dim3A_306 = vector.broadcast %reduce_max3A_302 : f32 to vector<16xf32>
      %select_n3A_307 = arith.select %eq3A_305, %broadcast_in_dim3A_306, %select_n3A_296 : vector<16xi1>, vector<16xf32>
      %get3A_308 = arith.constant 160 : index
      %get3A_309 = tpu.vector_load %arg7[%get3A_308] {strides = array<i32>} : memref<1280xf32, #tpu.memory_space<vmem>>, vector<16xf32>,
      %reduce_max3A_310 = arith.constant true
      %reduce_max3A_311 = vector.broadcast %reduce_max3A_310 : i1 to vector<16xi1>
      %reduce_max3A_312 = tpu.scan <max>, %get3A_309 masked %reduce_max3A_311 : vector<16xf32>, vector<16xi1> -> vector<16xf32>
      %reduce_max3A_313 = vector.extract %reduce_max3A_312[15] : f32 from vector<16xf32>
      %eq3A_314 = arith.constant 10 : i32
      %eq3A_315 = vector.broadcast %eq3A_314 : i32 to vector<16xi32>
      %eq3A_316 = arith.cmpi eq, %iota3A, %eq3A_315 : vector<16xi32>
      %broadcast_in_dim3A_317 = vector.broadcast %reduce_max3A_313 : f32 to vector<16xf32>
      %select_n3A_318 = arith.select %eq3A_316, %broadcast_in_dim3A_317, %select_n3A_307 : vector<16xi1>, vector<16xf32>
      %get3A_319 = arith.constant 176 : index
      %get3A_320 = tpu.vector_load %arg7[%get3A_319] {strides = array<i32>} : memref<1280xf32, #tpu.memory_space<vmem>>, vector<16xf32>,
      %reduce_max3A_321 = arith.constant true
      %reduce_max3A_322 = vector.broadcast %reduce_max3A_321 : i1 to vector<16xi1>
      %reduce_max3A_323 = tpu.scan <max>, %get3A_320 masked %reduce_max3A_322 : vector<16xf32>, vector<16xi1> -> vector<16xf32>
      %reduce_max3A_324 = vector.extract %reduce_max3A_323[15] : f32 from vector<16xf32>
      %eq3A_325 = arith.constant 11 : i32
      %eq3A_326 = vector.broadcast %eq3A_325 : i32 to vector<16xi32>
      %eq3A_327 = arith.cmpi eq, %iota3A, %eq3A_326 : vector<16xi32>
      %broadcast_in_dim3A_328 = vector.broadcast %reduce_max3A_324 : f32 to vector<16xf32>
      %select_n3A_329 = arith.select %eq3A_327, %broadcast_in_dim3A_328, %select_n3A_318 : vector<16xi1>, vector<16xf32>
      %get3A_330 = arith.constant 192 : index
      %get3A_331 = tpu.vector_load %arg7[%get3A_330] {strides = array<i32>} : memref<1280xf32, #tpu.memory_space<vmem>>, vector<16xf32>,
      %reduce_max3A_332 = arith.constant true
      %reduce_max3A_333 = vector.broadcast %reduce_max3A_332 : i1 to vector<16xi1>
      %reduce_max3A_334 = tpu.scan <max>, %get3A_331 masked %reduce_max3A_333 : vector<16xf32>, vector<16xi1> -> vector<16xf32>
      %reduce_max3A_335 = vector.extract %reduce_max3A_334[15] : f32 from vector<16xf32>
      %eq3A_336 = arith.constant 12 : i32
      %eq3A_337 = vector.broadcast %eq3A_336 : i32 to vector<16xi32>
      %eq3A_338 = arith.cmpi eq, %iota3A, %eq3A_337 : vector<16xi32>
      %broadcast_in_dim3A_339 = vector.broadcast %reduce_max3A_335 : f32 to vector<16xf32>
      %select_n3A_340 = arith.select %eq3A_338, %broadcast_in_dim3A_339, %select_n3A_329 : vector<16xi1>, vector<16xf32>
      %get3A_341 = arith.constant 208 : index
      %get3A_342 = tpu.vector_load %arg7[%get3A_341] {strides = array<i32>} : memref<1280xf32, #tpu.memory_space<vmem>>, vector<16xf32>,
      %reduce_max3A_343 = arith.constant true
      %reduce_max3A_344 = vector.broadcast %reduce_max3A_343 : i1 to vector<16xi1>
      %reduce_max3A_345 = tpu.scan <max>, %get3A_342 masked %reduce_max3A_344 : vector<16xf32>, vector<16xi1> -> vector<16xf32>
      %reduce_max3A_346 = vector.extract %reduce_max3A_345[15] : f32 from vector<16xf32>
      %eq3A_347 = arith.constant 13 : i32
      %eq3A_348 = vector.broadcast %eq3A_347 : i32 to vector<16xi32>
      %eq3A_349 = arith.cmpi eq, %iota3A, %eq3A_348 : vector<16xi32>
      %broadcast_in_dim3A_350 = vector.broadcast %reduce_max3A_346 : f32 to vector<16xf32>
      %select_n3A_351 = arith.select %eq3A_349, %broadcast_in_dim3A_350, %select_n3A_340 : vector<16xi1>, vector<16xf32>
      %get3A_352 = arith.constant 224 : index
      %get3A_353 = tpu.vector_load %arg7[%get3A_352] {strides = array<i32>} : memref<1280xf32, #tpu.memory_space<vmem>>, vector<16xf32>,
      %reduce_max3A_354 = arith.constant true
      %reduce_max3A_355 = vector.broadcast %reduce_max3A_354 : i1 to vector<16xi1>
      %reduce_max3A_356 = tpu.scan <max>, %get3A_353 masked %reduce_max3A_355 : vector<16xf32>, vector<16xi1> -> vector<16xf32>
      %reduce_max3A_357 = vector.extract %reduce_max3A_356[15] : f32 from vector<16xf32>
      %eq3A_358 = arith.constant 14 : i32
      %eq3A_359 = vector.broadcast %eq3A_358 : i32 to vector<16xi32>
      %eq3A_360 = arith.cmpi eq, %iota3A, %eq3A_359 : vector<16xi32>
      %broadcast_in_dim3A_361 = vector.broadcast %reduce_max3A_357 : f32 to vector<16xf32>
      %select_n3A_362 = arith.select %eq3A_360, %broadcast_in_dim3A_361, %select_n3A_351 : vector<16xi1>, vector<16xf32>
      %get3A_363 = arith.constant 240 : index
      %get3A_364 = tpu.vector_load %arg7[%get3A_363] {strides = array<i32>} : memref<1280xf32, #tpu.memory_space<vmem>>, vector<16xf32>,
      %reduce_max3A_365 = arith.constant true
      %reduce_max3A_366 = vector.broadcast %reduce_max3A_365 : i1 to vector<16xi1>
      %reduce_max3A_367 = tpu.scan <max>, %get3A_364 masked %reduce_max3A_366 : vector<16xf32>, vector<16xi1> -> vector<16xf32>
      %reduce_max3A_368 = vector.extract %reduce_max3A_367[15] : f32 from vector<16xf32>
      %eq3A_369 = arith.constant 15 : i32
      %eq3A_370 = vector.broadcast %eq3A_369 : i32 to vector<16xi32>
      %eq3A_371 = arith.cmpi eq, %iota3A, %eq3A_370 : vector<16xi32>
      %broadcast_in_dim3A_372 = vector.broadcast %reduce_max3A_368 : f32 to vector<16xf32>
      %select_n3A_373 = arith.select %eq3A_371, %broadcast_in_dim3A_372, %select_n3A_362 : vector<16xi1>, vector<16xf32>
      %broadcast_in_dim3A_374 = arith.constant 0xFF800000 : f32
      %broadcast_in_dim3A_375 = vector.broadcast %broadcast_in_dim3A_374 : f32 to vector<16xf32>
      %get3A_376 = arith.constant 256 : index
      %get3A_377 = tpu.vector_load %arg7[%get3A_376] {strides = array<i32>} : memref<1280xf32, #tpu.memory_space<vmem>>, vector<16xf32>,
      %reduce_max3A_378 = arith.constant true
      %reduce_max3A_379 = vector.broadcast %reduce_max3A_378 : i1 to vector<16xi1>
      %reduce_max3A_380 = tpu.scan <max>, %get3A_377 masked %reduce_max3A_379 : vector<16xf32>, vector<16xi1> -> vector<16xf32>
      %reduce_max3A_381 = vector.extract %reduce_max3A_380[15] : f32 from vector<16xf32>
      %eq3A_382 = arith.constant 0 : i32
      %eq3A_383 = vector.broadcast %eq3A_382 : i32 to vector<16xi32>
      %eq3A_384 = arith.cmpi eq, %iota3A, %eq3A_383 : vector<16xi32>
      %broadcast_in_dim3A_385 = vector.broadcast %reduce_max3A_381 : f32 to vector<16xf32>
      %select_n3A_386 = arith.select %eq3A_384, %broadcast_in_dim3A_385, %broadcast_in_dim3A_375 : vector<16xi1>, vector<16xf32>
      %get3A_387 = arith.constant 272 : index
      %get3A_388 = tpu.vector_load %arg7[%get3A_387] {strides = array<i32>} : memref<1280xf32, #tpu.memory_space<vmem>>, vector<16xf32>,
      %reduce_max3A_389 = arith.constant true
      %reduce_max3A_390 = vector.broadcast %reduce_max3A_389 : i1 to vector<16xi1>
      %reduce_max3A_391 = tpu.scan <max>, %get3A_388 masked %reduce_max3A_390 : vector<16xf32>, vector<16xi1> -> vector<16xf32>
      %reduce_max3A_392 = vector.extract %reduce_max3A_391[15] : f32 from vector<16xf32>
      %eq3A_393 = arith.constant 1 : i32
      %eq3A_394 = vector.broadcast %eq3A_393 : i32 to vector<16xi32>
      %eq3A_395 = arith.cmpi eq, %iota3A, %eq3A_394 : vector<16xi32>
      %broadcast_in_dim3A_396 = vector.broadcast %reduce_max3A_392 : f32 to vector<16xf32>
      %select_n3A_397 = arith.select %eq3A_395, %broadcast_in_dim3A_396, %select_n3A_386 : vector<16xi1>, vector<16xf32>
      %get3A_398 = arith.constant 288 : index
      %get3A_399 = tpu.vector_load %arg7[%get3A_398] {strides = array<i32>} : memref<1280xf32, #tpu.memory_space<vmem>>, vector<16xf32>,
      %reduce_max3A_400 = arith.constant true
      %reduce_max3A_401 = vector.broadcast %reduce_max3A_400 : i1 to vector<16xi1>
      %reduce_max3A_402 = tpu.scan <max>, %get3A_399 masked %reduce_max3A_401 : vector<16xf32>, vector<16xi1> -> vector<16xf32>
      %reduce_max3A_403 = vector.extract %reduce_max3A_402[15] : f32 from vector<16xf32>
      %eq3A_404 = arith.constant 2 : i32
      %eq3A_405 = vector.broadcast %eq3A_404 : i32 to vector<16xi32>
      %eq3A_406 = arith.cmpi eq, %iota3A, %eq3A_405 : vector<16xi32>
      %broadcast_in_dim3A_407 = vector.broadcast %reduce_max3A_403 : f32 to vector<16xf32>
      %select_n3A_408 = arith.select %eq3A_406, %broadcast_in_dim3A_407, %select_n3A_397 : vector<16xi1>, vector<16xf32>
      %get3A_409 = arith.constant 304 : index
      %get3A_410 = tpu.vector_load %arg7[%get3A_409] {strides = array<i32>} : memref<1280xf32, #tpu.memory_space<vmem>>, vector<16xf32>,
      %reduce_max3A_411 = arith.constant true
      %reduce_max3A_412 = vector.broadcast %reduce_max3A_411 : i1 to vector<16xi1>
      %reduce_max3A_413 = tpu.scan <max>, %get3A_410 masked %reduce_max3A_412 : vector<16xf32>, vector<16xi1> -> vector<16xf32>
      %reduce_max3A_414 = vector.extract %reduce_max3A_413[15] : f32 from vector<16xf32>
      %eq3A_415 = arith.constant 3 : i32
      %eq3A_416 = vector.broadcast %eq3A_415 : i32 to vector<16xi32>
      %eq3A_417 = arith.cmpi eq, %iota3A, %eq3A_416 : vector<16xi32>
      %broadcast_in_dim3A_418 = vector.broadcast %reduce_max3A_414 : f32 to vector<16xf32>
      %select_n3A_419 = arith.select %eq3A_417, %broadcast_in_dim3A_418, %select_n3A_408 : vector<16xi1>, vector<16xf32>
      %get3A_420 = arith.constant 320 : index
      %get3A_421 = tpu.vector_load %arg7[%get3A_420] {strides = array<i32>} : memref<1280xf32, #tpu.memory_space<vmem>>, vector<16xf32>,
      %reduce_max3A_422 = arith.constant true
      %reduce_max3A_423 = vector.broadcast %reduce_max3A_422 : i1 to vector<16xi1>
      %reduce_max3A_424 = tpu.scan <max>, %get3A_421 masked %reduce_max3A_423 : vector<16xf32>, vector<16xi1> -> vector<16xf32>
      %reduce_max3A_425 = vector.extract %reduce_max3A_424[15] : f32 from vector<16xf32>
      %eq3A_426 = arith.constant 4 : i32
      %eq3A_427 = vector.broadcast %eq3A_426 : i32 to vector<16xi32>
      %eq3A_428 = arith.cmpi eq, %iota3A, %eq3A_427 : vector<16xi32>
      %broadcast_in_dim3A_429 = vector.broadcast %reduce_max3A_425 : f32 to vector<16xf32>
      %select_n3A_430 = arith.select %eq3A_428, %broadcast_in_dim3A_429, %select_n3A_419 : vector<16xi1>, vector<16xf32>
      %get3A_431 = arith.constant 336 : index
      %get3A_432 = tpu.vector_load %arg7[%get3A_431] {strides = array<i32>} : memref<1280xf32, #tpu.memory_space<vmem>>, vector<16xf32>,
      %reduce_max3A_433 = arith.constant true
      %reduce_max3A_434 = vector.broadcast %reduce_max3A_433 : i1 to vector<16xi1>
      %reduce_max3A_435 = tpu.scan <max>, %get3A_432 masked %reduce_max3A_434 : vector<16xf32>, vector<16xi1> -> vector<16xf32>
      %reduce_max3A_436 = vector.extract %reduce_max3A_435[15] : f32 from vector<16xf32>
      %eq3A_437 = arith.constant 5 : i32
      %eq3A_438 = vector.broadcast %eq3A_437 : i32 to vector<16xi32>
      %eq3A_439 = arith.cmpi eq, %iota3A, %eq3A_438 : vector<16xi32>
      %broadcast_in_dim3A_440 = vector.broadcast %reduce_max3A_436 : f32 to vector<16xf32>
      %select_n3A_441 = arith.select %eq3A_439, %broadcast_in_dim3A_440, %select_n3A_430 : vector<16xi1>, vector<16xf32>
      %get3A_442 = arith.constant 352 : index
      %get3A_443 = tpu.vector_load %arg7[%get3A_442] {strides = array<i32>} : memref<1280xf32, #tpu.memory_space<vmem>>, vector<16xf32>,
      %reduce_max3A_444 = arith.constant true
      %reduce_max3A_445 = vector.broadcast %reduce_max3A_444 : i1 to vector<16xi1>
      %reduce_max3A_446 = tpu.scan <max>, %get3A_443 masked %reduce_max3A_445 : vector<16xf32>, vector<16xi1> -> vector<16xf32>
      %reduce_max3A_447 = vector.extract %reduce_max3A_446[15] : f32 from vector<16xf32>
      %eq3A_448 = arith.constant 6 : i32
      %eq3A_449 = vector.broadcast %eq3A_448 : i32 to vector<16xi32>
      %eq3A_450 = arith.cmpi eq, %iota3A, %eq3A_449 : vector<16xi32>
      %broadcast_in_dim3A_451 = vector.broadcast %reduce_max3A_447 : f32 to vector<16xf32>
      %select_n3A_452 = arith.select %eq3A_450, %broadcast_in_dim3A_451, %select_n3A_441 : vector<16xi1>, vector<16xf32>
      %get3A_453 = arith.constant 368 : index
      %get3A_454 = tpu.vector_load %arg7[%get3A_453] {strides = array<i32>} : memref<1280xf32, #tpu.memory_space<vmem>>, vector<16xf32>,
      %reduce_max3A_455 = arith.constant true
      %reduce_max3A_456 = vector.broadcast %reduce_max3A_455 : i1 to vector<16xi1>
      %reduce_max3A_457 = tpu.scan <max>, %get3A_454 masked %reduce_max3A_456 : vector<16xf32>, vector<16xi1> -> vector<16xf32>
      %reduce_max3A_458 = vector.extract %reduce_max3A_457[15] : f32 from vector<16xf32>
      %eq3A_459 = arith.constant 7 : i32
      %eq3A_460 = vector.broadcast %eq3A_459 : i32 to vector<16xi32>
      %eq3A_461 = arith.cmpi eq, %iota3A, %eq3A_460 : vector<16xi32>
      %broadcast_in_dim3A_462 = vector.broadcast %reduce_max3A_458 : f32 to vector<16xf32>
      %select_n3A_463 = arith.select %eq3A_461, %broadcast_in_dim3A_462, %select_n3A_452 : vector<16xi1>, vector<16xf32>
      %get3A_464 = arith.constant 384 : index
      %get3A_465 = tpu.vector_load %arg7[%get3A_464] {strides = array<i32>} : memref<1280xf32, #tpu.memory_space<vmem>>, vector<16xf32>,
      %reduce_max3A_466 = arith.constant true
      %reduce_max3A_467 = vector.broadcast %reduce_max3A_466 : i1 to vector<16xi1>
      %reduce_max3A_468 = tpu.scan <max>, %get3A_465 masked %reduce_max3A_467 : vector<16xf32>, vector<16xi1> -> vector<16xf32>
      %reduce_max3A_469 = vector.extract %reduce_max3A_468[15] : f32 from vector<16xf32>
      %eq3A_470 = arith.constant 8 : i32
      %eq3A_471 = vector.broadcast %eq3A_470 : i32 to vector<16xi32>
      %eq3A_472 = arith.cmpi eq, %iota3A, %eq3A_471 : vector<16xi32>
      %broadcast_in_dim3A_473 = vector.broadcast %reduce_max3A_469 : f32 to vector<16xf32>
      %select_n3A_474 = arith.select %eq3A_472, %broadcast_in_dim3A_473, %select_n3A_463 : vector<16xi1>, vector<16xf32>
      %get3A_475 = arith.constant 400 : index
      %get3A_476 = tpu.vector_load %arg7[%get3A_475] {strides = array<i32>} : memref<1280xf32, #tpu.memory_space<vmem>>, vector<16xf32>,
      %reduce_max3A_477 = arith.constant true
      %reduce_max3A_478 = vector.broadcast %reduce_max3A_477 : i1 to vector<16xi1>
      %reduce_max3A_479 = tpu.scan <max>, %get3A_476 masked %reduce_max3A_478 : vector<16xf32>, vector<16xi1> -> vector<16xf32>
      %reduce_max3A_480 = vector.extract %reduce_max3A_479[15] : f32 from vector<16xf32>
      %eq3A_481 = arith.constant 9 : i32
      %eq3A_482 = vector.broadcast %eq3A_481 : i32 to vector<16xi32>
      %eq3A_483 = arith.cmpi eq, %iota3A, %eq3A_482 : vector<16xi32>
      %broadcast_in_dim3A_484 = vector.broadcast %reduce_max3A_480 : f32 to vector<16xf32>
      %select_n3A_485 = arith.select %eq3A_483, %broadcast_in_dim3A_484, %select_n3A_474 : vector<16xi1>, vector<16xf32>
      %get3A_486 = arith.constant 416 : index
      %get3A_487 = tpu.vector_load %arg7[%get3A_486] {strides = array<i32>} : memref<1280xf32, #tpu.memory_space<vmem>>, vector<16xf32>,
      %reduce_max3A_488 = arith.constant true
      %reduce_max3A_489 = vector.broadcast %reduce_max3A_488 : i1 to vector<16xi1>
      %reduce_max3A_490 = tpu.scan <max>, %get3A_487 masked %reduce_max3A_489 : vector<16xf32>, vector<16xi1> -> vector<16xf32>
      %reduce_max3A_491 = vector.extract %reduce_max3A_490[15] : f32 from vector<16xf32>
      %eq3A_492 = arith.constant 10 : i32
      %eq3A_493 = vector.broadcast %eq3A_492 : i32 to vector<16xi32>
      %eq3A_494 = arith.cmpi eq, %iota3A, %eq3A_493 : vector<16xi32>
      %broadcast_in_dim3A_495 = vector.broadcast %reduce_max3A_491 : f32 to vector<16xf32>
      %select_n3A_496 = arith.select %eq3A_494, %broadcast_in_dim3A_495, %select_n3A_485 : vector<16xi1>, vector<16xf32>
      %get3A_497 = arith.constant 432 : index
      %get3A_498 = tpu.vector_load %arg7[%get3A_497] {strides = array<i32>} : memref<1280xf32, #tpu.memory_space<vmem>>, vector<16xf32>,
      %reduce_max3A_499 = arith.constant true
      %reduce_max3A_500 = vector.broadcast %reduce_max3A_499 : i1 to vector<16xi1>
      %reduce_max3A_501 = tpu.scan <max>, %get3A_498 masked %reduce_max3A_500 : vector<16xf32>, vector<16xi1> -> vector<16xf32>
      %reduce_max3A_502 = vector.extract %reduce_max3A_501[15] : f32 from vector<16xf32>
      %eq3A_503 = arith.constant 11 : i32
      %eq3A_504 = vector.broadcast %eq3A_503 : i32 to vector<16xi32>
      %eq3A_505 = arith.cmpi eq, %iota3A, %eq3A_504 : vector<16xi32>
      %broadcast_in_dim3A_506 = vector.broadcast %reduce_max3A_502 : f32 to vector<16xf32>
      %select_n3A_507 = arith.select %eq3A_505, %broadcast_in_dim3A_506, %select_n3A_496 : vector<16xi1>, vector<16xf32>
      %get3A_508 = arith.constant 448 : index
      %get3A_509 = tpu.vector_load %arg7[%get3A_508] {strides = array<i32>} : memref<1280xf32, #tpu.memory_space<vmem>>, vector<16xf32>,
      %reduce_max3A_510 = arith.constant true
      %reduce_max3A_511 = vector.broadcast %reduce_max3A_510 : i1 to vector<16xi1>
      %reduce_max3A_512 = tpu.scan <max>, %get3A_509 masked %reduce_max3A_511 : vector<16xf32>, vector<16xi1> -> vector<16xf32>
      %reduce_max3A_513 = vector.extract %reduce_max3A_512[15] : f32 from vector<16xf32>
      %eq3A_514 = arith.constant 12 : i32
      %eq3A_515 = vector.broadcast %eq3A_514 : i32 to vector<16xi32>
      %eq3A_516 = arith.cmpi eq, %iota3A, %eq3A_515 : vector<16xi32>
      %broadcast_in_dim3A_517 = vector.broadcast %reduce_max3A_513 : f32 to vector<16xf32>
      %select_n3A_518 = arith.select %eq3A_516, %broadcast_in_dim3A_517, %select_n3A_507 : vector<16xi1>, vector<16xf32>
      %get3A_519 = arith.constant 464 : index
      %get3A_520 = tpu.vector_load %arg7[%get3A_519] {strides = array<i32>} : memref<1280xf32, #tpu.memory_space<vmem>>, vector<16xf32>,
      %reduce_max3A_521 = arith.constant true
      %reduce_max3A_522 = vector.broadcast %reduce_max3A_521 : i1 to vector<16xi1>
      %reduce_max3A_523 = tpu.scan <max>, %get3A_520 masked %reduce_max3A_522 : vector<16xf32>, vector<16xi1> -> vector<16xf32>
      %reduce_max3A_524 = vector.extract %reduce_max3A_523[15] : f32 from vector<16xf32>
      %eq3A_525 = arith.constant 13 : i32
      %eq3A_526 = vector.broadcast %eq3A_525 : i32 to vector<16xi32>
      %eq3A_527 = arith.cmpi eq, %iota3A, %eq3A_526 : vector<16xi32>
      %broadcast_in_dim3A_528 = vector.broadcast %reduce_max3A_524 : f32 to vector<16xf32>
      %select_n3A_529 = arith.select %eq3A_527, %broadcast_in_dim3A_528, %select_n3A_518 : vector<16xi1>, vector<16xf32>
      %get3A_530 = arith.constant 480 : index
      %get3A_531 = tpu.vector_load %arg7[%get3A_530] {strides = array<i32>} : memref<1280xf32, #tpu.memory_space<vmem>>, vector<16xf32>,
      %reduce_max3A_532 = arith.constant true
      %reduce_max3A_533 = vector.broadcast %reduce_max3A_532 : i1 to vector<16xi1>
      %reduce_max3A_534 = tpu.scan <max>, %get3A_531 masked %reduce_max3A_533 : vector<16xf32>, vector<16xi1> -> vector<16xf32>
      %reduce_max3A_535 = vector.extract %reduce_max3A_534[15] : f32 from vector<16xf32>
      %eq3A_536 = arith.constant 14 : i32
      %eq3A_537 = vector.broadcast %eq3A_536 : i32 to vector<16xi32>
      %eq3A_538 = arith.cmpi eq, %iota3A, %eq3A_537 : vector<16xi32>
      %broadcast_in_dim3A_539 = vector.broadcast %reduce_max3A_535 : f32 to vector<16xf32>
      %select_n3A_540 = arith.select %eq3A_538, %broadcast_in_dim3A_539, %select_n3A_529 : vector<16xi1>, vector<16xf32>
      %get3A_541 = arith.constant 496 : index
      %get3A_542 = tpu.vector_load %arg7[%get3A_541] {strides = array<i32>} : memref<1280xf32, #tpu.memory_space<vmem>>, vector<16xf32>,
      %reduce_max3A_543 = arith.constant true
      %reduce_max3A_544 = vector.broadcast %reduce_max3A_543 : i1 to vector<16xi1>
      %reduce_max3A_545 = tpu.scan <max>, %get3A_542 masked %reduce_max3A_544 : vector<16xf32>, vector<16xi1> -> vector<16xf32>
      %reduce_max3A_546 = vector.extract %reduce_max3A_545[15] : f32 from vector<16xf32>
      %eq3A_547 = arith.constant 15 : i32
      %eq3A_548 = vector.broadcast %eq3A_547 : i32 to vector<16xi32>
      %eq3A_549 = arith.cmpi eq, %iota3A, %eq3A_548 : vector<16xi32>
      %broadcast_in_dim3A_550 = vector.broadcast %reduce_max3A_546 : f32 to vector<16xf32>
      %select_n3A_551 = arith.select %eq3A_549, %broadcast_in_dim3A_550, %select_n3A_540 : vector<16xi1>, vector<16xf32>
      %broadcast_in_dim3A_552 = arith.constant 0xFF800000 : f32
      %broadcast_in_dim3A_553 = vector.broadcast %broadcast_in_dim3A_552 : f32 to vector<16xf32>
      %get3A_554 = arith.constant 512 : index
      %get3A_555 = tpu.vector_load %arg7[%get3A_554] {strides = array<i32>} : memref<1280xf32, #tpu.memory_space<vmem>>, vector<16xf32>,
      %reduce_max3A_556 = arith.constant true
      %reduce_max3A_557 = vector.broadcast %reduce_max3A_556 : i1 to vector<16xi1>
      %reduce_max3A_558 = tpu.scan <max>, %get3A_555 masked %reduce_max3A_557 : vector<16xf32>, vector<16xi1> -> vector<16xf32>
      %reduce_max3A_559 = vector.extract %reduce_max3A_558[15] : f32 from vector<16xf32>
      %eq3A_560 = arith.constant 0 : i32
      %eq3A_561 = vector.broadcast %eq3A_560 : i32 to vector<16xi32>
      %eq3A_562 = arith.cmpi eq, %iota3A, %eq3A_561 : vector<16xi32>
      %broadcast_in_dim3A_563 = vector.broadcast %reduce_max3A_559 : f32 to vector<16xf32>
      %select_n3A_564 = arith.select %eq3A_562, %broadcast_in_dim3A_563, %broadcast_in_dim3A_553 : vector<16xi1>, vector<16xf32>
      %get3A_565 = arith.constant 528 : index
      %get3A_566 = tpu.vector_load %arg7[%get3A_565] {strides = array<i32>} : memref<1280xf32, #tpu.memory_space<vmem>>, vector<16xf32>,
      %reduce_max3A_567 = arith.constant true
      %reduce_max3A_568 = vector.broadcast %reduce_max3A_567 : i1 to vector<16xi1>
      %reduce_max3A_569 = tpu.scan <max>, %get3A_566 masked %reduce_max3A_568 : vector<16xf32>, vector<16xi1> -> vector<16xf32>
      %reduce_max3A_570 = vector.extract %reduce_max3A_569[15] : f32 from vector<16xf32>
      %eq3A_571 = arith.constant 1 : i32
      %eq3A_572 = vector.broadcast %eq3A_571 : i32 to vector<16xi32>
      %eq3A_573 = arith.cmpi eq, %iota3A, %eq3A_572 : vector<16xi32>
      %broadcast_in_dim3A_574 = vector.broadcast %reduce_max3A_570 : f32 to vector<16xf32>
      %select_n3A_575 = arith.select %eq3A_573, %broadcast_in_dim3A_574, %select_n3A_564 : vector<16xi1>, vector<16xf32>
      %get3A_576 = arith.constant 544 : index
      %get3A_577 = tpu.vector_load %arg7[%get3A_576] {strides = array<i32>} : memref<1280xf32, #tpu.memory_space<vmem>>, vector<16xf32>,
      %reduce_max3A_578 = arith.constant true
      %reduce_max3A_579 = vector.broadcast %reduce_max3A_578 : i1 to vector<16xi1>
      %reduce_max3A_580 = tpu.scan <max>, %get3A_577 masked %reduce_max3A_579 : vector<16xf32>, vector<16xi1> -> vector<16xf32>
      %reduce_max3A_581 = vector.extract %reduce_max3A_580[15] : f32 from vector<16xf32>
      %eq3A_582 = arith.constant 2 : i32
      %eq3A_583 = vector.broadcast %eq3A_582 : i32 to vector<16xi32>
      %eq3A_584 = arith.cmpi eq, %iota3A, %eq3A_583 : vector<16xi32>
      %broadcast_in_dim3A_585 = vector.broadcast %reduce_max3A_581 : f32 to vector<16xf32>
      %select_n3A_586 = arith.select %eq3A_584, %broadcast_in_dim3A_585, %select_n3A_575 : vector<16xi1>, vector<16xf32>
      %get3A_587 = arith.constant 560 : index
      %get3A_588 = tpu.vector_load %arg7[%get3A_587] {strides = array<i32>} : memref<1280xf32, #tpu.memory_space<vmem>>, vector<16xf32>,
      %reduce_max3A_589 = arith.constant true
      %reduce_max3A_590 = vector.broadcast %reduce_max3A_589 : i1 to vector<16xi1>
      %reduce_max3A_591 = tpu.scan <max>, %get3A_588 masked %reduce_max3A_590 : vector<16xf32>, vector<16xi1> -> vector<16xf32>
      %reduce_max3A_592 = vector.extract %reduce_max3A_591[15] : f32 from vector<16xf32>
      %eq3A_593 = arith.constant 3 : i32
      %eq3A_594 = vector.broadcast %eq3A_593 : i32 to vector<16xi32>
      %eq3A_595 = arith.cmpi eq, %iota3A, %eq3A_594 : vector<16xi32>
      %broadcast_in_dim3A_596 = vector.broadcast %reduce_max3A_592 : f32 to vector<16xf32>
      %select_n3A_597 = arith.select %eq3A_595, %broadcast_in_dim3A_596, %select_n3A_586 : vector<16xi1>, vector<16xf32>
      %get3A_598 = arith.constant 576 : index
      %get3A_599 = tpu.vector_load %arg7[%get3A_598] {strides = array<i32>} : memref<1280xf32, #tpu.memory_space<vmem>>, vector<16xf32>,
      %reduce_max3A_600 = arith.constant true
      %reduce_max3A_601 = vector.broadcast %reduce_max3A_600 : i1 to vector<16xi1>
      %reduce_max3A_602 = tpu.scan <max>, %get3A_599 masked %reduce_max3A_601 : vector<16xf32>, vector<16xi1> -> vector<16xf32>
      %reduce_max3A_603 = vector.extract %reduce_max3A_602[15] : f32 from vector<16xf32>
      %eq3A_604 = arith.constant 4 : i32
      %eq3A_605 = vector.broadcast %eq3A_604 : i32 to vector<16xi32>
      %eq3A_606 = arith.cmpi eq, %iota3A, %eq3A_605 : vector<16xi32>
      %broadcast_in_dim3A_607 = vector.broadcast %reduce_max3A_603 : f32 to vector<16xf32>
      %select_n3A_608 = arith.select %eq3A_606, %broadcast_in_dim3A_607, %select_n3A_597 : vector<16xi1>, vector<16xf32>
      %get3A_609 = arith.constant 592 : index
      %get3A_610 = tpu.vector_load %arg7[%get3A_609] {strides = array<i32>} : memref<1280xf32, #tpu.memory_space<vmem>>, vector<16xf32>,
      %reduce_max3A_611 = arith.constant true
      %reduce_max3A_612 = vector.broadcast %reduce_max3A_611 : i1 to vector<16xi1>
      %reduce_max3A_613 = tpu.scan <max>, %get3A_610 masked %reduce_max3A_612 : vector<16xf32>, vector<16xi1> -> vector<16xf32>
      %reduce_max3A_614 = vector.extract %reduce_max3A_613[15] : f32 from vector<16xf32>
      %eq3A_615 = arith.constant 5 : i32
      %eq3A_616 = vector.broadcast %eq3A_615 : i32 to vector<16xi32>
      %eq3A_617 = arith.cmpi eq, %iota3A, %eq3A_616 : vector<16xi32>
      %broadcast_in_dim3A_618 = vector.broadcast %reduce_max3A_614 : f32 to vector<16xf32>
      %select_n3A_619 = arith.select %eq3A_617, %broadcast_in_dim3A_618, %select_n3A_608 : vector<16xi1>, vector<16xf32>
      %get3A_620 = arith.constant 608 : index
      %get3A_621 = tpu.vector_load %arg7[%get3A_620] {strides = array<i32>} : memref<1280xf32, #tpu.memory_space<vmem>>, vector<16xf32>,
      %reduce_max3A_622 = arith.constant true
      %reduce_max3A_623 = vector.broadcast %reduce_max3A_622 : i1 to vector<16xi1>
      %reduce_max3A_624 = tpu.scan <max>, %get3A_621 masked %reduce_max3A_623 : vector<16xf32>, vector<16xi1> -> vector<16xf32>
      %reduce_max3A_625 = vector.extract %reduce_max3A_624[15] : f32 from vector<16xf32>
      %eq3A_626 = arith.constant 6 : i32
      %eq3A_627 = vector.broadcast %eq3A_626 : i32 to vector<16xi32>
      %eq3A_628 = arith.cmpi eq, %iota3A, %eq3A_627 : vector<16xi32>
      %broadcast_in_dim3A_629 = vector.broadcast %reduce_max3A_625 : f32 to vector<16xf32>
      %select_n3A_630 = arith.select %eq3A_628, %broadcast_in_dim3A_629, %select_n3A_619 : vector<16xi1>, vector<16xf32>
      %get3A_631 = arith.constant 624 : index
      %get3A_632 = tpu.vector_load %arg7[%get3A_631] {strides = array<i32>} : memref<1280xf32, #tpu.memory_space<vmem>>, vector<16xf32>,
      %reduce_max3A_633 = arith.constant true
      %reduce_max3A_634 = vector.broadcast %reduce_max3A_633 : i1 to vector<16xi1>
      %reduce_max3A_635 = tpu.scan <max>, %get3A_632 masked %reduce_max3A_634 : vector<16xf32>, vector<16xi1> -> vector<16xf32>
      %reduce_max3A_636 = vector.extract %reduce_max3A_635[15] : f32 from vector<16xf32>
      %eq3A_637 = arith.constant 7 : i32
      %eq3A_638 = vector.broadcast %eq3A_637 : i32 to vector<16xi32>
      %eq3A_639 = arith.cmpi eq, %iota3A, %eq3A_638 : vector<16xi32>
      %broadcast_in_dim3A_640 = vector.broadcast %reduce_max3A_636 : f32 to vector<16xf32>
      %select_n3A_641 = arith.select %eq3A_639, %broadcast_in_dim3A_640, %select_n3A_630 : vector<16xi1>, vector<16xf32>
      %get3A_642 = arith.constant 640 : index
      %get3A_643 = tpu.vector_load %arg7[%get3A_642] {strides = array<i32>} : memref<1280xf32, #tpu.memory_space<vmem>>, vector<16xf32>,
      %reduce_max3A_644 = arith.constant true
      %reduce_max3A_645 = vector.broadcast %reduce_max3A_644 : i1 to vector<16xi1>
      %reduce_max3A_646 = tpu.scan <max>, %get3A_643 masked %reduce_max3A_645 : vector<16xf32>, vector<16xi1> -> vector<16xf32>
      %reduce_max3A_647 = vector.extract %reduce_max3A_646[15] : f32 from vector<16xf32>
      %eq3A_648 = arith.constant 8 : i32
      %eq3A_649 = vector.broadcast %eq3A_648 : i32 to vector<16xi32>
      %eq3A_650 = arith.cmpi eq, %iota3A, %eq3A_649 : vector<16xi32>
      %broadcast_in_dim3A_651 = vector.broadcast %reduce_max3A_647 : f32 to vector<16xf32>
      %select_n3A_652 = arith.select %eq3A_650, %broadcast_in_dim3A_651, %select_n3A_641 : vector<16xi1>, vector<16xf32>
      %get3A_653 = arith.constant 656 : index
      %get3A_654 = tpu.vector_load %arg7[%get3A_653] {strides = array<i32>} : memref<1280xf32, #tpu.memory_space<vmem>>, vector<16xf32>,
      %reduce_max3A_655 = arith.constant true
      %reduce_max3A_656 = vector.broadcast %reduce_max3A_655 : i1 to vector<16xi1>
      %reduce_max3A_657 = tpu.scan <max>, %get3A_654 masked %reduce_max3A_656 : vector<16xf32>, vector<16xi1> -> vector<16xf32>
      %reduce_max3A_658 = vector.extract %reduce_max3A_657[15] : f32 from vector<16xf32>
      %eq3A_659 = arith.constant 9 : i32
      %eq3A_660 = vector.broadcast %eq3A_659 : i32 to vector<16xi32>
      %eq3A_661 = arith.cmpi eq, %iota3A, %eq3A_660 : vector<16xi32>
      %broadcast_in_dim3A_662 = vector.broadcast %reduce_max3A_658 : f32 to vector<16xf32>
      %select_n3A_663 = arith.select %eq3A_661, %broadcast_in_dim3A_662, %select_n3A_652 : vector<16xi1>, vector<16xf32>
      %get3A_664 = arith.constant 672 : index
      %get3A_665 = tpu.vector_load %arg7[%get3A_664] {strides = array<i32>} : memref<1280xf32, #tpu.memory_space<vmem>>, vector<16xf32>,
      %reduce_max3A_666 = arith.constant true
      %reduce_max3A_667 = vector.broadcast %reduce_max3A_666 : i1 to vector<16xi1>
      %reduce_max3A_668 = tpu.scan <max>, %get3A_665 masked %reduce_max3A_667 : vector<16xf32>, vector<16xi1> -> vector<16xf32>
      %reduce_max3A_669 = vector.extract %reduce_max3A_668[15] : f32 from vector<16xf32>
      %eq3A_670 = arith.constant 10 : i32
      %eq3A_671 = vector.broadcast %eq3A_670 : i32 to vector<16xi32>
      %eq3A_672 = arith.cmpi eq, %iota3A, %eq3A_671 : vector<16xi32>
      %broadcast_in_dim3A_673 = vector.broadcast %reduce_max3A_669 : f32 to vector<16xf32>
      %select_n3A_674 = arith.select %eq3A_672, %broadcast_in_dim3A_673, %select_n3A_663 : vector<16xi1>, vector<16xf32>
      %get3A_675 = arith.constant 688 : index
      %get3A_676 = tpu.vector_load %arg7[%get3A_675] {strides = array<i32>} : memref<1280xf32, #tpu.memory_space<vmem>>, vector<16xf32>,
      %reduce_max3A_677 = arith.constant true
      %reduce_max3A_678 = vector.broadcast %reduce_max3A_677 : i1 to vector<16xi1>
      %reduce_max3A_679 = tpu.scan <max>, %get3A_676 masked %reduce_max3A_678 : vector<16xf32>, vector<16xi1> -> vector<16xf32>
      %reduce_max3A_680 = vector.extract %reduce_max3A_679[15] : f32 from vector<16xf32>
      %eq3A_681 = arith.constant 11 : i32
      %eq3A_682 = vector.broadcast %eq3A_681 : i32 to vector<16xi32>
      %eq3A_683 = arith.cmpi eq, %iota3A, %eq3A_682 : vector<16xi32>
      %broadcast_in_dim3A_684 = vector.broadcast %reduce_max3A_680 : f32 to vector<16xf32>
      %select_n3A_685 = arith.select %eq3A_683, %broadcast_in_dim3A_684, %select_n3A_674 : vector<16xi1>, vector<16xf32>
      %get3A_686 = arith.constant 704 : index
      %get3A_687 = tpu.vector_load %arg7[%get3A_686] {strides = array<i32>} : memref<1280xf32, #tpu.memory_space<vmem>>, vector<16xf32>,
      %reduce_max3A_688 = arith.constant true
      %reduce_max3A_689 = vector.broadcast %reduce_max3A_688 : i1 to vector<16xi1>
      %reduce_max3A_690 = tpu.scan <max>, %get3A_687 masked %reduce_max3A_689 : vector<16xf32>, vector<16xi1> -> vector<16xf32>
      %reduce_max3A_691 = vector.extract %reduce_max3A_690[15] : f32 from vector<16xf32>
      %eq3A_692 = arith.constant 12 : i32
      %eq3A_693 = vector.broadcast %eq3A_692 : i32 to vector<16xi32>
      %eq3A_694 = arith.cmpi eq, %iota3A, %eq3A_693 : vector<16xi32>
      %broadcast_in_dim3A_695 = vector.broadcast %reduce_max3A_691 : f32 to vector<16xf32>
      %select_n3A_696 = arith.select %eq3A_694, %broadcast_in_dim3A_695, %select_n3A_685 : vector<16xi1>, vector<16xf32>
      %get3A_697 = arith.constant 720 : index
      %get3A_698 = tpu.vector_load %arg7[%get3A_697] {strides = array<i32>} : memref<1280xf32, #tpu.memory_space<vmem>>, vector<16xf32>,
      %reduce_max3A_699 = arith.constant true
      %reduce_max3A_700 = vector.broadcast %reduce_max3A_699 : i1 to vector<16xi1>
      %reduce_max3A_701 = tpu.scan <max>, %get3A_698 masked %reduce_max3A_700 : vector<16xf32>, vector<16xi1> -> vector<16xf32>
      %reduce_max3A_702 = vector.extract %reduce_max3A_701[15] : f32 from vector<16xf32>
      %eq3A_703 = arith.constant 13 : i32
      %eq3A_704 = vector.broadcast %eq3A_703 : i32 to vector<16xi32>
      %eq3A_705 = arith.cmpi eq, %iota3A, %eq3A_704 : vector<16xi32>
      %broadcast_in_dim3A_706 = vector.broadcast %reduce_max3A_702 : f32 to vector<16xf32>
      %select_n3A_707 = arith.select %eq3A_705, %broadcast_in_dim3A_706, %select_n3A_696 : vector<16xi1>, vector<16xf32>
      %get3A_708 = arith.constant 736 : index
      %get3A_709 = tpu.vector_load %arg7[%get3A_708] {strides = array<i32>} : memref<1280xf32, #tpu.memory_space<vmem>>, vector<16xf32>,
      %reduce_max3A_710 = arith.constant true
      %reduce_max3A_711 = vector.broadcast %reduce_max3A_710 : i1 to vector<16xi1>
      %reduce_max3A_712 = tpu.scan <max>, %get3A_709 masked %reduce_max3A_711 : vector<16xf32>, vector<16xi1> -> vector<16xf32>
      %reduce_max3A_713 = vector.extract %reduce_max3A_712[15] : f32 from vector<16xf32>
      %eq3A_714 = arith.constant 14 : i32
      %eq3A_715 = vector.broadcast %eq3A_714 : i32 to vector<16xi32>
      %eq3A_716 = arith.cmpi eq, %iota3A, %eq3A_715 : vector<16xi32>
      %broadcast_in_dim3A_717 = vector.broadcast %reduce_max3A_713 : f32 to vector<16xf32>
      %select_n3A_718 = arith.select %eq3A_716, %broadcast_in_dim3A_717, %select_n3A_707 : vector<16xi1>, vector<16xf32>
      %get3A_719 = arith.constant 752 : index
      %get3A_720 = tpu.vector_load %arg7[%get3A_719] {strides = array<i32>} : memref<1280xf32, #tpu.memory_space<vmem>>, vector<16xf32>,
      %reduce_max3A_721 = arith.constant true
      %reduce_max3A_722 = vector.broadcast %reduce_max3A_721 : i1 to vector<16xi1>
      %reduce_max3A_723 = tpu.scan <max>, %get3A_720 masked %reduce_max3A_722 : vector<16xf32>, vector<16xi1> -> vector<16xf32>
      %reduce_max3A_724 = vector.extract %reduce_max3A_723[15] : f32 from vector<16xf32>
      %eq3A_725 = arith.constant 15 : i32
      %eq3A_726 = vector.broadcast %eq3A_725 : i32 to vector<16xi32>
      %eq3A_727 = arith.cmpi eq, %iota3A, %eq3A_726 : vector<16xi32>
      %broadcast_in_dim3A_728 = vector.broadcast %reduce_max3A_724 : f32 to vector<16xf32>
      %select_n3A_729 = arith.select %eq3A_727, %broadcast_in_dim3A_728, %select_n3A_718 : vector<16xi1>, vector<16xf32>
      %broadcast_in_dim3A_730 = arith.constant 0xFF800000 : f32
      %broadcast_in_dim3A_731 = vector.broadcast %broadcast_in_dim3A_730 : f32 to vector<16xf32>
      %get3A_732 = arith.constant 768 : index
      %get3A_733 = tpu.vector_load %arg7[%get3A_732] {strides = array<i32>} : memref<1280xf32, #tpu.memory_space<vmem>>, vector<16xf32>,
      %reduce_max3A_734 = arith.constant true
      %reduce_max3A_735 = vector.broadcast %reduce_max3A_734 : i1 to vector<16xi1>
      %reduce_max3A_736 = tpu.scan <max>, %get3A_733 masked %reduce_max3A_735 : vector<16xf32>, vector<16xi1> -> vector<16xf32>
      %reduce_max3A_737 = vector.extract %reduce_max3A_736[15] : f32 from vector<16xf32>
      %eq3A_738 = arith.constant 0 : i32
      %eq3A_739 = vector.broadcast %eq3A_738 : i32 to vector<16xi32>
      %eq3A_740 = arith.cmpi eq, %iota3A, %eq3A_739 : vector<16xi32>
      %broadcast_in_dim3A_741 = vector.broadcast %reduce_max3A_737 : f32 to vector<16xf32>
      %select_n3A_742 = arith.select %eq3A_740, %broadcast_in_dim3A_741, %broadcast_in_dim3A_731 : vector<16xi1>, vector<16xf32>
      %get3A_743 = arith.constant 784 : index
      %get3A_744 = tpu.vector_load %arg7[%get3A_743] {strides = array<i32>} : memref<1280xf32, #tpu.memory_space<vmem>>, vector<16xf32>,
      %reduce_max3A_745 = arith.constant true
      %reduce_max3A_746 = vector.broadcast %reduce_max3A_745 : i1 to vector<16xi1>
      %reduce_max3A_747 = tpu.scan <max>, %get3A_744 masked %reduce_max3A_746 : vector<16xf32>, vector<16xi1> -> vector<16xf32>
      %reduce_max3A_748 = vector.extract %reduce_max3A_747[15] : f32 from vector<16xf32>
      %eq3A_749 = arith.constant 1 : i32
      %eq3A_750 = vector.broadcast %eq3A_749 : i32 to vector<16xi32>
      %eq3A_751 = arith.cmpi eq, %iota3A, %eq3A_750 : vector<16xi32>
      %broadcast_in_dim3A_752 = vector.broadcast %reduce_max3A_748 : f32 to vector<16xf32>
      %select_n3A_753 = arith.select %eq3A_751, %broadcast_in_dim3A_752, %select_n3A_742 : vector<16xi1>, vector<16xf32>
      %get3A_754 = arith.constant 800 : index
      %get3A_755 = tpu.vector_load %arg7[%get3A_754] {strides = array<i32>} : memref<1280xf32, #tpu.memory_space<vmem>>, vector<16xf32>,
      %reduce_max3A_756 = arith.constant true
      %reduce_max3A_757 = vector.broadcast %reduce_max3A_756 : i1 to vector<16xi1>
      %reduce_max3A_758 = tpu.scan <max>, %get3A_755 masked %reduce_max3A_757 : vector<16xf32>, vector<16xi1> -> vector<16xf32>
      %reduce_max3A_759 = vector.extract %reduce_max3A_758[15] : f32 from vector<16xf32>
      %eq3A_760 = arith.constant 2 : i32
      %eq3A_761 = vector.broadcast %eq3A_760 : i32 to vector<16xi32>
      %eq3A_762 = arith.cmpi eq, %iota3A, %eq3A_761 : vector<16xi32>
      %broadcast_in_dim3A_763 = vector.broadcast %reduce_max3A_759 : f32 to vector<16xf32>
      %select_n3A_764 = arith.select %eq3A_762, %broadcast_in_dim3A_763, %select_n3A_753 : vector<16xi1>, vector<16xf32>
      %get3A_765 = arith.constant 816 : index
      %get3A_766 = tpu.vector_load %arg7[%get3A_765] {strides = array<i32>} : memref<1280xf32, #tpu.memory_space<vmem>>, vector<16xf32>,
      %reduce_max3A_767 = arith.constant true
      %reduce_max3A_768 = vector.broadcast %reduce_max3A_767 : i1 to vector<16xi1>
      %reduce_max3A_769 = tpu.scan <max>, %get3A_766 masked %reduce_max3A_768 : vector<16xf32>, vector<16xi1> -> vector<16xf32>
      %reduce_max3A_770 = vector.extract %reduce_max3A_769[15] : f32 from vector<16xf32>
      %eq3A_771 = arith.constant 3 : i32
      %eq3A_772 = vector.broadcast %eq3A_771 : i32 to vector<16xi32>
      %eq3A_773 = arith.cmpi eq, %iota3A, %eq3A_772 : vector<16xi32>
      %broadcast_in_dim3A_774 = vector.broadcast %reduce_max3A_770 : f32 to vector<16xf32>
      %select_n3A_775 = arith.select %eq3A_773, %broadcast_in_dim3A_774, %select_n3A_764 : vector<16xi1>, vector<16xf32>
      %get3A_776 = arith.constant 832 : index
      %get3A_777 = tpu.vector_load %arg7[%get3A_776] {strides = array<i32>} : memref<1280xf32, #tpu.memory_space<vmem>>, vector<16xf32>,
      %reduce_max3A_778 = arith.constant true
      %reduce_max3A_779 = vector.broadcast %reduce_max3A_778 : i1 to vector<16xi1>
      %reduce_max3A_780 = tpu.scan <max>, %get3A_777 masked %reduce_max3A_779 : vector<16xf32>, vector<16xi1> -> vector<16xf32>
      %reduce_max3A_781 = vector.extract %reduce_max3A_780[15] : f32 from vector<16xf32>
      %eq3A_782 = arith.constant 4 : i32
      %eq3A_783 = vector.broadcast %eq3A_782 : i32 to vector<16xi32>
      %eq3A_784 = arith.cmpi eq, %iota3A, %eq3A_783 : vector<16xi32>
      %broadcast_in_dim3A_785 = vector.broadcast %reduce_max3A_781 : f32 to vector<16xf32>
      %select_n3A_786 = arith.select %eq3A_784, %broadcast_in_dim3A_785, %select_n3A_775 : vector<16xi1>, vector<16xf32>
      %get3A_787 = arith.constant 848 : index
      %get3A_788 = tpu.vector_load %arg7[%get3A_787] {strides = array<i32>} : memref<1280xf32, #tpu.memory_space<vmem>>, vector<16xf32>,
      %reduce_max3A_789 = arith.constant true
      %reduce_max3A_790 = vector.broadcast %reduce_max3A_789 : i1 to vector<16xi1>
      %reduce_max3A_791 = tpu.scan <max>, %get3A_788 masked %reduce_max3A_790 : vector<16xf32>, vector<16xi1> -> vector<16xf32>
      %reduce_max3A_792 = vector.extract %reduce_max3A_791[15] : f32 from vector<16xf32>
      %eq3A_793 = arith.constant 5 : i32
      %eq3A_794 = vector.broadcast %eq3A_793 : i32 to vector<16xi32>
      %eq3A_795 = arith.cmpi eq, %iota3A, %eq3A_794 : vector<16xi32>
      %broadcast_in_dim3A_796 = vector.broadcast %reduce_max3A_792 : f32 to vector<16xf32>
      %select_n3A_797 = arith.select %eq3A_795, %broadcast_in_dim3A_796, %select_n3A_786 : vector<16xi1>, vector<16xf32>
      %get3A_798 = arith.constant 864 : index
      %get3A_799 = tpu.vector_load %arg7[%get3A_798] {strides = array<i32>} : memref<1280xf32, #tpu.memory_space<vmem>>, vector<16xf32>,
      %reduce_max3A_800 = arith.constant true
      %reduce_max3A_801 = vector.broadcast %reduce_max3A_800 : i1 to vector<16xi1>
      %reduce_max3A_802 = tpu.scan <max>, %get3A_799 masked %reduce_max3A_801 : vector<16xf32>, vector<16xi1> -> vector<16xf32>
      %reduce_max3A_803 = vector.extract %reduce_max3A_802[15] : f32 from vector<16xf32>
      %eq3A_804 = arith.constant 6 : i32
      %eq3A_805 = vector.broadcast %eq3A_804 : i32 to vector<16xi32>
      %eq3A_806 = arith.cmpi eq, %iota3A, %eq3A_805 : vector<16xi32>
      %broadcast_in_dim3A_807 = vector.broadcast %reduce_max3A_803 : f32 to vector<16xf32>
      %select_n3A_808 = arith.select %eq3A_806, %broadcast_in_dim3A_807, %select_n3A_797 : vector<16xi1>, vector<16xf32>
      %get3A_809 = arith.constant 880 : index
      %get3A_810 = tpu.vector_load %arg7[%get3A_809] {strides = array<i32>} : memref<1280xf32, #tpu.memory_space<vmem>>, vector<16xf32>,
      %reduce_max3A_811 = arith.constant true
      %reduce_max3A_812 = vector.broadcast %reduce_max3A_811 : i1 to vector<16xi1>
      %reduce_max3A_813 = tpu.scan <max>, %get3A_810 masked %reduce_max3A_812 : vector<16xf32>, vector<16xi1> -> vector<16xf32>
      %reduce_max3A_814 = vector.extract %reduce_max3A_813[15] : f32 from vector<16xf32>
      %eq3A_815 = arith.constant 7 : i32
      %eq3A_816 = vector.broadcast %eq3A_815 : i32 to vector<16xi32>
      %eq3A_817 = arith.cmpi eq, %iota3A, %eq3A_816 : vector<16xi32>
      %broadcast_in_dim3A_818 = vector.broadcast %reduce_max3A_814 : f32 to vector<16xf32>
      %select_n3A_819 = arith.select %eq3A_817, %broadcast_in_dim3A_818, %select_n3A_808 : vector<16xi1>, vector<16xf32>
      %get3A_820 = arith.constant 896 : index
      %get3A_821 = tpu.vector_load %arg7[%get3A_820] {strides = array<i32>} : memref<1280xf32, #tpu.memory_space<vmem>>, vector<16xf32>,
      %reduce_max3A_822 = arith.constant true
      %reduce_max3A_823 = vector.broadcast %reduce_max3A_822 : i1 to vector<16xi1>
      %reduce_max3A_824 = tpu.scan <max>, %get3A_821 masked %reduce_max3A_823 : vector<16xf32>, vector<16xi1> -> vector<16xf32>
      %reduce_max3A_825 = vector.extract %reduce_max3A_824[15] : f32 from vector<16xf32>
      %eq3A_826 = arith.constant 8 : i32
      %eq3A_827 = vector.broadcast %eq3A_826 : i32 to vector<16xi32>
      %eq3A_828 = arith.cmpi eq, %iota3A, %eq3A_827 : vector<16xi32>
      %broadcast_in_dim3A_829 = vector.broadcast %reduce_max3A_825 : f32 to vector<16xf32>
      %select_n3A_830 = arith.select %eq3A_828, %broadcast_in_dim3A_829, %select_n3A_819 : vector<16xi1>, vector<16xf32>
      %get3A_831 = arith.constant 912 : index
      %get3A_832 = tpu.vector_load %arg7[%get3A_831] {strides = array<i32>} : memref<1280xf32, #tpu.memory_space<vmem>>, vector<16xf32>,
      %reduce_max3A_833 = arith.constant true
      %reduce_max3A_834 = vector.broadcast %reduce_max3A_833 : i1 to vector<16xi1>
      %reduce_max3A_835 = tpu.scan <max>, %get3A_832 masked %reduce_max3A_834 : vector<16xf32>, vector<16xi1> -> vector<16xf32>
      %reduce_max3A_836 = vector.extract %reduce_max3A_835[15] : f32 from vector<16xf32>
      %eq3A_837 = arith.constant 9 : i32
      %eq3A_838 = vector.broadcast %eq3A_837 : i32 to vector<16xi32>
      %eq3A_839 = arith.cmpi eq, %iota3A, %eq3A_838 : vector<16xi32>
      %broadcast_in_dim3A_840 = vector.broadcast %reduce_max3A_836 : f32 to vector<16xf32>
      %select_n3A_841 = arith.select %eq3A_839, %broadcast_in_dim3A_840, %select_n3A_830 : vector<16xi1>, vector<16xf32>
      %get3A_842 = arith.constant 928 : index
      %get3A_843 = tpu.vector_load %arg7[%get3A_842] {strides = array<i32>} : memref<1280xf32, #tpu.memory_space<vmem>>, vector<16xf32>,
      %reduce_max3A_844 = arith.constant true
      %reduce_max3A_845 = vector.broadcast %reduce_max3A_844 : i1 to vector<16xi1>
      %reduce_max3A_846 = tpu.scan <max>, %get3A_843 masked %reduce_max3A_845 : vector<16xf32>, vector<16xi1> -> vector<16xf32>
      %reduce_max3A_847 = vector.extract %reduce_max3A_846[15] : f32 from vector<16xf32>
      %eq3A_848 = arith.constant 10 : i32
      %eq3A_849 = vector.broadcast %eq3A_848 : i32 to vector<16xi32>
      %eq3A_850 = arith.cmpi eq, %iota3A, %eq3A_849 : vector<16xi32>
      %broadcast_in_dim3A_851 = vector.broadcast %reduce_max3A_847 : f32 to vector<16xf32>
      %select_n3A_852 = arith.select %eq3A_850, %broadcast_in_dim3A_851, %select_n3A_841 : vector<16xi1>, vector<16xf32>
      %get3A_853 = arith.constant 944 : index
      %get3A_854 = tpu.vector_load %arg7[%get3A_853] {strides = array<i32>} : memref<1280xf32, #tpu.memory_space<vmem>>, vector<16xf32>,
      %reduce_max3A_855 = arith.constant true
      %reduce_max3A_856 = vector.broadcast %reduce_max3A_855 : i1 to vector<16xi1>
      %reduce_max3A_857 = tpu.scan <max>, %get3A_854 masked %reduce_max3A_856 : vector<16xf32>, vector<16xi1> -> vector<16xf32>
      %reduce_max3A_858 = vector.extract %reduce_max3A_857[15] : f32 from vector<16xf32>
      %eq3A_859 = arith.constant 11 : i32
      %eq3A_860 = vector.broadcast %eq3A_859 : i32 to vector<16xi32>
      %eq3A_861 = arith.cmpi eq, %iota3A, %eq3A_860 : vector<16xi32>
      %broadcast_in_dim3A_862 = vector.broadcast %reduce_max3A_858 : f32 to vector<16xf32>
      %select_n3A_863 = arith.select %eq3A_861, %broadcast_in_dim3A_862, %select_n3A_852 : vector<16xi1>, vector<16xf32>
      %get3A_864 = arith.constant 960 : index
      %get3A_865 = tpu.vector_load %arg7[%get3A_864] {strides = array<i32>} : memref<1280xf32, #tpu.memory_space<vmem>>, vector<16xf32>,
      %reduce_max3A_866 = arith.constant true
      %reduce_max3A_867 = vector.broadcast %reduce_max3A_866 : i1 to vector<16xi1>
      %reduce_max3A_868 = tpu.scan <max>, %get3A_865 masked %reduce_max3A_867 : vector<16xf32>, vector<16xi1> -> vector<16xf32>
      %reduce_max3A_869 = vector.extract %reduce_max3A_868[15] : f32 from vector<16xf32>
      %eq3A_870 = arith.constant 12 : i32
      %eq3A_871 = vector.broadcast %eq3A_870 : i32 to vector<16xi32>
      %eq3A_872 = arith.cmpi eq, %iota3A, %eq3A_871 : vector<16xi32>
      %broadcast_in_dim3A_873 = vector.broadcast %reduce_max3A_869 : f32 to vector<16xf32>
      %select_n3A_874 = arith.select %eq3A_872, %broadcast_in_dim3A_873, %select_n3A_863 : vector<16xi1>, vector<16xf32>
      %get3A_875 = arith.constant 976 : index
      %get3A_876 = tpu.vector_load %arg7[%get3A_875] {strides = array<i32>} : memref<1280xf32, #tpu.memory_space<vmem>>, vector<16xf32>,
      %reduce_max3A_877 = arith.constant true
      %reduce_max3A_878 = vector.broadcast %reduce_max3A_877 : i1 to vector<16xi1>
      %reduce_max3A_879 = tpu.scan <max>, %get3A_876 masked %reduce_max3A_878 : vector<16xf32>, vector<16xi1> -> vector<16xf32>
      %reduce_max3A_880 = vector.extract %reduce_max3A_879[15] : f32 from vector<16xf32>
      %eq3A_881 = arith.constant 13 : i32
      %eq3A_882 = vector.broadcast %eq3A_881 : i32 to vector<16xi32>
      %eq3A_883 = arith.cmpi eq, %iota3A, %eq3A_882 : vector<16xi32>
      %broadcast_in_dim3A_884 = vector.broadcast %reduce_max3A_880 : f32 to vector<16xf32>
      %select_n3A_885 = arith.select %eq3A_883, %broadcast_in_dim3A_884, %select_n3A_874 : vector<16xi1>, vector<16xf32>
      %get3A_886 = arith.constant 992 : index
      %get3A_887 = tpu.vector_load %arg7[%get3A_886] {strides = array<i32>} : memref<1280xf32, #tpu.memory_space<vmem>>, vector<16xf32>,
      %reduce_max3A_888 = arith.constant true
      %reduce_max3A_889 = vector.broadcast %reduce_max3A_888 : i1 to vector<16xi1>
      %reduce_max3A_890 = tpu.scan <max>, %get3A_887 masked %reduce_max3A_889 : vector<16xf32>, vector<16xi1> -> vector<16xf32>
      %reduce_max3A_891 = vector.extract %reduce_max3A_890[15] : f32 from vector<16xf32>
      %eq3A_892 = arith.constant 14 : i32
      %eq3A_893 = vector.broadcast %eq3A_892 : i32 to vector<16xi32>
      %eq3A_894 = arith.cmpi eq, %iota3A, %eq3A_893 : vector<16xi32>
      %broadcast_in_dim3A_895 = vector.broadcast %reduce_max3A_891 : f32 to vector<16xf32>
      %select_n3A_896 = arith.select %eq3A_894, %broadcast_in_dim3A_895, %select_n3A_885 : vector<16xi1>, vector<16xf32>
      %get3A_897 = arith.constant 1008 : index
      %get3A_898 = tpu.vector_load %arg7[%get3A_897] {strides = array<i32>} : memref<1280xf32, #tpu.memory_space<vmem>>, vector<16xf32>,
      %reduce_max3A_899 = arith.constant true
      %reduce_max3A_900 = vector.broadcast %reduce_max3A_899 : i1 to vector<16xi1>
      %reduce_max3A_901 = tpu.scan <max>, %get3A_898 masked %reduce_max3A_900 : vector<16xf32>, vector<16xi1> -> vector<16xf32>
      %reduce_max3A_902 = vector.extract %reduce_max3A_901[15] : f32 from vector<16xf32>
      %eq3A_903 = arith.constant 15 : i32
      %eq3A_904 = vector.broadcast %eq3A_903 : i32 to vector<16xi32>
      %eq3A_905 = arith.cmpi eq, %iota3A, %eq3A_904 : vector<16xi32>
      %broadcast_in_dim3A_906 = vector.broadcast %reduce_max3A_902 : f32 to vector<16xf32>
      %select_n3A_907 = arith.select %eq3A_905, %broadcast_in_dim3A_906, %select_n3A_896 : vector<16xi1>, vector<16xf32>
      %broadcast_in_dim3A_908 = arith.constant 0xFF800000 : f32
      %broadcast_in_dim3A_909 = vector.broadcast %broadcast_in_dim3A_908 : f32 to vector<16xf32>
      %get3A_910 = arith.constant 1024 : index
      %get3A_911 = tpu.vector_load %arg7[%get3A_910] {strides = array<i32>} : memref<1280xf32, #tpu.memory_space<vmem>>, vector<16xf32>,
      %reduce_max3A_912 = arith.constant true
      %reduce_max3A_913 = vector.broadcast %reduce_max3A_912 : i1 to vector<16xi1>
      %reduce_max3A_914 = tpu.scan <max>, %get3A_911 masked %reduce_max3A_913 : vector<16xf32>, vector<16xi1> -> vector<16xf32>
      %reduce_max3A_915 = vector.extract %reduce_max3A_914[15] : f32 from vector<16xf32>
      %eq3A_916 = arith.constant 0 : i32
      %eq3A_917 = vector.broadcast %eq3A_916 : i32 to vector<16xi32>
      %eq3A_918 = arith.cmpi eq, %iota3A, %eq3A_917 : vector<16xi32>
      %broadcast_in_dim3A_919 = vector.broadcast %reduce_max3A_915 : f32 to vector<16xf32>
      %select_n3A_920 = arith.select %eq3A_918, %broadcast_in_dim3A_919, %broadcast_in_dim3A_909 : vector<16xi1>, vector<16xf32>
      %get3A_921 = arith.constant 1040 : index
      %get3A_922 = tpu.vector_load %arg7[%get3A_921] {strides = array<i32>} : memref<1280xf32, #tpu.memory_space<vmem>>, vector<16xf32>,
      %reduce_max3A_923 = arith.constant true
      %reduce_max3A_924 = vector.broadcast %reduce_max3A_923 : i1 to vector<16xi1>
      %reduce_max3A_925 = tpu.scan <max>, %get3A_922 masked %reduce_max3A_924 : vector<16xf32>, vector<16xi1> -> vector<16xf32>
      %reduce_max3A_926 = vector.extract %reduce_max3A_925[15] : f32 from vector<16xf32>
      %eq3A_927 = arith.constant 1 : i32
      %eq3A_928 = vector.broadcast %eq3A_927 : i32 to vector<16xi32>
      %eq3A_929 = arith.cmpi eq, %iota3A, %eq3A_928 : vector<16xi32>
      %broadcast_in_dim3A_930 = vector.broadcast %reduce_max3A_926 : f32 to vector<16xf32>
      %select_n3A_931 = arith.select %eq3A_929, %broadcast_in_dim3A_930, %select_n3A_920 : vector<16xi1>, vector<16xf32>
      %get3A_932 = arith.constant 1056 : index
      %get3A_933 = tpu.vector_load %arg7[%get3A_932] {strides = array<i32>} : memref<1280xf32, #tpu.memory_space<vmem>>, vector<16xf32>,
      %reduce_max3A_934 = arith.constant true
      %reduce_max3A_935 = vector.broadcast %reduce_max3A_934 : i1 to vector<16xi1>
      %reduce_max3A_936 = tpu.scan <max>, %get3A_933 masked %reduce_max3A_935 : vector<16xf32>, vector<16xi1> -> vector<16xf32>
      %reduce_max3A_937 = vector.extract %reduce_max3A_936[15] : f32 from vector<16xf32>
      %eq3A_938 = arith.constant 2 : i32
      %eq3A_939 = vector.broadcast %eq3A_938 : i32 to vector<16xi32>
      %eq3A_940 = arith.cmpi eq, %iota3A, %eq3A_939 : vector<16xi32>
      %broadcast_in_dim3A_941 = vector.broadcast %reduce_max3A_937 : f32 to vector<16xf32>
      %select_n3A_942 = arith.select %eq3A_940, %broadcast_in_dim3A_941, %select_n3A_931 : vector<16xi1>, vector<16xf32>
      %get3A_943 = arith.constant 1072 : index
      %get3A_944 = tpu.vector_load %arg7[%get3A_943] {strides = array<i32>} : memref<1280xf32, #tpu.memory_space<vmem>>, vector<16xf32>,
      %reduce_max3A_945 = arith.constant true
      %reduce_max3A_946 = vector.broadcast %reduce_max3A_945 : i1 to vector<16xi1>
      %reduce_max3A_947 = tpu.scan <max>, %get3A_944 masked %reduce_max3A_946 : vector<16xf32>, vector<16xi1> -> vector<16xf32>
      %reduce_max3A_948 = vector.extract %reduce_max3A_947[15] : f32 from vector<16xf32>
      %eq3A_949 = arith.constant 3 : i32
      %eq3A_950 = vector.broadcast %eq3A_949 : i32 to vector<16xi32>
      %eq3A_951 = arith.cmpi eq, %iota3A, %eq3A_950 : vector<16xi32>
      %broadcast_in_dim3A_952 = vector.broadcast %reduce_max3A_948 : f32 to vector<16xf32>
      %select_n3A_953 = arith.select %eq3A_951, %broadcast_in_dim3A_952, %select_n3A_942 : vector<16xi1>, vector<16xf32>
      %get3A_954 = arith.constant 1088 : index
      %get3A_955 = tpu.vector_load %arg7[%get3A_954] {strides = array<i32>} : memref<1280xf32, #tpu.memory_space<vmem>>, vector<16xf32>,
      %reduce_max3A_956 = arith.constant true
      %reduce_max3A_957 = vector.broadcast %reduce_max3A_956 : i1 to vector<16xi1>
      %reduce_max3A_958 = tpu.scan <max>, %get3A_955 masked %reduce_max3A_957 : vector<16xf32>, vector<16xi1> -> vector<16xf32>
      %reduce_max3A_959 = vector.extract %reduce_max3A_958[15] : f32 from vector<16xf32>
      %eq3A_960 = arith.constant 4 : i32
      %eq3A_961 = vector.broadcast %eq3A_960 : i32 to vector<16xi32>
      %eq3A_962 = arith.cmpi eq, %iota3A, %eq3A_961 : vector<16xi32>
      %broadcast_in_dim3A_963 = vector.broadcast %reduce_max3A_959 : f32 to vector<16xf32>
      %select_n3A_964 = arith.select %eq3A_962, %broadcast_in_dim3A_963, %select_n3A_953 : vector<16xi1>, vector<16xf32>
      %get3A_965 = arith.constant 1104 : index
      %get3A_966 = tpu.vector_load %arg7[%get3A_965] {strides = array<i32>} : memref<1280xf32, #tpu.memory_space<vmem>>, vector<16xf32>,
      %reduce_max3A_967 = arith.constant true
      %reduce_max3A_968 = vector.broadcast %reduce_max3A_967 : i1 to vector<16xi1>
      %reduce_max3A_969 = tpu.scan <max>, %get3A_966 masked %reduce_max3A_968 : vector<16xf32>, vector<16xi1> -> vector<16xf32>
      %reduce_max3A_970 = vector.extract %reduce_max3A_969[15] : f32 from vector<16xf32>
      %eq3A_971 = arith.constant 5 : i32
      %eq3A_972 = vector.broadcast %eq3A_971 : i32 to vector<16xi32>
      %eq3A_973 = arith.cmpi eq, %iota3A, %eq3A_972 : vector<16xi32>
      %broadcast_in_dim3A_974 = vector.broadcast %reduce_max3A_970 : f32 to vector<16xf32>
      %select_n3A_975 = arith.select %eq3A_973, %broadcast_in_dim3A_974, %select_n3A_964 : vector<16xi1>, vector<16xf32>
      %get3A_976 = arith.constant 1120 : index
      %get3A_977 = tpu.vector_load %arg7[%get3A_976] {strides = array<i32>} : memref<1280xf32, #tpu.memory_space<vmem>>, vector<16xf32>,
      %reduce_max3A_978 = arith.constant true
      %reduce_max3A_979 = vector.broadcast %reduce_max3A_978 : i1 to vector<16xi1>
      %reduce_max3A_980 = tpu.scan <max>, %get3A_977 masked %reduce_max3A_979 : vector<16xf32>, vector<16xi1> -> vector<16xf32>
      %reduce_max3A_981 = vector.extract %reduce_max3A_980[15] : f32 from vector<16xf32>
      %eq3A_982 = arith.constant 6 : i32
      %eq3A_983 = vector.broadcast %eq3A_982 : i32 to vector<16xi32>
      %eq3A_984 = arith.cmpi eq, %iota3A, %eq3A_983 : vector<16xi32>
      %broadcast_in_dim3A_985 = vector.broadcast %reduce_max3A_981 : f32 to vector<16xf32>
      %select_n3A_986 = arith.select %eq3A_984, %broadcast_in_dim3A_985, %select_n3A_975 : vector<16xi1>, vector<16xf32>
      %get3A_987 = arith.constant 1136 : index
      %get3A_988 = tpu.vector_load %arg7[%get3A_987] {strides = array<i32>} : memref<1280xf32, #tpu.memory_space<vmem>>, vector<16xf32>,
      %reduce_max3A_989 = arith.constant true
      %reduce_max3A_990 = vector.broadcast %reduce_max3A_989 : i1 to vector<16xi1>
      %reduce_max3A_991 = tpu.scan <max>, %get3A_988 masked %reduce_max3A_990 : vector<16xf32>, vector<16xi1> -> vector<16xf32>
      %reduce_max3A_992 = vector.extract %reduce_max3A_991[15] : f32 from vector<16xf32>
      %eq3A_993 = arith.constant 7 : i32
      %eq3A_994 = vector.broadcast %eq3A_993 : i32 to vector<16xi32>
      %eq3A_995 = arith.cmpi eq, %iota3A, %eq3A_994 : vector<16xi32>
      %broadcast_in_dim3A_996 = vector.broadcast %reduce_max3A_992 : f32 to vector<16xf32>
      %select_n3A_997 = arith.select %eq3A_995, %broadcast_in_dim3A_996, %select_n3A_986 : vector<16xi1>, vector<16xf32>
      %get3A_998 = arith.constant 1152 : index
      %get3A_999 = tpu.vector_load %arg7[%get3A_998] {strides = array<i32>} : memref<1280xf32, #tpu.memory_space<vmem>>, vector<16xf32>,
      %reduce_max3A_1000 = arith.constant true
      %reduce_max3A_1001 = vector.broadcast %reduce_max3A_1000 : i1 to vector<16xi1>
      %reduce_max3A_1002 = tpu.scan <max>, %get3A_999 masked %reduce_max3A_1001 : vector<16xf32>, vector<16xi1> -> vector<16xf32>
      %reduce_max3A_1003 = vector.extract %reduce_max3A_1002[15] : f32 from vector<16xf32>
      %eq3A_1004 = arith.constant 8 : i32
      %eq3A_1005 = vector.broadcast %eq3A_1004 : i32 to vector<16xi32>
      %eq3A_1006 = arith.cmpi eq, %iota3A, %eq3A_1005 : vector<16xi32>
      %broadcast_in_dim3A_1007 = vector.broadcast %reduce_max3A_1003 : f32 to vector<16xf32>
      %select_n3A_1008 = arith.select %eq3A_1006, %broadcast_in_dim3A_1007, %select_n3A_997 : vector<16xi1>, vector<16xf32>
      %get3A_1009 = arith.constant 1168 : index
      %get3A_1010 = tpu.vector_load %arg7[%get3A_1009] {strides = array<i32>} : memref<1280xf32, #tpu.memory_space<vmem>>, vector<16xf32>,
      %reduce_max3A_1011 = arith.constant true
      %reduce_max3A_1012 = vector.broadcast %reduce_max3A_1011 : i1 to vector<16xi1>
      %reduce_max3A_1013 = tpu.scan <max>, %get3A_1010 masked %reduce_max3A_1012 : vector<16xf32>, vector<16xi1> -> vector<16xf32>
      %reduce_max3A_1014 = vector.extract %reduce_max3A_1013[15] : f32 from vector<16xf32>
      %eq3A_1015 = arith.constant 9 : i32
      %eq3A_1016 = vector.broadcast %eq3A_1015 : i32 to vector<16xi32>
      %eq3A_1017 = arith.cmpi eq, %iota3A, %eq3A_1016 : vector<16xi32>
      %broadcast_in_dim3A_1018 = vector.broadcast %reduce_max3A_1014 : f32 to vector<16xf32>
      %select_n3A_1019 = arith.select %eq3A_1017, %broadcast_in_dim3A_1018, %select_n3A_1008 : vector<16xi1>, vector<16xf32>
      %get3A_1020 = arith.constant 1184 : index
      %get3A_1021 = tpu.vector_load %arg7[%get3A_1020] {strides = array<i32>} : memref<1280xf32, #tpu.memory_space<vmem>>, vector<16xf32>,
      %reduce_max3A_1022 = arith.constant true
      %reduce_max3A_1023 = vector.broadcast %reduce_max3A_1022 : i1 to vector<16xi1>
      %reduce_max3A_1024 = tpu.scan <max>, %get3A_1021 masked %reduce_max3A_1023 : vector<16xf32>, vector<16xi1> -> vector<16xf32>
      %reduce_max3A_1025 = vector.extract %reduce_max3A_1024[15] : f32 from vector<16xf32>
      %eq3A_1026 = arith.constant 10 : i32
      %eq3A_1027 = vector.broadcast %eq3A_1026 : i32 to vector<16xi32>
      %eq3A_1028 = arith.cmpi eq, %iota3A, %eq3A_1027 : vector<16xi32>
      %broadcast_in_dim3A_1029 = vector.broadcast %reduce_max3A_1025 : f32 to vector<16xf32>
      %select_n3A_1030 = arith.select %eq3A_1028, %broadcast_in_dim3A_1029, %select_n3A_1019 : vector<16xi1>, vector<16xf32>
      %get3A_1031 = arith.constant 1200 : index
      %get3A_1032 = tpu.vector_load %arg7[%get3A_1031] {strides = array<i32>} : memref<1280xf32, #tpu.memory_space<vmem>>, vector<16xf32>,
      %reduce_max3A_1033 = arith.constant true
      %reduce_max3A_1034 = vector.broadcast %reduce_max3A_1033 : i1 to vector<16xi1>
      %reduce_max3A_1035 = tpu.scan <max>, %get3A_1032 masked %reduce_max3A_1034 : vector<16xf32>, vector<16xi1> -> vector<16xf32>
      %reduce_max3A_1036 = vector.extract %reduce_max3A_1035[15] : f32 from vector<16xf32>
      %eq3A_1037 = arith.constant 11 : i32
      %eq3A_1038 = vector.broadcast %eq3A_1037 : i32 to vector<16xi32>
      %eq3A_1039 = arith.cmpi eq, %iota3A, %eq3A_1038 : vector<16xi32>
      %broadcast_in_dim3A_1040 = vector.broadcast %reduce_max3A_1036 : f32 to vector<16xf32>
      %select_n3A_1041 = arith.select %eq3A_1039, %broadcast_in_dim3A_1040, %select_n3A_1030 : vector<16xi1>, vector<16xf32>
      %get3A_1042 = arith.constant 1216 : index
      %get3A_1043 = tpu.vector_load %arg7[%get3A_1042] {strides = array<i32>} : memref<1280xf32, #tpu.memory_space<vmem>>, vector<16xf32>,
      %reduce_max3A_1044 = arith.constant true
      %reduce_max3A_1045 = vector.broadcast %reduce_max3A_1044 : i1 to vector<16xi1>
      %reduce_max3A_1046 = tpu.scan <max>, %get3A_1043 masked %reduce_max3A_1045 : vector<16xf32>, vector<16xi1> -> vector<16xf32>
      %reduce_max3A_1047 = vector.extract %reduce_max3A_1046[15] : f32 from vector<16xf32>
      %eq3A_1048 = arith.constant 12 : i32
      %eq3A_1049 = vector.broadcast %eq3A_1048 : i32 to vector<16xi32>
      %eq3A_1050 = arith.cmpi eq, %iota3A, %eq3A_1049 : vector<16xi32>
      %broadcast_in_dim3A_1051 = vector.broadcast %reduce_max3A_1047 : f32 to vector<16xf32>
      %select_n3A_1052 = arith.select %eq3A_1050, %broadcast_in_dim3A_1051, %select_n3A_1041 : vector<16xi1>, vector<16xf32>
      %get3A_1053 = arith.constant 1232 : index
      %get3A_1054 = tpu.vector_load %arg7[%get3A_1053] {strides = array<i32>} : memref<1280xf32, #tpu.memory_space<vmem>>, vector<16xf32>,
      %reduce_max3A_1055 = arith.constant true
      %reduce_max3A_1056 = vector.broadcast %reduce_max3A_1055 : i1 to vector<16xi1>
      %reduce_max3A_1057 = tpu.scan <max>, %get3A_1054 masked %reduce_max3A_1056 : vector<16xf32>, vector<16xi1> -> vector<16xf32>
      %reduce_max3A_1058 = vector.extract %reduce_max3A_1057[15] : f32 from vector<16xf32>
      %eq3A_1059 = arith.constant 13 : i32
      %eq3A_1060 = vector.broadcast %eq3A_1059 : i32 to vector<16xi32>
      %eq3A_1061 = arith.cmpi eq, %iota3A, %eq3A_1060 : vector<16xi32>
      %broadcast_in_dim3A_1062 = vector.broadcast %reduce_max3A_1058 : f32 to vector<16xf32>
      %select_n3A_1063 = arith.select %eq3A_1061, %broadcast_in_dim3A_1062, %select_n3A_1052 : vector<16xi1>, vector<16xf32>
      %get3A_1064 = arith.constant 1248 : index
      %get3A_1065 = tpu.vector_load %arg7[%get3A_1064] {strides = array<i32>} : memref<1280xf32, #tpu.memory_space<vmem>>, vector<16xf32>,
      %reduce_max3A_1066 = arith.constant true
      %reduce_max3A_1067 = vector.broadcast %reduce_max3A_1066 : i1 to vector<16xi1>
      %reduce_max3A_1068 = tpu.scan <max>, %get3A_1065 masked %reduce_max3A_1067 : vector<16xf32>, vector<16xi1> -> vector<16xf32>
      %reduce_max3A_1069 = vector.extract %reduce_max3A_1068[15] : f32 from vector<16xf32>
      %eq3A_1070 = arith.constant 14 : i32
      %eq3A_1071 = vector.broadcast %eq3A_1070 : i32 to vector<16xi32>
      %eq3A_1072 = arith.cmpi eq, %iota3A, %eq3A_1071 : vector<16xi32>
      %broadcast_in_dim3A_1073 = vector.broadcast %reduce_max3A_1069 : f32 to vector<16xf32>
      %select_n3A_1074 = arith.select %eq3A_1072, %broadcast_in_dim3A_1073, %select_n3A_1063 : vector<16xi1>, vector<16xf32>
      %get3A_1075 = arith.constant 1264 : index
      %get3A_1076 = tpu.vector_load %arg7[%get3A_1075] {strides = array<i32>} : memref<1280xf32, #tpu.memory_space<vmem>>, vector<16xf32>,
      %reduce_max3A_1077 = arith.constant true
      %reduce_max3A_1078 = vector.broadcast %reduce_max3A_1077 : i1 to vector<16xi1>
      %reduce_max3A_1079 = tpu.scan <max>, %get3A_1076 masked %reduce_max3A_1078 : vector<16xf32>, vector<16xi1> -> vector<16xf32>
      %reduce_max3A_1080 = vector.extract %reduce_max3A_1079[15] : f32 from vector<16xf32>
      %eq3A_1081 = arith.constant 15 : i32
      %eq3A_1082 = vector.broadcast %eq3A_1081 : i32 to vector<16xi32>
      %eq3A_1083 = arith.cmpi eq, %iota3A, %eq3A_1082 : vector<16xi32>
      %broadcast_in_dim3A_1084 = vector.broadcast %reduce_max3A_1080 : f32 to vector<16xf32>
      %select_n3A_1085 = arith.select %eq3A_1083, %broadcast_in_dim3A_1084, %select_n3A_1074 : vector<16xi1>, vector<16xf32>
      %max3A = arith.maximumf %select_n3A_373, %select_n3A_551 : vector<16xf32>
      %max3A_1086 = arith.maximumf %select_n3A_729, %select_n3A_907 : vector<16xf32>
      %max3A_1087 = arith.maximumf %max3A, %max3A_1086 : vector<16xf32>
      %max3A_1088 = arith.maximumf %max3A_1087, %select_n3A_1085 : vector<16xf32>
      %reduce_max3A_1089 = arith.constant true
      %reduce_max3A_1090 = vector.broadcast %reduce_max3A_1089 : i1 to vector<16xi1>
      %reduce_max3A_1091 = tpu.scan <max>, %max3A_1088 masked %reduce_max3A_1090 : vector<16xf32>, vector<16xi1> -> vector<16xf32>
      %reduce_max3A_1092 = vector.extract %reduce_max3A_1091[15] : f32 from vector<16xf32>
      %dma_wait3A = arith.constant 0 : i32
      %dma_wait3A_1093 = tpu.memref_slice %arg5[%dma_wait3A] : memref<80016xf32, #tpu.memory_space<vmem>> -> memref<80000xf32, #tpu.memory_space<vmem>>
      %dma_wait3A_1094 = arith.constant 0 : i32
      %dma_wait3A_1095 = tpu.memref_slice %arg5[%dma_wait3A_1094] : memref<80016xf32, #tpu.memory_space<vmem>> -> memref<80000xf32, #tpu.memory_space<vmem>>
      tpu.wait_dma2 semaphore(%arg14 : memref<!tpu.dma_semaphore, #tpu.memory_space<semaphore_mem>>) src(%arg2 : memref<80000xf32, #tpu.memory_space<hbm>>) dst(%dma_wait3A_1095 : memref<80000xf32, #tpu.memory_space<vmem>>)
      %while3A = arith.constant 0 : i32
      %while3A_1096 = arith.constant 0 : i32
      %while3A_1097:8 = scf.while (%while3A_1098 = %while3A, %while3A_1099 = %while3A_1096, %while3A_1100 = %reduce_max3A_1092, %while3A_1101 = %select_n3A_373, %while3A_1102 = %select_n3A_551, %while3A_1103 = %select_n3A_729, %while3A_1104 = %select_n3A_907, %while3A_1105 = %select_n3A_1085) : (i32, i32, f32, vector<16xf32>, vector<16xf32>, vector<16xf32>, vector<16xf32>, vector<16xf32>) -> (i32, i32, f32, vector<16xf32>, vector<16xf32>, vector<16xf32>, vector<16xf32>, vector<16xf32>) {
        %lt3A = arith.constant 100 : i32
        %lt3A_1106 = arith.cmpi slt, %while3A_1098, %lt3A : i32
        %eq3A_1107 = arith.constant 0 : i32
        %eq3A_1108 = arith.cmpi eq, %while3A_1099, %eq3A_1107 : i32
        %and3A_1109 = arith.andi %lt3A_1106, %eq3A_1108 : i1
        scf.condition(%and3A_1109) %while3A_1098, %while3A_1099, %while3A_1100, %while3A_1101, %while3A_1102, %while3A_1103, %while3A_1104, %while3A_1105 : i32, i32, f32, vector<16xf32>, vector<16xf32>, vector<16xf32>, vector<16xf32>, vector<16xf32>
      } do {
      ^bb0(%while3A_1098: i32, %while3A_1099: i32, %while3A_1100: f32, %while3A_1101: vector<16xf32>, %while3A_1102: vector<16xf32>, %while3A_1103: vector<16xf32>, %while3A_1104: vector<16xf32>, %while3A_1105: vector<16xf32>):
        %gt3A = arith.constant 0xFF800000 : f32
        %gt3A_1106 = arith.cmpf ogt, %while3A_1100, %gt3A : f32
        %eq3A_1107 = vector.broadcast %while3A_1100 : f32 to vector<16xf32>
        %eq3A_1108 = arith.cmpf oeq, %while3A_1101, %eq3A_1107 : vector<16xf32>
        %all_reduce_ffs3A = tpu.all_reduce %eq3A_1108 {dim = 0 : i64, kind = #tpu.reduction_kind<find_first_set>} : vector<16xi1> -> vector<16xi32>
        %slice3A = vector.extract_strided_slice %all_reduce_ffs3A {offsets = [0], sizes = [1], strides = [1]} : vector<16xi32> to vector<1xi32>
        %squeeze3A = vector.extract %slice3A[0] : i32 from vector<1xi32>
        %lt3A = arith.constant 16 : i32
        %lt3A_1109 = arith.cmpi slt, %squeeze3A, %lt3A : i32
        %add3A = arith.constant 0 : i32
        %add3A_1110 = arith.addi %add3A, %squeeze3A : i32
        %jit3A = arith.constant 10000 : i32
        %select_n3A_1111 = arith.select %lt3A_1109, %add3A_1110, %jit3A : i32
        %min3A = arith.constant 10000 : i32
        %min3A_1112 = arith.minsi %min3A, %select_n3A_1111 : i32
        %eq3A_1113 = vector.broadcast %while3A_1100 : f32 to vector<16xf32>
        %eq3A_1114 = arith.cmpf oeq, %while3A_1102, %eq3A_1113 : vector<16xf32>
        %all_reduce_ffs3A_1115 = tpu.all_reduce %eq3A_1114 {dim = 0 : i64, kind = #tpu.reduction_kind<find_first_set>} : vector<16xi1> -> vector<16xi32>
        %slice3A_1116 = vector.extract_strided_slice %all_reduce_ffs3A_1115 {offsets = [0], sizes = [1], strides = [1]} : vector<16xi32> to vector<1xi32>
        %squeeze3A_1117 = vector.extract %slice3A_1116[0] : i32 from vector<1xi32>
        %lt3A_1118 = arith.constant 16 : i32
        %lt3A_1119 = arith.cmpi slt, %squeeze3A_1117, %lt3A_1118 : i32
        %add3A_1120 = arith.constant 16 : i32
        %add3A_1121 = arith.addi %add3A_1120, %squeeze3A_1117 : i32
        %jit3A_1122 = arith.constant 10000 : i32
        %select_n3A_1123 = arith.select %lt3A_1119, %add3A_1121, %jit3A_1122 : i32
        %min3A_1124 = arith.minsi %min3A_1112, %select_n3A_1123 : i32
        %eq3A_1125 = vector.broadcast %while3A_1100 : f32 to vector<16xf32>
        %eq3A_1126 = arith.cmpf oeq, %while3A_1103, %eq3A_1125 : vector<16xf32>
        %all_reduce_ffs3A_1127 = tpu.all_reduce %eq3A_1126 {dim = 0 : i64, kind = #tpu.reduction_kind<find_first_set>} : vector<16xi1> -> vector<16xi32>
        %slice3A_1128 = vector.extract_strided_slice %all_reduce_ffs3A_1127 {offsets = [0], sizes = [1], strides = [1]} : vector<16xi32> to vector<1xi32>
        %squeeze3A_1129 = vector.extract %slice3A_1128[0] : i32 from vector<1xi32>
        %lt3A_1130 = arith.constant 16 : i32
        %lt3A_1131 = arith.cmpi slt, %squeeze3A_1129, %lt3A_1130 : i32
        %add3A_1132 = arith.constant 32 : i32
        %add3A_1133 = arith.addi %add3A_1132, %squeeze3A_1129 : i32
        %jit3A_1134 = arith.constant 10000 : i32
        %select_n3A_1135 = arith.select %lt3A_1131, %add3A_1133, %jit3A_1134 : i32
        %min3A_1136 = arith.minsi %min3A_1124, %select_n3A_1135 : i32
        %eq3A_1137 = vector.broadcast %while3A_1100 : f32 to vector<16xf32>
        %eq3A_1138 = arith.cmpf oeq, %while3A_1104, %eq3A_1137 : vector<16xf32>
        %all_reduce_ffs3A_1139 = tpu.all_reduce %eq3A_1138 {dim = 0 : i64, kind = #tpu.reduction_kind<find_first_set>} : vector<16xi1> -> vector<16xi32>
        %slice3A_1140 = vector.extract_strided_slice %all_reduce_ffs3A_1139 {offsets = [0], sizes = [1], strides = [1]} : vector<16xi32> to vector<1xi32>
        %squeeze3A_1141 = vector.extract %slice3A_1140[0] : i32 from vector<1xi32>
        %lt3A_1142 = arith.constant 16 : i32
        %lt3A_1143 = arith.cmpi slt, %squeeze3A_1141, %lt3A_1142 : i32
        %add3A_1144 = arith.constant 48 : i32
        %add3A_1145 = arith.addi %add3A_1144, %squeeze3A_1141 : i32
        %jit3A_1146 = arith.constant 10000 : i32
        %select_n3A_1147 = arith.select %lt3A_1143, %add3A_1145, %jit3A_1146 : i32
        %min3A_1148 = arith.minsi %min3A_1136, %select_n3A_1147 : i32
        %eq3A_1149 = vector.broadcast %while3A_1100 : f32 to vector<16xf32>
        %eq3A_1150 = arith.cmpf oeq, %while3A_1105, %eq3A_1149 : vector<16xf32>
        %all_reduce_ffs3A_1151 = tpu.all_reduce %eq3A_1150 {dim = 0 : i64, kind = #tpu.reduction_kind<find_first_set>} : vector<16xi1> -> vector<16xi32>
        %slice3A_1152 = vector.extract_strided_slice %all_reduce_ffs3A_1151 {offsets = [0], sizes = [1], strides = [1]} : vector<16xi32> to vector<1xi32>
        %squeeze3A_1153 = vector.extract %slice3A_1152[0] : i32 from vector<1xi32>
        %lt3A_1154 = arith.constant 16 : i32
        %lt3A_1155 = arith.cmpi slt, %squeeze3A_1153, %lt3A_1154 : i32
        %add3A_1156 = arith.constant 64 : i32
        %add3A_1157 = arith.addi %add3A_1156, %squeeze3A_1153 : i32
        %jit3A_1158 = arith.constant 10000 : i32
        %select_n3A_1159 = arith.select %lt3A_1155, %add3A_1157, %jit3A_1158 : i32
        %min3A_1160 = arith.minsi %min3A_1148, %select_n3A_1159 : i32
        %min3A_1161 = arith.constant 79 : i32
        %min3A_1162 = arith.minsi %min3A_1160, %min3A_1161 : i32
        %shift_right_arithmetic3A = arith.constant 4 : i32
        %shift_right_arithmetic3A_1163 = arith.shrsi %min3A_1162, %shift_right_arithmetic3A : i32
        %and3A_1164 = arith.constant 15 : i32
        %and3A_1165 = arith.andi %min3A_1162, %and3A_1164 : i32
        %mul3A = arith.constant 16 : i32
        %mul3A_1166 = arith.muli %min3A_1162, %mul3A : i32
        %multiple_of3A = tpu.assume_multiple %mul3A_1166, 16 : i32
        %get3A_1167 = arith.index_cast %multiple_of3A : i32 to index
        %get3A_1168 = tpu.vector_load %arg7[%get3A_1167] {strides = array<i32>} : memref<1280xf32, #tpu.memory_space<vmem>>, vector<16xf32>,
        %eq3A_1169 = vector.broadcast %while3A_1100 : f32 to vector<16xf32>
        %eq3A_1170 = arith.cmpf oeq, %get3A_1168, %eq3A_1169 : vector<16xf32>
        %all_reduce_ffs3A_1171 = tpu.all_reduce %eq3A_1170 {dim = 0 : i64, kind = #tpu.reduction_kind<find_first_set>} : vector<16xi1> -> vector<16xi32>
        %slice3A_1172 = vector.extract_strided_slice %all_reduce_ffs3A_1171 {offsets = [0], sizes = [1], strides = [1]} : vector<16xi32> to vector<1xi32>
        %squeeze3A_1173 = vector.extract %slice3A_1172[0] : i32 from vector<1xi32>
        %min3A_1174 = arith.constant 15 : i32
        %min3A_1175 = arith.minsi %squeeze3A_1173, %min3A_1174 : i32
        %mul3A_1176 = arith.constant 16 : i32
        %mul3A_1177 = arith.muli %min3A_1162, %mul3A_1176 : i32
        %add3A_1178 = arith.addi %mul3A_1177, %min3A_1175 : i32
        %mul3A_1179 = arith.constant 16 : i32
        %mul3A_1180 = arith.muli %add3A_1178, %mul3A_1179 : i32
        %multiple_of3A_1181 = tpu.assume_multiple %mul3A_1180, 16 : i32
        %get3A_1182 = arith.index_cast %multiple_of3A_1181 : i32 to index
        %get3A_1183 = tpu.vector_load %arg6[%get3A_1182] {strides = array<i32>} : memref<20224xf32, #tpu.memory_space<vmem>>, vector<16xf32>,
        %eq3A_1184 = vector.broadcast %while3A_1100 : f32 to vector<16xf32>
        %eq3A_1185 = arith.cmpf oeq, %get3A_1183, %eq3A_1184 : vector<16xf32>
        %all_reduce_ffs3A_1186 = tpu.all_reduce %eq3A_1185 {dim = 0 : i64, kind = #tpu.reduction_kind<find_first_set>} : vector<16xi1> -> vector<16xi32>
        %slice3A_1187 = vector.extract_strided_slice %all_reduce_ffs3A_1186 {offsets = [0], sizes = [1], strides = [1]} : vector<16xi32> to vector<1xi32>
        %squeeze3A_1188 = vector.extract %slice3A_1187[0] : i32 from vector<1xi32>
        %min3A_1189 = arith.constant 15 : i32
        %min3A_1190 = arith.minsi %squeeze3A_1188, %min3A_1189 : i32
        %mul3A_1191 = arith.constant 16 : i32
        %mul3A_1192 = arith.muli %add3A_1178, %mul3A_1191 : i32
        %add3A_1193 = arith.addi %mul3A_1192, %min3A_1190 : i32
        %min3A_1194 = arith.constant 19999 : i32
        %min3A_1195 = arith.minsi %add3A_1193, %min3A_1194 : i32
        %mul3A_1196 = arith.constant 4 : i32
        %mul3A_1197 = arith.muli %min3A_1195, %mul3A_1196 : i32
        %multiple_of3A_1198 = tpu.assume_multiple %mul3A_1197, 4 : i32
        %get3A_1199 = arith.index_cast %multiple_of3A_1198 : i32 to index
        %get3A_1200 = tpu.vector_load %arg5[%get3A_1199] {strides = array<i32>} : memref<80016xf32, #tpu.memory_space<vmem>>, vector<16xf32>,
        %slice3A_1201 = vector.extract_strided_slice %get3A_1200 {offsets = [0], sizes = [1], strides = [1]} : vector<16xf32> to vector<1xf32>
        %squeeze3A_1202 = vector.extract %slice3A_1201[0] : f32 from vector<1xf32>
        %slice3A_1203 = vector.extract_strided_slice %get3A_1200 {offsets = [1], sizes = [1], strides = [1]} : vector<16xf32> to vector<1xf32>
        %squeeze3A_1204 = vector.extract %slice3A_1203[0] : f32 from vector<1xf32>
        %slice3A_1205 = vector.extract_strided_slice %get3A_1200 {offsets = [2], sizes = [1], strides = [1]} : vector<16xf32> to vector<1xf32>
        %squeeze3A_1206 = vector.extract %slice3A_1205[0] : f32 from vector<1xf32>
        %slice3A_1207 = vector.extract_strided_slice %get3A_1200 {offsets = [3], sizes = [1], strides = [1]} : vector<16xf32> to vector<1xf32>
        %squeeze3A_1208 = vector.extract %slice3A_1207[0] : f32 from vector<1xf32>
        %sub3A = arith.subf %squeeze3A_1206, %squeeze3A_1202 : f32
        %sub3A_1209 = arith.subf %squeeze3A_1208, %squeeze3A_1204 : f32
        %mul3A_1210 = arith.mulf %sub3A, %sub3A_1209 : f32
        %broadcast_in_dim3A_1211 = arith.constant false
        %broadcast_in_dim3A_1212 = vector.broadcast %broadcast_in_dim3A_1211 : i1 to vector<16xi1>
        %add3A_1213 = arith.constant 0 : i32
        %add3A_1214 = vector.broadcast %add3A_1213 : i32 to vector<16xi32>
        %add3A_1215 = arith.addi %add3A_1214, %iota3A : vector<16xi32>
        %lt3A_1216 = vector.broadcast %while3A_1098 : i32 to vector<16xi32>
        %lt3A_1217 = arith.cmpi slt, %add3A_1215, %lt3A_1216 : vector<16xi32>
        %get3A_1218 = arith.constant 0 : index
        %get3A_1219 = tpu.vector_load %arg8[%get3A_1218] {strides = array<i32>} : memref<112xf32, #tpu.memory_space<vmem>>, vector<16xf32>,
        %max3A_1220 = vector.broadcast %squeeze3A_1202 : f32 to vector<16xf32>
        %max3A_1221 = arith.maximumf %max3A_1220, %get3A_1219 : vector<16xf32>
        %get3A_1222 = arith.constant 0 : index
        %get3A_1223 = tpu.vector_load %arg9[%get3A_1222] {strides = array<i32>} : memref<112xf32, #tpu.memory_space<vmem>>, vector<16xf32>,
        %max3A_1224 = vector.broadcast %squeeze3A_1204 : f32 to vector<16xf32>
        %max3A_1225 = arith.maximumf %max3A_1224, %get3A_1223 : vector<16xf32>
        %get3A_1226 = arith.constant 0 : index
        %get3A_1227 = tpu.vector_load %arg10[%get3A_1226] {strides = array<i32>} : memref<112xf32, #tpu.memory_space<vmem>>, vector<16xf32>,
        %min3A_1228 = vector.broadcast %squeeze3A_1206 : f32 to vector<16xf32>
        %min3A_1229 = arith.minimumf %min3A_1228, %get3A_1227 : vector<16xf32>
        %get3A_1230 = arith.constant 0 : index
        %get3A_1231 = tpu.vector_load %arg11[%get3A_1230] {strides = array<i32>} : memref<112xf32, #tpu.memory_space<vmem>>, vector<16xf32>,
        %min3A_1232 = vector.broadcast %squeeze3A_1208 : f32 to vector<16xf32>
        %min3A_1233 = arith.minimumf %min3A_1232, %get3A_1231 : vector<16xf32>
        %sub3A_1234 = arith.subf %min3A_1229, %max3A_1221 : vector<16xf32>
        %max3A_1235 = arith.constant 0.000000e+00 : f32
        %max3A_1236 = vector.broadcast %max3A_1235 : f32 to vector<16xf32>
        %max3A_1237 = arith.maximumf %sub3A_1234, %max3A_1236 : vector<16xf32>
        %sub3A_1238 = arith.subf %min3A_1233, %max3A_1225 : vector<16xf32>
        %max3A_1239 = arith.constant 0.000000e+00 : f32
        %max3A_1240 = vector.broadcast %max3A_1239 : f32 to vector<16xf32>
        %max3A_1241 = arith.maximumf %sub3A_1238, %max3A_1240 : vector<16xf32>
        %mul3A_1242 = arith.mulf %max3A_1237, %max3A_1241 : vector<16xf32>
        %get3A_1243 = arith.constant 0 : index
        %get3A_1244 = tpu.vector_load %arg12[%get3A_1243] {strides = array<i32>} : memref<112xf32, #tpu.memory_space<vmem>>, vector<16xf32>,
        %add3A_1245 = vector.broadcast %mul3A_1210 : f32 to vector<16xf32>
        %add3A_1246 = arith.addf %add3A_1245, %get3A_1244 : vector<16xf32>
        %sub3A_1247 = arith.subf %add3A_1246, %mul3A_1242 : vector<16xf32>
        %max3A_1248 = arith.constant 9.99999971E-10 : f32
        %max3A_1249 = vector.broadcast %max3A_1248 : f32 to vector<16xf32>
        %max3A_1250 = arith.maximumf %sub3A_1247, %max3A_1249 : vector<16xf32>
        %div3A = arith.divf %mul3A_1242, %max3A_1250 : vector<16xf32>
        %gt3A_1251 = arith.constant 5.000000e-01 : f32
        %gt3A_1252 = vector.broadcast %gt3A_1251 : f32 to vector<16xf32>
        %gt3A_1253 = arith.cmpf ogt, %div3A, %gt3A_1252 : vector<16xf32>
        %and3A_1254 = arith.andi %lt3A_1217, %gt3A_1253 : vector<16xi1>
        %or3A = arith.ori %broadcast_in_dim3A_1212, %and3A_1254 : vector<16xi1>
        %add3A_1255 = arith.constant 16 : i32
        %add3A_1256 = vector.broadcast %add3A_1255 : i32 to vector<16xi32>
        %add3A_1257 = arith.addi %add3A_1256, %iota3A : vector<16xi32>
        %lt3A_1258 = vector.broadcast %while3A_1098 : i32 to vector<16xi32>
        %lt3A_1259 = arith.cmpi slt, %add3A_1257, %lt3A_1258 : vector<16xi32>
        %get3A_1260 = arith.constant 16 : index
        %get3A_1261 = tpu.vector_load %arg8[%get3A_1260] {strides = array<i32>} : memref<112xf32, #tpu.memory_space<vmem>>, vector<16xf32>,
        %max3A_1262 = vector.broadcast %squeeze3A_1202 : f32 to vector<16xf32>
        %max3A_1263 = arith.maximumf %max3A_1262, %get3A_1261 : vector<16xf32>
        %get3A_1264 = arith.constant 16 : index
        %get3A_1265 = tpu.vector_load %arg9[%get3A_1264] {strides = array<i32>} : memref<112xf32, #tpu.memory_space<vmem>>, vector<16xf32>,
        %max3A_1266 = vector.broadcast %squeeze3A_1204 : f32 to vector<16xf32>
        %max3A_1267 = arith.maximumf %max3A_1266, %get3A_1265 : vector<16xf32>
        %get3A_1268 = arith.constant 16 : index
        %get3A_1269 = tpu.vector_load %arg10[%get3A_1268] {strides = array<i32>} : memref<112xf32, #tpu.memory_space<vmem>>, vector<16xf32>,
        %min3A_1270 = vector.broadcast %squeeze3A_1206 : f32 to vector<16xf32>
        %min3A_1271 = arith.minimumf %min3A_1270, %get3A_1269 : vector<16xf32>
        %get3A_1272 = arith.constant 16 : index
        %get3A_1273 = tpu.vector_load %arg11[%get3A_1272] {strides = array<i32>} : memref<112xf32, #tpu.memory_space<vmem>>, vector<16xf32>,
        %min3A_1274 = vector.broadcast %squeeze3A_1208 : f32 to vector<16xf32>
        %min3A_1275 = arith.minimumf %min3A_1274, %get3A_1273 : vector<16xf32>
        %sub3A_1276 = arith.subf %min3A_1271, %max3A_1263 : vector<16xf32>
        %max3A_1277 = arith.constant 0.000000e+00 : f32
        %max3A_1278 = vector.broadcast %max3A_1277 : f32 to vector<16xf32>
        %max3A_1279 = arith.maximumf %sub3A_1276, %max3A_1278 : vector<16xf32>
        %sub3A_1280 = arith.subf %min3A_1275, %max3A_1267 : vector<16xf32>
        %max3A_1281 = arith.constant 0.000000e+00 : f32
        %max3A_1282 = vector.broadcast %max3A_1281 : f32 to vector<16xf32>
        %max3A_1283 = arith.maximumf %sub3A_1280, %max3A_1282 : vector<16xf32>
        %mul3A_1284 = arith.mulf %max3A_1279, %max3A_1283 : vector<16xf32>
        %get3A_1285 = arith.constant 16 : index
        %get3A_1286 = tpu.vector_load %arg12[%get3A_1285] {strides = array<i32>} : memref<112xf32, #tpu.memory_space<vmem>>, vector<16xf32>,
        %add3A_1287 = vector.broadcast %mul3A_1210 : f32 to vector<16xf32>
        %add3A_1288 = arith.addf %add3A_1287, %get3A_1286 : vector<16xf32>
        %sub3A_1289 = arith.subf %add3A_1288, %mul3A_1284 : vector<16xf32>
        %max3A_1290 = arith.constant 9.99999971E-10 : f32
        %max3A_1291 = vector.broadcast %max3A_1290 : f32 to vector<16xf32>
        %max3A_1292 = arith.maximumf %sub3A_1289, %max3A_1291 : vector<16xf32>
        %div3A_1293 = arith.divf %mul3A_1284, %max3A_1292 : vector<16xf32>
        %gt3A_1294 = arith.constant 5.000000e-01 : f32
        %gt3A_1295 = vector.broadcast %gt3A_1294 : f32 to vector<16xf32>
        %gt3A_1296 = arith.cmpf ogt, %div3A_1293, %gt3A_1295 : vector<16xf32>
        %and3A_1297 = arith.andi %lt3A_1259, %gt3A_1296 : vector<16xi1>
        %or3A_1298 = arith.ori %or3A, %and3A_1297 : vector<16xi1>
        %add3A_1299 = arith.constant 32 : i32
        %add3A_1300 = vector.broadcast %add3A_1299 : i32 to vector<16xi32>
        %add3A_1301 = arith.addi %add3A_1300, %iota3A : vector<16xi32>
        %lt3A_1302 = vector.broadcast %while3A_1098 : i32 to vector<16xi32>
        %lt3A_1303 = arith.cmpi slt, %add3A_1301, %lt3A_1302 : vector<16xi32>
        %get3A_1304 = arith.constant 32 : index
        %get3A_1305 = tpu.vector_load %arg8[%get3A_1304] {strides = array<i32>} : memref<112xf32, #tpu.memory_space<vmem>>, vector<16xf32>,
        %max3A_1306 = vector.broadcast %squeeze3A_1202 : f32 to vector<16xf32>
        %max3A_1307 = arith.maximumf %max3A_1306, %get3A_1305 : vector<16xf32>
        %get3A_1308 = arith.constant 32 : index
        %get3A_1309 = tpu.vector_load %arg9[%get3A_1308] {strides = array<i32>} : memref<112xf32, #tpu.memory_space<vmem>>, vector<16xf32>,
        %max3A_1310 = vector.broadcast %squeeze3A_1204 : f32 to vector<16xf32>
        %max3A_1311 = arith.maximumf %max3A_1310, %get3A_1309 : vector<16xf32>
        %get3A_1312 = arith.constant 32 : index
        %get3A_1313 = tpu.vector_load %arg10[%get3A_1312] {strides = array<i32>} : memref<112xf32, #tpu.memory_space<vmem>>, vector<16xf32>,
        %min3A_1314 = vector.broadcast %squeeze3A_1206 : f32 to vector<16xf32>
        %min3A_1315 = arith.minimumf %min3A_1314, %get3A_1313 : vector<16xf32>
        %get3A_1316 = arith.constant 32 : index
        %get3A_1317 = tpu.vector_load %arg11[%get3A_1316] {strides = array<i32>} : memref<112xf32, #tpu.memory_space<vmem>>, vector<16xf32>,
        %min3A_1318 = vector.broadcast %squeeze3A_1208 : f32 to vector<16xf32>
        %min3A_1319 = arith.minimumf %min3A_1318, %get3A_1317 : vector<16xf32>
        %sub3A_1320 = arith.subf %min3A_1315, %max3A_1307 : vector<16xf32>
        %max3A_1321 = arith.constant 0.000000e+00 : f32
        %max3A_1322 = vector.broadcast %max3A_1321 : f32 to vector<16xf32>
        %max3A_1323 = arith.maximumf %sub3A_1320, %max3A_1322 : vector<16xf32>
        %sub3A_1324 = arith.subf %min3A_1319, %max3A_1311 : vector<16xf32>
        %max3A_1325 = arith.constant 0.000000e+00 : f32
        %max3A_1326 = vector.broadcast %max3A_1325 : f32 to vector<16xf32>
        %max3A_1327 = arith.maximumf %sub3A_1324, %max3A_1326 : vector<16xf32>
        %mul3A_1328 = arith.mulf %max3A_1323, %max3A_1327 : vector<16xf32>
        %get3A_1329 = arith.constant 32 : index
        %get3A_1330 = tpu.vector_load %arg12[%get3A_1329] {strides = array<i32>} : memref<112xf32, #tpu.memory_space<vmem>>, vector<16xf32>,
        %add3A_1331 = vector.broadcast %mul3A_1210 : f32 to vector<16xf32>
        %add3A_1332 = arith.addf %add3A_1331, %get3A_1330 : vector<16xf32>
        %sub3A_1333 = arith.subf %add3A_1332, %mul3A_1328 : vector<16xf32>
        %max3A_1334 = arith.constant 9.99999971E-10 : f32
        %max3A_1335 = vector.broadcast %max3A_1334 : f32 to vector<16xf32>
        %max3A_1336 = arith.maximumf %sub3A_1333, %max3A_1335 : vector<16xf32>
        %div3A_1337 = arith.divf %mul3A_1328, %max3A_1336 : vector<16xf32>
        %gt3A_1338 = arith.constant 5.000000e-01 : f32
        %gt3A_1339 = vector.broadcast %gt3A_1338 : f32 to vector<16xf32>
        %gt3A_1340 = arith.cmpf ogt, %div3A_1337, %gt3A_1339 : vector<16xf32>
        %and3A_1341 = arith.andi %lt3A_1303, %gt3A_1340 : vector<16xi1>
        %or3A_1342 = arith.ori %or3A_1298, %and3A_1341 : vector<16xi1>
        %add3A_1343 = arith.constant 48 : i32
        %add3A_1344 = vector.broadcast %add3A_1343 : i32 to vector<16xi32>
        %add3A_1345 = arith.addi %add3A_1344, %iota3A : vector<16xi32>
        %lt3A_1346 = vector.broadcast %while3A_1098 : i32 to vector<16xi32>
        %lt3A_1347 = arith.cmpi slt, %add3A_1345, %lt3A_1346 : vector<16xi32>
        %get3A_1348 = arith.constant 48 : index
        %get3A_1349 = tpu.vector_load %arg8[%get3A_1348] {strides = array<i32>} : memref<112xf32, #tpu.memory_space<vmem>>, vector<16xf32>,
        %max3A_1350 = vector.broadcast %squeeze3A_1202 : f32 to vector<16xf32>
        %max3A_1351 = arith.maximumf %max3A_1350, %get3A_1349 : vector<16xf32>
        %get3A_1352 = arith.constant 48 : index
        %get3A_1353 = tpu.vector_load %arg9[%get3A_1352] {strides = array<i32>} : memref<112xf32, #tpu.memory_space<vmem>>, vector<16xf32>,
        %max3A_1354 = vector.broadcast %squeeze3A_1204 : f32 to vector<16xf32>
        %max3A_1355 = arith.maximumf %max3A_1354, %get3A_1353 : vector<16xf32>
        %get3A_1356 = arith.constant 48 : index
        %get3A_1357 = tpu.vector_load %arg10[%get3A_1356] {strides = array<i32>} : memref<112xf32, #tpu.memory_space<vmem>>, vector<16xf32>,
        %min3A_1358 = vector.broadcast %squeeze3A_1206 : f32 to vector<16xf32>
        %min3A_1359 = arith.minimumf %min3A_1358, %get3A_1357 : vector<16xf32>
        %get3A_1360 = arith.constant 48 : index
        %get3A_1361 = tpu.vector_load %arg11[%get3A_1360] {strides = array<i32>} : memref<112xf32, #tpu.memory_space<vmem>>, vector<16xf32>,
        %min3A_1362 = vector.broadcast %squeeze3A_1208 : f32 to vector<16xf32>
        %min3A_1363 = arith.minimumf %min3A_1362, %get3A_1361 : vector<16xf32>
        %sub3A_1364 = arith.subf %min3A_1359, %max3A_1351 : vector<16xf32>
        %max3A_1365 = arith.constant 0.000000e+00 : f32
        %max3A_1366 = vector.broadcast %max3A_1365 : f32 to vector<16xf32>
        %max3A_1367 = arith.maximumf %sub3A_1364, %max3A_1366 : vector<16xf32>
        %sub3A_1368 = arith.subf %min3A_1363, %max3A_1355 : vector<16xf32>
        %max3A_1369 = arith.constant 0.000000e+00 : f32
        %max3A_1370 = vector.broadcast %max3A_1369 : f32 to vector<16xf32>
        %max3A_1371 = arith.maximumf %sub3A_1368, %max3A_1370 : vector<16xf32>
        %mul3A_1372 = arith.mulf %max3A_1367, %max3A_1371 : vector<16xf32>
        %get3A_1373 = arith.constant 48 : index
        %get3A_1374 = tpu.vector_load %arg12[%get3A_1373] {strides = array<i32>} : memref<112xf32, #tpu.memory_space<vmem>>, vector<16xf32>,
        %add3A_1375 = vector.broadcast %mul3A_1210 : f32 to vector<16xf32>
        %add3A_1376 = arith.addf %add3A_1375, %get3A_1374 : vector<16xf32>
        %sub3A_1377 = arith.subf %add3A_1376, %mul3A_1372 : vector<16xf32>
        %max3A_1378 = arith.constant 9.99999971E-10 : f32
        %max3A_1379 = vector.broadcast %max3A_1378 : f32 to vector<16xf32>
        %max3A_1380 = arith.maximumf %sub3A_1377, %max3A_1379 : vector<16xf32>
        %div3A_1381 = arith.divf %mul3A_1372, %max3A_1380 : vector<16xf32>
        %gt3A_1382 = arith.constant 5.000000e-01 : f32
        %gt3A_1383 = vector.broadcast %gt3A_1382 : f32 to vector<16xf32>
        %gt3A_1384 = arith.cmpf ogt, %div3A_1381, %gt3A_1383 : vector<16xf32>
        %and3A_1385 = arith.andi %lt3A_1347, %gt3A_1384 : vector<16xi1>
        %or3A_1386 = arith.ori %or3A_1342, %and3A_1385 : vector<16xi1>
        %add3A_1387 = arith.constant 64 : i32
        %add3A_1388 = vector.broadcast %add3A_1387 : i32 to vector<16xi32>
        %add3A_1389 = arith.addi %add3A_1388, %iota3A : vector<16xi32>
        %lt3A_1390 = vector.broadcast %while3A_1098 : i32 to vector<16xi32>
        %lt3A_1391 = arith.cmpi slt, %add3A_1389, %lt3A_1390 : vector<16xi32>
        %get3A_1392 = arith.constant 64 : index
        %get3A_1393 = tpu.vector_load %arg8[%get3A_1392] {strides = array<i32>} : memref<112xf32, #tpu.memory_space<vmem>>, vector<16xf32>,
        %max3A_1394 = vector.broadcast %squeeze3A_1202 : f32 to vector<16xf32>
        %max3A_1395 = arith.maximumf %max3A_1394, %get3A_1393 : vector<16xf32>
        %get3A_1396 = arith.constant 64 : index
        %get3A_1397 = tpu.vector_load %arg9[%get3A_1396] {strides = array<i32>} : memref<112xf32, #tpu.memory_space<vmem>>, vector<16xf32>,
        %max3A_1398 = vector.broadcast %squeeze3A_1204 : f32 to vector<16xf32>
        %max3A_1399 = arith.maximumf %max3A_1398, %get3A_1397 : vector<16xf32>
        %get3A_1400 = arith.constant 64 : index
        %get3A_1401 = tpu.vector_load %arg10[%get3A_1400] {strides = array<i32>} : memref<112xf32, #tpu.memory_space<vmem>>, vector<16xf32>,
        %min3A_1402 = vector.broadcast %squeeze3A_1206 : f32 to vector<16xf32>
        %min3A_1403 = arith.minimumf %min3A_1402, %get3A_1401 : vector<16xf32>
        %get3A_1404 = arith.constant 64 : index
        %get3A_1405 = tpu.vector_load %arg11[%get3A_1404] {strides = array<i32>} : memref<112xf32, #tpu.memory_space<vmem>>, vector<16xf32>,
        %min3A_1406 = vector.broadcast %squeeze3A_1208 : f32 to vector<16xf32>
        %min3A_1407 = arith.minimumf %min3A_1406, %get3A_1405 : vector<16xf32>
        %sub3A_1408 = arith.subf %min3A_1403, %max3A_1395 : vector<16xf32>
        %max3A_1409 = arith.constant 0.000000e+00 : f32
        %max3A_1410 = vector.broadcast %max3A_1409 : f32 to vector<16xf32>
        %max3A_1411 = arith.maximumf %sub3A_1408, %max3A_1410 : vector<16xf32>
        %sub3A_1412 = arith.subf %min3A_1407, %max3A_1399 : vector<16xf32>
        %max3A_1413 = arith.constant 0.000000e+00 : f32
        %max3A_1414 = vector.broadcast %max3A_1413 : f32 to vector<16xf32>
        %max3A_1415 = arith.maximumf %sub3A_1412, %max3A_1414 : vector<16xf32>
        %mul3A_1416 = arith.mulf %max3A_1411, %max3A_1415 : vector<16xf32>
        %get3A_1417 = arith.constant 64 : index
        %get3A_1418 = tpu.vector_load %arg12[%get3A_1417] {strides = array<i32>} : memref<112xf32, #tpu.memory_space<vmem>>, vector<16xf32>,
        %add3A_1419 = vector.broadcast %mul3A_1210 : f32 to vector<16xf32>
        %add3A_1420 = arith.addf %add3A_1419, %get3A_1418 : vector<16xf32>
        %sub3A_1421 = arith.subf %add3A_1420, %mul3A_1416 : vector<16xf32>
        %max3A_1422 = arith.constant 9.99999971E-10 : f32
        %max3A_1423 = vector.broadcast %max3A_1422 : f32 to vector<16xf32>
        %max3A_1424 = arith.maximumf %sub3A_1421, %max3A_1423 : vector<16xf32>
        %div3A_1425 = arith.divf %mul3A_1416, %max3A_1424 : vector<16xf32>
        %gt3A_1426 = arith.constant 5.000000e-01 : f32
        %gt3A_1427 = vector.broadcast %gt3A_1426 : f32 to vector<16xf32>
        %gt3A_1428 = arith.cmpf ogt, %div3A_1425, %gt3A_1427 : vector<16xf32>
        %and3A_1429 = arith.andi %lt3A_1391, %gt3A_1428 : vector<16xi1>
        %or3A_1430 = arith.ori %or3A_1386, %and3A_1429 : vector<16xi1>
        %add3A_1431 = arith.constant 80 : i32
        %add3A_1432 = vector.broadcast %add3A_1431 : i32 to vector<16xi32>
        %add3A_1433 = arith.addi %add3A_1432, %iota3A : vector<16xi32>
        %lt3A_1434 = vector.broadcast %while3A_1098 : i32 to vector<16xi32>
        %lt3A_1435 = arith.cmpi slt, %add3A_1433, %lt3A_1434 : vector<16xi32>
        %get3A_1436 = arith.constant 80 : index
        %get3A_1437 = tpu.vector_load %arg8[%get3A_1436] {strides = array<i32>} : memref<112xf32, #tpu.memory_space<vmem>>, vector<16xf32>,
        %max3A_1438 = vector.broadcast %squeeze3A_1202 : f32 to vector<16xf32>
        %max3A_1439 = arith.maximumf %max3A_1438, %get3A_1437 : vector<16xf32>
        %get3A_1440 = arith.constant 80 : index
        %get3A_1441 = tpu.vector_load %arg9[%get3A_1440] {strides = array<i32>} : memref<112xf32, #tpu.memory_space<vmem>>, vector<16xf32>,
        %max3A_1442 = vector.broadcast %squeeze3A_1204 : f32 to vector<16xf32>
        %max3A_1443 = arith.maximumf %max3A_1442, %get3A_1441 : vector<16xf32>
        %get3A_1444 = arith.constant 80 : index
        %get3A_1445 = tpu.vector_load %arg10[%get3A_1444] {strides = array<i32>} : memref<112xf32, #tpu.memory_space<vmem>>, vector<16xf32>,
        %min3A_1446 = vector.broadcast %squeeze3A_1206 : f32 to vector<16xf32>
        %min3A_1447 = arith.minimumf %min3A_1446, %get3A_1445 : vector<16xf32>
        %get3A_1448 = arith.constant 80 : index
        %get3A_1449 = tpu.vector_load %arg11[%get3A_1448] {strides = array<i32>} : memref<112xf32, #tpu.memory_space<vmem>>, vector<16xf32>,
        %min3A_1450 = vector.broadcast %squeeze3A_1208 : f32 to vector<16xf32>
        %min3A_1451 = arith.minimumf %min3A_1450, %get3A_1449 : vector<16xf32>
        %sub3A_1452 = arith.subf %min3A_1447, %max3A_1439 : vector<16xf32>
        %max3A_1453 = arith.constant 0.000000e+00 : f32
        %max3A_1454 = vector.broadcast %max3A_1453 : f32 to vector<16xf32>
        %max3A_1455 = arith.maximumf %sub3A_1452, %max3A_1454 : vector<16xf32>
        %sub3A_1456 = arith.subf %min3A_1451, %max3A_1443 : vector<16xf32>
        %max3A_1457 = arith.constant 0.000000e+00 : f32
        %max3A_1458 = vector.broadcast %max3A_1457 : f32 to vector<16xf32>
        %max3A_1459 = arith.maximumf %sub3A_1456, %max3A_1458 : vector<16xf32>
        %mul3A_1460 = arith.mulf %max3A_1455, %max3A_1459 : vector<16xf32>
        %get3A_1461 = arith.constant 80 : index
        %get3A_1462 = tpu.vector_load %arg12[%get3A_1461] {strides = array<i32>} : memref<112xf32, #tpu.memory_space<vmem>>, vector<16xf32>,
        %add3A_1463 = vector.broadcast %mul3A_1210 : f32 to vector<16xf32>
        %add3A_1464 = arith.addf %add3A_1463, %get3A_1462 : vector<16xf32>
        %sub3A_1465 = arith.subf %add3A_1464, %mul3A_1460 : vector<16xf32>
        %max3A_1466 = arith.constant 9.99999971E-10 : f32
        %max3A_1467 = vector.broadcast %max3A_1466 : f32 to vector<16xf32>
        %max3A_1468 = arith.maximumf %sub3A_1465, %max3A_1467 : vector<16xf32>
        %div3A_1469 = arith.divf %mul3A_1460, %max3A_1468 : vector<16xf32>
        %gt3A_1470 = arith.constant 5.000000e-01 : f32
        %gt3A_1471 = vector.broadcast %gt3A_1470 : f32 to vector<16xf32>
        %gt3A_1472 = arith.cmpf ogt, %div3A_1469, %gt3A_1471 : vector<16xf32>
        %and3A_1473 = arith.andi %lt3A_1435, %gt3A_1472 : vector<16xi1>
        %or3A_1474 = arith.ori %or3A_1430, %and3A_1473 : vector<16xi1>
        %add3A_1475 = arith.constant 96 : i32
        %add3A_1476 = vector.broadcast %add3A_1475 : i32 to vector<16xi32>
        %add3A_1477 = arith.addi %add3A_1476, %iota3A : vector<16xi32>
        %lt3A_1478 = vector.broadcast %while3A_1098 : i32 to vector<16xi32>
        %lt3A_1479 = arith.cmpi slt, %add3A_1477, %lt3A_1478 : vector<16xi32>
        %get3A_1480 = arith.constant 96 : index
        %get3A_1481 = tpu.vector_load %arg8[%get3A_1480] {strides = array<i32>} : memref<112xf32, #tpu.memory_space<vmem>>, vector<16xf32>,
        %max3A_1482 = vector.broadcast %squeeze3A_1202 : f32 to vector<16xf32>
        %max3A_1483 = arith.maximumf %max3A_1482, %get3A_1481 : vector<16xf32>
        %get3A_1484 = arith.constant 96 : index
        %get3A_1485 = tpu.vector_load %arg9[%get3A_1484] {strides = array<i32>} : memref<112xf32, #tpu.memory_space<vmem>>, vector<16xf32>,
        %max3A_1486 = vector.broadcast %squeeze3A_1204 : f32 to vector<16xf32>
        %max3A_1487 = arith.maximumf %max3A_1486, %get3A_1485 : vector<16xf32>
        %get3A_1488 = arith.constant 96 : index
        %get3A_1489 = tpu.vector_load %arg10[%get3A_1488] {strides = array<i32>} : memref<112xf32, #tpu.memory_space<vmem>>, vector<16xf32>,
        %min3A_1490 = vector.broadcast %squeeze3A_1206 : f32 to vector<16xf32>
        %min3A_1491 = arith.minimumf %min3A_1490, %get3A_1489 : vector<16xf32>
        %get3A_1492 = arith.constant 96 : index
        %get3A_1493 = tpu.vector_load %arg11[%get3A_1492] {strides = array<i32>} : memref<112xf32, #tpu.memory_space<vmem>>, vector<16xf32>,
        %min3A_1494 = vector.broadcast %squeeze3A_1208 : f32 to vector<16xf32>
        %min3A_1495 = arith.minimumf %min3A_1494, %get3A_1493 : vector<16xf32>
        %sub3A_1496 = arith.subf %min3A_1491, %max3A_1483 : vector<16xf32>
        %max3A_1497 = arith.constant 0.000000e+00 : f32
        %max3A_1498 = vector.broadcast %max3A_1497 : f32 to vector<16xf32>
        %max3A_1499 = arith.maximumf %sub3A_1496, %max3A_1498 : vector<16xf32>
        %sub3A_1500 = arith.subf %min3A_1495, %max3A_1487 : vector<16xf32>
        %max3A_1501 = arith.constant 0.000000e+00 : f32
        %max3A_1502 = vector.broadcast %max3A_1501 : f32 to vector<16xf32>
        %max3A_1503 = arith.maximumf %sub3A_1500, %max3A_1502 : vector<16xf32>
        %mul3A_1504 = arith.mulf %max3A_1499, %max3A_1503 : vector<16xf32>
        %get3A_1505 = arith.constant 96 : index
        %get3A_1506 = tpu.vector_load %arg12[%get3A_1505] {strides = array<i32>} : memref<112xf32, #tpu.memory_space<vmem>>, vector<16xf32>,
        %add3A_1507 = vector.broadcast %mul3A_1210 : f32 to vector<16xf32>
        %add3A_1508 = arith.addf %add3A_1507, %get3A_1506 : vector<16xf32>
        %sub3A_1509 = arith.subf %add3A_1508, %mul3A_1504 : vector<16xf32>
        %max3A_1510 = arith.constant 9.99999971E-10 : f32
        %max3A_1511 = vector.broadcast %max3A_1510 : f32 to vector<16xf32>
        %max3A_1512 = arith.maximumf %sub3A_1509, %max3A_1511 : vector<16xf32>
        %div3A_1513 = arith.divf %mul3A_1504, %max3A_1512 : vector<16xf32>
        %gt3A_1514 = arith.constant 5.000000e-01 : f32
        %gt3A_1515 = vector.broadcast %gt3A_1514 : f32 to vector<16xf32>
        %gt3A_1516 = arith.cmpf ogt, %div3A_1513, %gt3A_1515 : vector<16xf32>
        %and3A_1517 = arith.andi %lt3A_1479, %gt3A_1516 : vector<16xi1>
        %or3A_1518 = arith.ori %or3A_1474, %and3A_1517 : vector<16xi1>
        %all_reduce_population_count3A = tpu.all_reduce %or3A_1518 {dim = 0 : i64, kind = #tpu.reduction_kind<sum>} : vector<16xi1> -> vector<16xi32>
        %slice3A_1519 = vector.extract_strided_slice %all_reduce_population_count3A {offsets = [0], sizes = [1], strides = [1]} : vector<16xi32> to vector<1xi32>
        %squeeze3A_1520 = vector.extract %slice3A_1519[0] : i32 from vector<1xi32>
        %eq3A_1521 = arith.constant 0 : i32
        %eq3A_1522 = arith.cmpi eq, %squeeze3A_1520, %eq3A_1521 : i32
        %and3A_1523 = arith.andi %gt3A_1106, %eq3A_1522 : i1
        %eq3A_1524 = arith.constant 0 : i32
        %eq3A_1525 = vector.broadcast %eq3A_1524 : i32 to vector<16xi32>
        %eq3A_1526 = arith.cmpi eq, %iota3A, %eq3A_1525 : vector<16xi32>
        %and3A_1527 = vector.broadcast %and3A_1523 : i1 to vector<16xi1>
        %and3A_1528 = arith.andi %eq3A_1526, %and3A_1527 : vector<16xi1>
        %broadcast_in_dim3A_1529 = vector.broadcast %while3A_1098 : i32 to vector<16xi32>
        %broadcast_in_dim3A_1530 = vector.broadcast %squeeze3A_1202 : f32 to vector<16xf32>
        tpu.vector_store_idx %arg8[%broadcast_in_dim3A_1529], %broadcast_in_dim3A_1530 masked %and3A_1528 : memref<112xf32, #tpu.memory_space<vmem>>[vector<16xi32>], vector<16xf32>, vector<16xi1>
        %broadcast_in_dim3A_1531 = vector.broadcast %squeeze3A_1204 : f32 to vector<16xf32>
        tpu.vector_store_idx %arg9[%broadcast_in_dim3A_1529], %broadcast_in_dim3A_1531 masked %and3A_1528 : memref<112xf32, #tpu.memory_space<vmem>>[vector<16xi32>], vector<16xf32>, vector<16xi1>
        %broadcast_in_dim3A_1532 = vector.broadcast %squeeze3A_1206 : f32 to vector<16xf32>
        tpu.vector_store_idx %arg10[%broadcast_in_dim3A_1529], %broadcast_in_dim3A_1532 masked %and3A_1528 : memref<112xf32, #tpu.memory_space<vmem>>[vector<16xi32>], vector<16xf32>, vector<16xi1>
        %broadcast_in_dim3A_1533 = vector.broadcast %squeeze3A_1208 : f32 to vector<16xf32>
        tpu.vector_store_idx %arg11[%broadcast_in_dim3A_1529], %broadcast_in_dim3A_1533 masked %and3A_1528 : memref<112xf32, #tpu.memory_space<vmem>>[vector<16xi32>], vector<16xf32>, vector<16xi1>
        %broadcast_in_dim3A_1534 = vector.broadcast %mul3A_1210 : f32 to vector<16xf32>
        tpu.vector_store_idx %arg12[%broadcast_in_dim3A_1529], %broadcast_in_dim3A_1534 masked %and3A_1528 : memref<112xf32, #tpu.memory_space<vmem>>[vector<16xi32>], vector<16xf32>, vector<16xi1>
        %eq3A_1535 = arith.constant 0 : i32
        %eq3A_1536 = vector.broadcast %eq3A_1535 : i32 to vector<16xi32>
        %eq3A_1537 = arith.cmpi eq, %iota3A, %eq3A_1536 : vector<16xi32>
        %eq3A_1538 = arith.constant 1 : i32
        %eq3A_1539 = vector.broadcast %eq3A_1538 : i32 to vector<16xi32>
        %eq3A_1540 = arith.cmpi eq, %iota3A, %eq3A_1539 : vector<16xi32>
        %eq3A_1541 = arith.constant 2 : i32
        %eq3A_1542 = vector.broadcast %eq3A_1541 : i32 to vector<16xi32>
        %eq3A_1543 = arith.cmpi eq, %iota3A, %eq3A_1542 : vector<16xi32>
        %eq3A_1544 = arith.constant 3 : i32
        %eq3A_1545 = vector.broadcast %eq3A_1544 : i32 to vector<16xi32>
        %eq3A_1546 = arith.cmpi eq, %iota3A, %eq3A_1545 : vector<16xi32>
        %broadcast_in_dim3A_1547 = vector.broadcast %squeeze3A_1208 : f32 to vector<16xf32>
        %broadcast_in_dim3A_1548 = vector.broadcast %while3A_1100 : f32 to vector<16xf32>
        %select_n3A_1549 = arith.select %eq3A_1546, %broadcast_in_dim3A_1547, %broadcast_in_dim3A_1548 : vector<16xi1>, vector<16xf32>
        %broadcast_in_dim3A_1550 = vector.broadcast %squeeze3A_1206 : f32 to vector<16xf32>
        %select_n3A_1551 = arith.select %eq3A_1543, %broadcast_in_dim3A_1550, %select_n3A_1549 : vector<16xi1>, vector<16xf32>
        %broadcast_in_dim3A_1552 = vector.broadcast %squeeze3A_1204 : f32 to vector<16xf32>
        %select_n3A_1553 = arith.select %eq3A_1540, %broadcast_in_dim3A_1552, %select_n3A_1551 : vector<16xi1>, vector<16xf32>
        %broadcast_in_dim3A_1554 = vector.broadcast %squeeze3A_1202 : f32 to vector<16xf32>
        %select_n3A_1555 = arith.select %eq3A_1537, %broadcast_in_dim3A_1554, %select_n3A_1553 : vector<16xi1>, vector<16xf32>
        %mul3A_1556 = arith.constant 5 : i32
        %mul3A_1557 = arith.muli %while3A_1098, %mul3A_1556 : i32
        %add3A_1558 = vector.broadcast %mul3A_1557 : i32 to vector<16xi32>
        %add3A_1559 = arith.addi %add3A_1558, %iota3A : vector<16xi32>
        %lt3A_1560 = arith.constant 5 : i32
        %lt3A_1561 = vector.broadcast %lt3A_1560 : i32 to vector<16xi32>
        %lt3A_1562 = arith.cmpi slt, %iota3A, %lt3A_1561 : vector<16xi32>
        %and3A_1563 = vector.broadcast %and3A_1523 : i1 to vector<16xi1>
        %and3A_1564 = arith.andi %lt3A_1562, %and3A_1563 : vector<16xi1>
        tpu.vector_store_idx %arg13[%add3A_1559], %select_n3A_1555 masked %and3A_1564 : memref<512xf32, #tpu.memory_space<vmem>>[vector<16xi32>], vector<16xf32>, vector<16xi1>
        %eq3A_1565 = arith.constant 0 : i32
        %eq3A_1566 = vector.broadcast %eq3A_1565 : i32 to vector<16xi32>
        %eq3A_1567 = arith.cmpi eq, %iota3A, %eq3A_1566 : vector<16xi32>
        %and3A_1568 = vector.broadcast %gt3A_1106 : i1 to vector<16xi1>
        %and3A_1569 = arith.andi %eq3A_1567, %and3A_1568 : vector<16xi1>
        %eq3A_1570 = vector.broadcast %min3A_1190 : i32 to vector<16xi32>
        %eq3A_1571 = arith.cmpi eq, %iota3A, %eq3A_1570 : vector<16xi32>
        %broadcast_in_dim3A_1572 = arith.constant 0xFF800000 : f32
        %broadcast_in_dim3A_1573 = vector.broadcast %broadcast_in_dim3A_1572 : f32 to vector<16xf32>
        %select_n3A_1574 = arith.select %eq3A_1571, %broadcast_in_dim3A_1573, %get3A_1183 : vector<16xi1>, vector<16xf32>
        %reduce_max3A_1575 = arith.constant true
        %reduce_max3A_1576 = vector.broadcast %reduce_max3A_1575 : i1 to vector<16xi1>
        %reduce_max3A_1577 = tpu.scan <max>, %select_n3A_1574 masked %reduce_max3A_1576 : vector<16xf32>, vector<16xi1> -> vector<16xf32>
        %reduce_max3A_1578 = vector.extract %reduce_max3A_1577[15] : f32 from vector<16xf32>
        %eq3A_1579 = vector.broadcast %min3A_1175 : i32 to vector<16xi32>
        %eq3A_1580 = arith.cmpi eq, %iota3A, %eq3A_1579 : vector<16xi32>
        %broadcast_in_dim3A_1581 = arith.constant 0xFF800000 : f32
        %broadcast_in_dim3A_1582 = vector.broadcast %broadcast_in_dim3A_1581 : f32 to vector<16xf32>
        %select_n3A_1583 = arith.select %eq3A_1580, %broadcast_in_dim3A_1582, %get3A_1168 : vector<16xi1>, vector<16xf32>
        %reduce_max3A_1584 = arith.constant true
        %reduce_max3A_1585 = vector.broadcast %reduce_max3A_1584 : i1 to vector<16xi1>
        %reduce_max3A_1586 = tpu.scan <max>, %select_n3A_1583 masked %reduce_max3A_1585 : vector<16xf32>, vector<16xi1> -> vector<16xf32>
        %reduce_max3A_1587 = vector.extract %reduce_max3A_1586[15] : f32 from vector<16xf32>
        %broadcast_in_dim3A_1588 = vector.broadcast %min3A_1195 : i32 to vector<16xi32>
        %broadcast_in_dim3A_1589 = arith.constant 0xFF800000 : f32
        %broadcast_in_dim3A_1590 = vector.broadcast %broadcast_in_dim3A_1589 : f32 to vector<16xf32>
        tpu.vector_store_idx %arg6[%broadcast_in_dim3A_1588], %broadcast_in_dim3A_1590 masked %and3A_1569 : memref<20224xf32, #tpu.memory_space<vmem>>[vector<16xi32>], vector<16xf32>, vector<16xi1>
        %max3A_1591 = arith.maximumf %reduce_max3A_1587, %reduce_max3A_1578 : f32
        %broadcast_in_dim3A_1592 = vector.broadcast %add3A_1178 : i32 to vector<16xi32>
        %broadcast_in_dim3A_1593 = vector.broadcast %reduce_max3A_1578 : f32 to vector<16xf32>
        tpu.vector_store_idx %arg7[%broadcast_in_dim3A_1592], %broadcast_in_dim3A_1593 masked %and3A_1569 : memref<1280xf32, #tpu.memory_space<vmem>>[vector<16xi32>], vector<16xf32>, vector<16xi1>
        %broadcast_in_dim3A_1594 = arith.constant 0xFF800000 : f32
        %broadcast_in_dim3A_1595 = vector.broadcast %broadcast_in_dim3A_1594 : f32 to vector<16xf32>
        %eq3A_1596 = arith.constant 0 : i32
        %eq3A_1597 = arith.cmpi eq, %shift_right_arithmetic3A_1163, %eq3A_1596 : i32
        %and3A_1598 = arith.andi %gt3A_1106, %eq3A_1597 : i1
        %eq3A_1599 = vector.broadcast %and3A_1165 : i32 to vector<16xi32>
        %eq3A_1600 = arith.cmpi eq, %iota3A, %eq3A_1599 : vector<16xi32>
        %and3A_1601 = vector.broadcast %and3A_1598 : i1 to vector<16xi1>
        %and3A_1602 = arith.andi %and3A_1601, %eq3A_1600 : vector<16xi1>
        %broadcast_in_dim3A_1603 = vector.broadcast %max3A_1591 : f32 to vector<16xf32>
        %select_n3A_1604 = arith.select %and3A_1602, %broadcast_in_dim3A_1603, %while3A_1101 : vector<16xi1>, vector<16xf32>
        %max3A_1605 = arith.maximumf %broadcast_in_dim3A_1595, %select_n3A_1604 : vector<16xf32>
        %eq3A_1606 = arith.constant 1 : i32
        %eq3A_1607 = arith.cmpi eq, %shift_right_arithmetic3A_1163, %eq3A_1606 : i32
        %and3A_1608 = arith.andi %gt3A_1106, %eq3A_1607 : i1
        %eq3A_1609 = vector.broadcast %and3A_1165 : i32 to vector<16xi32>
        %eq3A_1610 = arith.cmpi eq, %iota3A, %eq3A_1609 : vector<16xi32>
        %and3A_1611 = vector.broadcast %and3A_1608 : i1 to vector<16xi1>
        %and3A_1612 = arith.andi %and3A_1611, %eq3A_1610 : vector<16xi1>
        %broadcast_in_dim3A_1613 = vector.broadcast %max3A_1591 : f32 to vector<16xf32>
        %select_n3A_1614 = arith.select %and3A_1612, %broadcast_in_dim3A_1613, %while3A_1102 : vector<16xi1>, vector<16xf32>
        %max3A_1615 = arith.maximumf %max3A_1605, %select_n3A_1614 : vector<16xf32>
        %eq3A_1616 = arith.constant 2 : i32
        %eq3A_1617 = arith.cmpi eq, %shift_right_arithmetic3A_1163, %eq3A_1616 : i32
        %and3A_1618 = arith.andi %gt3A_1106, %eq3A_1617 : i1
        %eq3A_1619 = vector.broadcast %and3A_1165 : i32 to vector<16xi32>
        %eq3A_1620 = arith.cmpi eq, %iota3A, %eq3A_1619 : vector<16xi32>
        %and3A_1621 = vector.broadcast %and3A_1618 : i1 to vector<16xi1>
        %and3A_1622 = arith.andi %and3A_1621, %eq3A_1620 : vector<16xi1>
        %broadcast_in_dim3A_1623 = vector.broadcast %max3A_1591 : f32 to vector<16xf32>
        %select_n3A_1624 = arith.select %and3A_1622, %broadcast_in_dim3A_1623, %while3A_1103 : vector<16xi1>, vector<16xf32>
        %max3A_1625 = arith.maximumf %max3A_1615, %select_n3A_1624 : vector<16xf32>
        %eq3A_1626 = arith.constant 3 : i32
        %eq3A_1627 = arith.cmpi eq, %shift_right_arithmetic3A_1163, %eq3A_1626 : i32
        %and3A_1628 = arith.andi %gt3A_1106, %eq3A_1627 : i1
        %eq3A_1629 = vector.broadcast %and3A_1165 : i32 to vector<16xi32>
        %eq3A_1630 = arith.cmpi eq, %iota3A, %eq3A_1629 : vector<16xi32>
        %and3A_1631 = vector.broadcast %and3A_1628 : i1 to vector<16xi1>
        %and3A_1632 = arith.andi %and3A_1631, %eq3A_1630 : vector<16xi1>
        %broadcast_in_dim3A_1633 = vector.broadcast %max3A_1591 : f32 to vector<16xf32>
        %select_n3A_1634 = arith.select %and3A_1632, %broadcast_in_dim3A_1633, %while3A_1104 : vector<16xi1>, vector<16xf32>
        %max3A_1635 = arith.maximumf %max3A_1625, %select_n3A_1634 : vector<16xf32>
        %eq3A_1636 = arith.constant 4 : i32
        %eq3A_1637 = arith.cmpi eq, %shift_right_arithmetic3A_1163, %eq3A_1636 : i32
        %and3A_1638 = arith.andi %gt3A_1106, %eq3A_1637 : i1
        %eq3A_1639 = vector.broadcast %and3A_1165 : i32 to vector<16xi32>
        %eq3A_1640 = arith.cmpi eq, %iota3A, %eq3A_1639 : vector<16xi32>
        %and3A_1641 = vector.broadcast %and3A_1638 : i1 to vector<16xi1>
        %and3A_1642 = arith.andi %and3A_1641, %eq3A_1640 : vector<16xi1>
        %broadcast_in_dim3A_1643 = vector.broadcast %max3A_1591 : f32 to vector<16xf32>
        %select_n3A_1644 = arith.select %and3A_1642, %broadcast_in_dim3A_1643, %while3A_1105 : vector<16xi1>, vector<16xf32>
        %max3A_1645 = arith.maximumf %max3A_1635, %select_n3A_1644 : vector<16xf32>
        %reduce_max3A_1646 = arith.constant true
        %reduce_max3A_1647 = vector.broadcast %reduce_max3A_1646 : i1 to vector<16xi1>
        %reduce_max3A_1648 = tpu.scan <max>, %max3A_1645 masked %reduce_max3A_1647 : vector<16xf32>, vector<16xi1> -> vector<16xf32>
        %reduce_max3A_1649 = vector.extract %reduce_max3A_1648[15] : f32 from vector<16xf32>
        %select_n3A_1650 = arith.select %gt3A_1106, %reduce_max3A_1649, %while3A_1100 : f32
        %jit3A_1651 = arith.constant 1 : i32
        %jit3A_1652 = arith.constant 0 : i32
        %select_n3A_1653 = arith.select %and3A_1523, %jit3A_1651, %jit3A_1652 : i32
        %add3A_1654 = arith.addi %while3A_1098, %select_n3A_1653 : i32
        %jit3A_1655 = arith.constant 0 : i32
        %jit3A_1656 = arith.constant 1 : i32
        %select_n3A_1657 = arith.select %gt3A_1106, %jit3A_1655, %jit3A_1656 : i32
        scf.yield %add3A_1654, %select_n3A_1657, %select_n3A_1650, %select_n3A_1604, %select_n3A_1614, %select_n3A_1624, %select_n3A_1634, %select_n3A_1644 : i32, i32, f32, vector<16xf32>, vector<16xf32>, vector<16xf32>, vector<16xf32>, vector<16xf32>
      }
      "tpu.region"() ({
        %run_scoped3A = tpu.sem_alloc : memref<!tpu.dma_semaphore, #tpu.memory_space<semaphore_mem>>
        tpu.enqueue_dma source(%arg13 : memref<512xf32, #tpu.memory_space<vmem>>) target(%arg4 : memref<512xf32, #tpu.memory_space<hbm>>) target_semaphore(%run_scoped3A : memref<!tpu.dma_semaphore, #tpu.memory_space<semaphore_mem>>)
        tpu.wait_dma2 semaphore(%run_scoped3A : memref<!tpu.dma_semaphore, #tpu.memory_space<semaphore_mem>>) src(%arg13 : memref<512xf32, #tpu.memory_space<vmem>>) dst(%arg4 : memref<512xf32, #tpu.memory_space<hbm>>)
        tpu.yield
      }) : () -> ()
    } else {
    }
    return
  }
}

</mosaic_0001>

<sc_bundles>
// kernel: kernel.3.cloned.1.call-start
scs
__scs_entry_jumppad:
0x0: {  	(pc) =	sbr.rel $0x88, $3  }
0x1: {  	(tag) =	ssettag $0x0;
	lr =	simm.s32 $0x1  }
0x2: {  	[smem:$0x3F9F] =	sst lr;
	_ =	strace $0xD0000000  }
0x3: {  	_ = 	snop  }
0x4: {  	_ = 	snop  }
0x5: {  	_ = 	snop  }
0x6: {  	_ = 	snop  }
0x7: {  	_ = 	snop  }
__scs_overlays_trampoline_lowered:
0x8: {  	[smem:$0x3FAE] =	sst s0  }
0x9: {  	[smem:$0x3FAF] =	sst s1  }
0xa: {  	[smem:$0x3FB0] =	sst s2  }
0xb: {  	[smem:$0x3FB1] =	sst s3  }
0xc: {  	[smem:$0x3FB2] =	sst s4  }
0xd: {  	[smem:$0x3FB3] =	sst s5  }
0xe: {  	[smem:$0x3FB4] =	sst s6  }
0xf: {  	[smem:$0x3FB5] =	sst s7  }
0x10: {  	[smem:$0x3FB6] =	sst s8  }
0x11: {  	[smem:$0x3FB7] =	sst s9;
	s0 =	simm.s32 @!p0 $0x0  }
0x12: {  	s1 =	sld [smem:$0x3F9D];
	s0 =	simm.s32 @p0 $0x1  }
0x13: {  	[smem:$0x3FB8] =	sst s0;
	s0 =	simm.s32 @!p1 $0x0  }
0x14: {  	s2 =	sld [smem:$0x3F9C];
	s0 =	simm.s32 @p1 $0x1  }
0x15: {  	[smem:$0x3FB9] =	sst s0;
	s0 =	simm.s32 @!p2 $0x0  }
0x16: {  	s3 =	sld [smem:$0x3FDB];
	s0 =	simm.s32 @p2 $0x1  }
0x17: {  	s4 =	simm.s32 $0x1BF5;
	[smem:$0x3FBB] =	sst s0  }
0x18: {  	s0 =	sld [smem:$0x3F9E];
	_ =	swait.ge [sflag:s4], $0x0  }
0x19: {  	s7 =	sld [smem:$0x3F9F]  }
0x1a: {  	s8 =	sadd.s32 $0xFFFFE003, lr  }
0x1b: {  	s9 =	sadd.s32 $0xFFFFFEF7, lr;
	s5 =	simm.s32 $0xFFFFFFFF;
	p2 =	slt.u32 s8, $0xFFFFF086  }
0x1c: {  	p1 =	slt.u32 s9, $0xF7A;
	s5 =	simm.s32 @!p2 $0x0  }
0x1d: {  	s5 =	simm.s32 @p1 $0x1;
	p0 =	seq.s32 s7, s2  }
0x1e: {  	s7 =	smul.u32 @!p0 $0xF7A, s2;
	p2 =	seq.s32 @!p0 s5, $0x0  }
0x1f: {  	s9 =	smul.u32 $0xF7A, s1;
	s8 =	simm.s32 @!p0 $0x1BF5;
	p2 =	por !p2, p0  }
0x20: {  	[sflag:s8] =	ssyncset.s32 @!p0 $0xFFFFF086;
	s6 =	sadd.s32 @!p0 s3, s7;
	s7 =	simm.s32 @!p0 $0x108  }
0x21: {  	s3 =	sadd.s32 s3, s9;
	s6 =	sadd.s32 @!p0 $0x88, s6;
	s7 =	simm.s32 @p2 $0x1082  }
0x22: {  	[simem:s7], [sflag:s8] =	dma.local @!p0 [hbm:s6], $0xF7A  }
0x23: {  	s9 =	sor.u32 $0xD0000000, s2;
	s6 =	simm.s32 $0x108;
	_ =	swait.ge @!p0 [sflag:s8], $0x0  }
0x24: {  	s3 =	sadd.s32 $0x88, s3;
	s6 =	simm.s32 @!p1 $0x1082;
	[sflag:s4] =	ssyncset.s32 $0xFFFFF086  }
0x25: {  	[simem:s6], [sflag:s4] =	dma.local [hbm:s3], $0xF7A  }
0x26: {  	[smem:$0x3F9F] =	sst s1;
	(tag) =	ssettag s2;
	_ =	strace s9  }
0x27: {  	s1 =	sld [smem:$0x3FAF]  }
0x28: {  	s2 =	sld [smem:$0x3FB0]  }
0x29: {  	s4 =	sld [smem:$0x3FB2]  }
0x2a: {  	p0 =	seq.s32 s5, $0x0;
	s5 =	sld [smem:$0x3FB3]  }
0x2b: {  	s6 =	sld [smem:$0x3FB4]  }
0x2c: {  	s7 =	sld [smem:$0x3FB5]  }
0x2d: {  	s3 =	simm.s32 $0x108;
	s8 =	sld [smem:$0x3FB6]  }
0x2e: {  	s3 =	simm.s32 @!p0 $0x1082;
	s9 =	sld [smem:$0x3FB7]  }
0x2f: {  	lr =	sadd.s32 s0, s3;
	s0 =	sld [smem:$0x3FAE]  }
0x30: {  	s3 =	sld [smem:$0x3FB1]  }
0x31: {  	[smem:$0x3FBA] =	sst s10  }
0x32: {  	s10 =	sld [smem:$0x3FB8];
	_ =	sdelay $0x3  }
0x33: {  	p0 =	seq.s32 s10, $0x1;
	s10 =	sld [smem:$0x3FBA];
	_ =	sdelay $0x3  }
0x34: {  	[smem:$0x3FBA] =	sst s10  }
0x35: {  	s10 =	sld [smem:$0x3FB9];
	_ =	sdelay $0x3  }
0x36: {  	p1 =	seq.s32 s10, $0x1;
	s10 =	sld [smem:$0x3FBA];
	_ =	sdelay $0x3  }
0x37: {  	[smem:$0x3FBA] =	sst s10  }
0x38: {  	s10 =	sld [smem:$0x3FBB]  }
0x39: {  	_ = 	snop;
	(pc) =	sbr.ind lr, $3  }
0x3a: {  	_ = 	snop  }
0x3b: {  	_ = 	snop  }
0x3c: {  	p2 =	seq.s32 s10, $0x1;
	s10 =	sld [smem:$0x3FBA]  }
0x3d: {  	_ =	shalt  }
0x3e: {  	_ =	shalt  }
0x3f: {  	_ =	shalt  }
0x40: {  	_ =	shalt  }
0x41: {  	_ =	shalt  }
0x42: {  	_ =	shalt  }
0x43: {  	_ =	shalt  }
0x44: {  	_ =	shalt  }
0x45: {  	_ =	shalt  }
0x46: {  	_ =	shalt  }
0x47: {  	_ =	shalt  }
0x48: {  	_ =	shalt  }
0x49: {  	_ =	shalt  }
0x4a: {  	_ =	shalt  }
0x4b: {  	_ =	shalt  }
0x4c: {  	_ =	shalt  }
0x4d: {  	_ =	shalt  }
0x4e: {  	_ =	shalt  }
0x4f: {  	_ =	shalt  }
0x50: {  	_ =	shalt  }
0x51: {  	_ =	shalt  }
0x52: {  	_ =	shalt  }
0x53: {  	_ =	shalt  }
0x54: {  	_ =	shalt  }
0x55: {  	_ =	shalt  }
0x56: {  	_ =	shalt  }
0x57: {  	_ =	shalt  }
0x58: {  	_ =	shalt  }
0x59: {  	_ =	shalt  }
0x5a: {  	_ =	shalt  }
0x5b: {  	_ =	shalt  }
0x5c: {  	_ =	shalt  }
0x5d: {  	_ =	shalt  }
0x5e: {  	_ =	shalt  }
0x5f: {  	_ =	shalt  }
0x60: {  	_ =	shalt  }
0x61: {  	_ =	shalt  }
0x62: {  	_ =	shalt  }
0x63: {  	_ =	shalt  }
0x64: {  	_ =	shalt  }
0x65: {  	_ =	shalt  }
0x66: {  	_ =	shalt  }
0x67: {  	_ =	shalt  }
0x68: {  	_ =	shalt  }
0x69: {  	_ =	shalt  }
0x6a: {  	_ =	shalt  }
0x6b: {  	_ =	shalt  }
0x6c: {  	_ =	shalt  }
0x6d: {  	_ =	shalt  }
0x6e: {  	_ =	shalt  }
0x6f: {  	_ =	shalt  }
0x70: {  	_ =	shalt  }
0x71: {  	_ =	shalt  }
0x72: {  	_ =	shalt  }
0x73: {  	_ =	shalt  }
0x74: {  	_ =	shalt  }
0x75: {  	_ =	shalt  }
0x76: {  	_ =	shalt  }
0x77: {  	_ =	shalt  }
0x78: {  	_ =	shalt  }
0x79: {  	_ =	shalt  }
0x7a: {  	_ =	shalt  }
0x7b: {  	_ =	shalt  }
0x7c: {  	_ =	shalt  }
0x7d: {  	_ =	shalt  }
0x7e: {  	_ =	shalt  }
0x7f: {  	_ =	shalt  }
0x80: {  	_ =	shalt  }
0x81: {  	_ =	shalt  }
0x82: {  	_ =	shalt  }
0x83: {  	_ =	shalt  }
0x84: {  	_ =	shalt  }
0x85: {  	_ =	shalt  }
0x86: {  	_ =	shalt  }
0x87: {  	_ =	shalt  }
.Lfunc_end0:
.L_simem_size_0:
called_computation_lowered:
.L_overlay_start_0:
0x88: {  	s0 =	sld [smem:$0x3FD9]  }
0x89: {  	s1 =	sld [smem:$0x3FFE];
	_ =	sdelay $0x3  }
0x8a: {  	s0 =	sadd.s32 s1, s0  }
0x8b: {  	[smem:$0x3FC6] =	sst s0  }
0x8c: {  	_ = 	snop  }
0x8d: {  	s0 =	sld [smem:$0x3FC8]  }
0x8e: {  	s16 =	sld [smem:$0x3FD0];
	(tm) =	ssettm $0x1  }
0x8f: {  	s2 =	sld [smem:$0x3FFB];
	_ =	sdelay $0x3  }
0x90: {  	_ =	strace s2  }
0x91: {  	s2 =	sld [smem:$0x3FFC];
	_ =	sdelay $0x3  }
0x92: {  	_ =	strace s2  }
0x93: {  	s2 =	sld [smem:$0x3FFD];
	_ =	sdelay $0x3  }
0x94: {  	_ =	strace s2  }
0x95: {  	_ =	strace $0x8FFFFFFF  }
0x96: {  	s17 =	sld [smem:$0x3FDB];
	_ =	sdelay $0x1  }
0x97: {  	s3 =	simm.s32 $_scs_section_size  }
0x98: {  	s4 =	simm.s32 $_size__tile_overlayer_lowered;
	s5 =	simm.s32 $_tile_overlayer_lowered  }
0x99: {  	s20 =	simm.s32 $0x1BFF;
	s19 =	sshll.u32 s5, $0x1;
	s2 =	sadd.s32 s3, s17  }
0x9a: {  	s6 =	simm.s32 $0x0;
	s18 =	sshll.u32 s4, $0x1;
	s4 =	sadd.s32 s19, s2  }
0x9b: {  	[timem:s6], [sflag:s20] =	dma.local [hbm:s4], s18  }
0x9c: {  	_ =	swait.ge [sflag:s20], s18  }
0x9d: {  	s3 =	ssub.s32 $0x0, s18;
	[sflag:s20] =	ssyncset.done $0x0  }
0x9e: {  	[sflag:s20] =	ssyncadd.s32 s3;
	_ =	sdelay $0x1  }
0x9f: {  	s21 =	simm.s32 $0x1B8B  }
0xa0: {  	_ =	swait.ge [sflag:s21], $0x1  }
0xa1: {  	[sflag:s21] =	ssyncset.done $0x0  }
0xa2: {  	s23 =	simm.s32 $0x1B8E;
	s22 =	sld [smem:$0x3FFE];
	[sflag:s21] =	ssyncadd.s32 $0xFFFFFFFF  }
0xa3: {  	s24 =	simm.s32 $execute0_lowered;
	[smem:$0x3FD2] =	sst s23  }
0xa4: {  	s4 =	sshll.u32 s24, $0x1;
	_ =	strace $0x80000046;
	[dreg:$0x1] =	wrdreg $0xFFFFFFFF  }
0xa5: {  	s25 =	simm.s32 $_size_execute0_lowered;
	s2 =	sadd.s32 s2, s4;
	[dreg:$0x0] =	wrdreg $0x0  }
0xa6: {  	s4 =	sshll.u32 s25, $0x1;
	[dreg:$0x2] =	wrdreg s2  }
0xa7: {  	[dreg:$0x3] =	wrdreg s4  }
0xa8: {  	[dreg:$0x4] =	wrdreg $0xC0  }
0xa9: {  	_ =	task [dreg:s6], $0x5FFFF  }
0xaa: {  	[dreg:$0x1] =	wrdreg $0xFFFFFFFF  }
0xab: {  	[dreg:$0x0] =	wrdreg $0x60  }
0xac: {  	[dreg:$0x2] =	wrdreg s22  }
0xad: {  	[dreg:$0x3] =	wrdreg s0  }
0xae: {  	[dreg:$0x4] =	wrdreg s16  }
0xaf: {  	[dreg:$0x5] =	wrdreg $0x9  }
0xb0: {  	_ =	task.clear_ibuf [dreg:s6], $0x6FFFF;
	_ =	strace $0x90000046  }
0xb1: {  	s26 =	simm.s32 $0x9;
	_ =	strace $0x80000048  }
0xb2: {  	_ =	swait.ge [sflag:s26], $0x1  }
0xb3: {  	[sflag:s26] =	ssyncadd.s32 $0xFFFFFFFF  }
0xb4: {  	_ =	strace $0x90000048  }
0xb5: {  	_ =	sfence  }
0xb6: {  	s28 =	sld [smem:$0x0];
	_ =	sdelay $0x1  }
0xb7: {  	s29 =	srdreg.scid  }
0xb8: {  	s30 =	sshll.u32 s29, $0xD;
	s31 =	sshrl.u32 s29, $0x2  }
0xb9: {  	s1 =	sand.u32 $0x1, s29;
	s2 =	sand.u32 $0x4000, s30;
	s0 =	sadd.s32 s31, s28  }
0xba: {  	s1 =	sor.u32 s2, s1;
	s0 =	sshll.u32 s0, $0x11  }
0xbb: {  	s0 =	sor.u32 s0, s1  }
0xbc: {  	s0 =	sadd.s32 $0x8F2B, s0  }
0xbd: {  	[sflag:s0] =	ssyncadd.remote.s32 $0x1  }
0xbe: {  	_ =	sfence.sel $0xFFFF  }
0xbf: {  	[dreg:$0x0] =	wrdreg $0xFFFFFFFF;
	(pc) =	sbr.abs _section_cstart, $3  }
0xc0: {  	[dreg:$0x1] =	wrdreg $0xFFFFFFFF  }
0xc1: {  	_ =	task.clear_ibuf [dreg:s6], $0x2FFFF;
	_ =	strace $0x9FFFFFFF  }
0xc2: {  	(tm) =	ssettm $0x7FFFFFFF  }
0xc3: {  	_ =	shalt  }
tec
execute0_lowered:
.L_overlay_start_1:
0x0: {  	(tag) =	ssettag $0x1  }
0x1: {  	s2 =	rddreg [dreg:$0x0]  }
0x2: {  	s3 =	rddreg [dreg:$0x1]  }
0x3: {  	s1 =	rddreg [dreg:$0x2];
	s4 =	stileid.u32  }
0x4: {  	s0 =	rddreg [dreg:$0x3];
	_ =	strace $0x80000047;
	p0 =	sne.s32 s4, $0x0  }
0x5: {  	_ =	sfence.sel @p0 $0x180000  }
0x6: {  	[bflag:$0x0] =	sbarrier.arrive @p0 $0xFFFF  }
0x7: {  	_ =	strace @p0 $0x90000047  }
0x8: {  	[bflag:$0x2] =	sbarrier.arrive @p0 $0xFFFF  }
0x9: {  	_ =	shalt @p0  }
.LBB2_1:
0xa: {  	s4 =	sadd.s32 $0x400, s2;
	s2 =	simm.s32 $0x0  }
0xb: {  	[tilespmem:s2], [sflag:$0x1] =	stream.linear.gather [hbm4b:s4+s2], $0x13880, $0x38;
	[tilespmem:$0x19180] =	vst v63  }
0xc: {  	s30 =	simm.s32 $0x13900;
	s31 =	simm.s32 $0x2  }
0xd: {  	[tilespmem:s30], [sflag:$0x2] =	stream.linear.gather [hbm4b:s3+s2], $0x4E20, $0x38;
	[tilespmem:$0x19180] =	vst v63  }
0xe: {  	_ =	swait.ge [sflag:s31], $0x4E20  }
0xf: {  	[sflag:s31] =	ssyncset.done $0x0  }
0x10: {  	v0 =	vimm.f32 $-Inf;
	[sflag:s31] =	ssyncadd.s32 $0xFFFFB1E0  }
0x11: {  	[tilespmem:$0x18720] =	vst v0  }
0x12: {  	[tilespmem:$0x18730] =	vst v0  }
0x13: {  	[tilespmem:$0x18740] =	vst v0  }
0x14: {  	[tilespmem:$0x18750] =	vst v0  }
0x15: {  	[tilespmem:$0x18760] =	vst v0  }
0x16: {  	[tilespmem:$0x18770] =	vst v0  }
0x17: {  	[tilespmem:$0x18780] =	vst v0  }
0x18: {  	[tilespmem:$0x18790] =	vst v0  }
0x19: {  	[tilespmem:$0x187A0] =	vst v0  }
0x1a: {  	[tilespmem:$0x187B0] =	vst v0  }
0x1b: {  	[tilespmem:$0x187C0] =	vst v0  }
0x1c: {  	[tilespmem:$0x187D0] =	vst v0  }
0x1d: {  	[tilespmem:$0x187E0] =	vst v0  }
0x1e: {  	[tilespmem:$0x187F0] =	vst v0  }
0x1f: {  	[tilespmem:$0x18CF0] =	vst v0;
	v0 =	vimm.f32 $0.0e+00  }
0x20: {  	[tilespmem:$0x18F80] =	vst v0  }
0x21: {  	[tilespmem:$0x18F90] =	vst v0  }
0x22: {  	[tilespmem:$0x18FA0] =	vst v0  }
0x23: {  	[tilespmem:$0x18FB0] =	vst v0  }
0x24: {  	[tilespmem:$0x18FC0] =	vst v0  }
0x25: {  	[tilespmem:$0x18FD0] =	vst v0  }
0x26: {  	[tilespmem:$0x18FE0] =	vst v0  }
0x27: {  	[tilespmem:$0x18FF0] =	vst v0  }
0x28: {  	[tilespmem:$0x19000] =	vst v0  }
0x29: {  	[tilespmem:$0x19010] =	vst v0  }
0x2a: {  	[tilespmem:$0x19020] =	vst v0  }
0x2b: {  	[tilespmem:$0x19030] =	vst v0  }
0x2c: {  	[tilespmem:$0x19040] =	vst v0  }
0x2d: {  	[tilespmem:$0x19050] =	vst v0  }
0x2e: {  	[tilespmem:$0x19060] =	vst v0  }
0x2f: {  	[tilespmem:$0x19070] =	vst v0  }
0x30: {  	[tilespmem:$0x19080] =	vst v0  }
0x31: {  	[tilespmem:$0x19090] =	vst v0  }
0x32: {  	[tilespmem:$0x190A0] =	vst v0  }
0x33: {  	[tilespmem:$0x190B0] =	vst v0  }
0x34: {  	[tilespmem:$0x190C0] =	vst v0  }
0x35: {  	[tilespmem:$0x190D0] =	vst v0  }
0x36: {  	[tilespmem:$0x190E0] =	vst v0  }
0x37: {  	[tilespmem:$0x190F0] =	vst v0  }
0x38: {  	[tilespmem:$0x19100] =	vst v0  }
0x39: {  	[tilespmem:$0x19110] =	vst v0  }
0x3a: {  	[tilespmem:$0x19120] =	vst v0  }
0x3b: {  	[tilespmem:$0x19130] =	vst v0  }
0x3c: {  	[tilespmem:$0x19140] =	vst v0  }
0x3d: {  	vm0 =	vmmov $0x1;
	vm14 =	vmmov $0x3;
	vm1 =	vmmov $0x7;
	[tilespmem:$0x19150] =	vst v0  }
0x3e: {  	vm13 =	vmmov $0xf;
	vm2 =	vmmov $0x1f;
	vm12 =	vmmov $0x3f;
	[tilespmem:$0x19160] =	vst v0  }
0x3f: {  	vm11 =	vmmov $0x7f;
	vm10 =	vmmov $0xff;
	vm9 =	vmmov $0x1ff;
	s3 =	simm.s32 $0x13980;
	[tilespmem:$0x19170] =	vst v0  }
0x40: {  	vm8 =	vmmov $0x3ff;
	vm7 =	vmmov $0x7ff;
	vm6 =	vmmov $0xfff;
	v0 =	vld [tilespmem:s3+$0xFFFFFF80]  }
0x41: {  	vm4 =	vmmov $0x1fff;
	vm5 =	vmmov $0x3fff;
	vm3 =	vmmov $0x7fff;
	s4 =	simm.s32 $0x40;
	v1 =	vld [tilespmem:s3+$0xFFFFFF90]  }
.LBB2_2:
0x42: {  	p0 =	sne.s32 s4, $0x1380;
	v2 =	vld [tilespmem:s3+$0xFFFFFFA0]  }
0x43: {  	v3 =	vld [tilespmem:s3+$0xFFFFFFB0]  }
0x44: {  	v4 =	vld [tilespmem:s3+$0xFFFFFFC0]  }
0x45: {  	v5 =	vld [tilespmem:s3+$0xFFFFFFD0];
	(xrf0) =	vmax.scan.msk.f32 $0xffff, v0  }
0x46: {  	v0 =	vld [tilespmem:s3+$0xFFFFFFE0];
	(xrf0) =	vmax.scan.msk.f32 $0xffff, v1  }
0x47: {  	v1 =	vld [tilespmem:s3+$0xFFFFFFF0];
	(xrf0) =	vmax.scan.msk.f32 $0xffff, v2  }
0x48: {  	v2 =	vld [tilespmem:s3+$0x0];
	(xrf0) =	vmax.scan.msk.f32 $0xffff, v3  }
0x49: {  	v3 =	vld [tilespmem:s3+$0x10];
	(xrf0) =	vmax.scan.msk.f32 $0xffff, v4  }
0x4a: {  	v4 =	vld [tilespmem:s3+$0x20];
	(xrf0) =	vmax.scan.msk.f32 $0xffff, v5  }
0x4b: {  	v5 =	vld [tilespmem:s3+$0x30];
	v6, _, _ =	vpop (xrf0);
	(xrf0) =	vmax.scan.msk.f32 $0xffff, v0  }
0x4c: {  	v0 =	vld [tilespmem:s3+$0x40];
	v7, _, _ =	vpop (xrf0);
	(xrf0) =	vmax.scan.msk.f32 $0xffff, v1  }
0x4d: {  	v1 =	vbroadcast v6, $0xF;
	v10 =	vbroadcast v7, $0xF;
	v7 =	vld [tilespmem:s3+$0x50];
	v8, _, _ =	vpop (xrf0);
	(xrf0) =	vmax.scan.msk.f32 $0xffff, v2  }
0x4e: {  	v2 =	vbroadcast v8, $0xF;
	v8 =	vld [tilespmem:s3+$0x60];
	v9, _, _ =	vpop (xrf0);
	(xrf0) =	vmax.scan.msk.f32 $0xffff, v3  }
0x4f: {  	v1 =	vsel vm0, v1, v10;
	v3 =	vbroadcast v9, $0xF;
	v6, _, _ =	vpop (xrf0);
	(xrf0) =	vmax.scan.msk.f32 $0xffff, v4  }
0x50: {  	v1 =	vsel vm14, v1, v2;
	v6 =	vbroadcast v6, $0xF;
	v4, _, _ =	vpop (xrf0);
	(xrf0) =	vmax.scan.msk.f32 $0xffff, v5  }
0x51: {  	v1 =	vsel vm1, v1, v3;
	v9 =	vbroadcast v4, $0xF;
	v4 =	vld [tilespmem:s3+$0x70];
	v5, _, _ =	vpop (xrf0);
	(xrf0) =	vmax.scan.msk.f32 $0xffff, v0  }
0x52: {  	v0 =	vsel vm13, v1, v6;
	v1 =	vbroadcast v5, $0xF;
	v2, _, _ =	vpop (xrf0);
	(xrf0) =	vmax.scan.msk.f32 $0xffff, v7  }
0x53: {  	v0 =	vsel vm2, v0, v9;
	v2 =	vbroadcast v2, $0xF;
	v3, _, _ =	vpop (xrf0);
	(xrf0) =	vmax.scan.msk.f32 $0xffff, v8  }
0x54: {  	v0 =	vsel vm12, v0, v1;
	v1 =	vbroadcast v3, $0xF;
	v3, _, _ =	vpop (xrf0)  }
0x55: {  	v0 =	vsel vm11, v0, v2;
	v2 =	vbroadcast v3, $0xF;
	v3, _, _ =	vpop (xrf0)  }
0x56: {  	v0 =	vsel vm10, v0, v1;
	v1 =	vbroadcast v3, $0xF;
	v3, _, _ =	vpop (xrf0);
	(xrf0) =	vmax.scan.msk.f32 $0xffff, v4  }
0x57: {  	v0 =	vsel vm9, v0, v2;
	v2 =	vbroadcast v3, $0xF;
	v3, _, _ =	vpop (xrf0)  }
0x58: {  	v0 =	vsel vm8, v0, v1;
	v1 =	vbroadcast v3, $0xF;
	v3, _, _ =	vpop (xrf0)  }
0x59: {  	v0 =	vsel vm7, v0, v2;
	v2 =	vbroadcast v3, $0xF;
	v3, _, _ =	vpop (xrf0)  }
0x5a: {  	v0 =	vsel vm6, v0, v1;
	v3 =	vbroadcast v3, $0xF  }
0x5b: {  	v0 =	vsel vm4, v0, v2  }
.Ltmp0:
0x5c: {  	v0 =	vsel vm5, v0, v3;
	v1, _, _ =	vpop (xrf0);
	(pc) =	sbr.rel @p0 .LBB2_2-.Ltmp0, $4  }
0x5d: {  	s5 =	sshra.s32 s2, $0x2;
	s2 =	smov.u32 s4;
	v0 =	vsel vm3, v0, v1  }
0x5e: {  	s3 =	sadd.s32 $0x100, s3;
	[tilespmem:s5+$0x18800] =	vst v0  }
0x5f: {  	v0 =	vld [tilespmem:s3+$0xFFFFFF80]  }
0x60: {  	s4 =	sadd.s32 $0x40, s4;
	v1 =	vld [tilespmem:s3+$0xFFFFFF90]  }
0x61: {  	_ = 	snop  }
0x62: {  	v2 =	vld [tilespmem:s3+$0xFFFFFFA0]  }
0x63: {  	v3 =	vld [tilespmem:s3+$0xFFFFFFB0]  }
0x64: {  	v4 =	vld [tilespmem:s3+$0xFFFFFFC0];
	(xrf0) =	vmax.scan.msk.f32 $0xffff, v0  }
0x65: {  	v5 =	vld [tilespmem:s3+$0xFFFFFFD0];
	(xrf0) =	vmax.scan.msk.f32 $0xffff, v1  }
0x66: {  	v0 =	vld [tilespmem:s3+$0xFFFFFFE0]  }
0x67: {  	v1 =	vld [tilespmem:s3+$0xFFFFFFF0];
	(xrf0) =	vmax.scan.msk.f32 $0xffff, v2  }
0x68: {  	(xrf0) =	vmax.scan.msk.f32 $0xffff, v3  }
0x69: {  	(xrf0) =	vmax.scan.msk.f32 $0xffff, v4  }
0x6a: {  	v2 =	vld [tilespmem:s3+$0x0];
	(xrf0) =	vmax.scan.msk.f32 $0xffff, v5;
	v6, _, _ =	vpop (xrf0)  }
0x6b: {  	v3 =	vld [tilespmem:s3+$0x10];
	(xrf0) =	vmax.scan.msk.f32 $0xffff, v0;
	v7, _, _ =	vpop (xrf0)  }
0x6c: {  	v4 =	vld [tilespmem:s3+$0x20];
	(xrf0) =	vmax.scan.msk.f32 $0xffff, v1;
	v1 =	vbroadcast v6, $0xF;
	v6 =	vbroadcast v7, $0xF;
	_ =	sdelay $0x1  }
0x6d: {  	v5 =	vld [tilespmem:s3+$0x30];
	v8, _, _ =	vpop (xrf0)  }
0x6e: {  	v0 =	vld [tilespmem:s3+$0x40];
	(xrf0) =	vmax.scan.msk.f32 $0xffff, v2;
	v2 =	vbroadcast v8, $0xF;
	v9, _, _ =	vpop (xrf0)  }
0x6f: {  	v7 =	vld [tilespmem:s3+$0x50];
	(xrf0) =	vmax.scan.msk.f32 $0xffff, v3;
	v1 =	vsel vm0, v1, v6;
	v3 =	vbroadcast v9, $0xF;
	v6, _, _ =	vpop (xrf0)  }
0x70: {  	v8 =	vld [tilespmem:s3+$0x60];
	v1 =	vsel vm14, v1, v2;
	(xrf0) =	vmax.scan.msk.f32 $0xffff, v4;
	v2 =	vbroadcast v6, $0xF;
	v4, _, _ =	vpop (xrf0)  }
0x71: {  	v1 =	vsel vm1, v1, v3;
	v3 =	vbroadcast v4, $0xF  }
0x72: {  	(xrf0) =	vmax.scan.msk.f32 $0xffff, v5  }
0x73: {  	v5, _, _ =	vpop (xrf0);
	(xrf0) =	vmax.scan.msk.f32 $0xffff, v0  }
0x74: {  	v0 =	vsel vm13, v1, v2;
	v1 =	vbroadcast v5, $0xF;
	v2, _, _ =	vpop (xrf0);
	(xrf0) =	vmax.scan.msk.f32 $0xffff, v7  }
0x75: {  	v4 =	vld [tilespmem:s3+$0x70];
	v0 =	vsel vm2, v0, v3;
	v2 =	vbroadcast v2, $0xF;
	v3, _, _ =	vpop (xrf0);
	(xrf0) =	vmax.scan.msk.f32 $0xffff, v8  }
0x76: {  	v0 =	vsel vm12, v0, v1;
	v1 =	vbroadcast v3, $0xF;
	v3, _, _ =	vpop (xrf0)  }
0x77: {  	v0 =	vsel vm11, v0, v2;
	v2 =	vbroadcast v3, $0xF;
	v3, _, _ =	vpop (xrf0)  }
0x78: {  	v0 =	vsel vm10, v0, v1;
	v1 =	vbroadcast v3, $0xF;
	v3, _, _ =	vpop (xrf0)  }
0x79: {  	v0 =	vsel vm9, v0, v2;
	v2 =	vbroadcast v3, $0xF;
	v3, _, _ =	vpop (xrf0)  }
0x7a: {  	(xrf0) =	vmax.scan.msk.f32 $0xffff, v4;
	v0 =	vsel vm8, v0, v1;
	v1 =	vbroadcast v3, $0xF;
	v3, _, _ =	vpop (xrf0)  }
0x7b: {  	v0 =	vsel vm7, v0, v2;
	v2 =	vbroadcast v3, $0xF;
	v3, _, _ =	vpop (xrf0)  }
0x7c: {  	v0 =	vsel vm6, v0, v1;
	v1 =	vbroadcast v3, $0xF;
	_ =	sdelay $0x2  }
0x7d: {  	v0 =	vsel vm4, v0, v2  }
0x7e: {  	v0 =	vsel vm5, v0, v1;
	v1, _, _ =	vpop (xrf0)  }
0x7f: {  	s2 =	sshra.s32 s2, $0x2;
	v0 =	vsel vm3, v0, v1  }
0x80: {  	[tilespmem:s2+$0x18800] =	vst v0  }
0x81: {  	v0 =	vld [tilespmem:$0x18800]  }
0x82: {  	v1 =	vld [tilespmem:$0x18810]  }
0x83: {  	v2 =	vld [tilespmem:$0x18820]  }
0x84: {  	v3 =	vld [tilespmem:$0x18830]  }
0x85: {  	v4 =	vld [tilespmem:$0x18840]  }
0x86: {  	(xrf0) =	vmax.scan.msk.f32 $0xffff, v0;
	v0 =	vld [tilespmem:$0x18850]  }
0x87: {  	(xrf0) =	vmax.scan.msk.f32 $0xffff, v1;
	v1 =	vld [tilespmem:$0x18860]  }
0x88: {  	(xrf0) =	vmax.scan.msk.f32 $0xffff, v2;
	v2 =	vld [tilespmem:$0x18870]  }
0x89: {  	(xrf0) =	vmax.scan.msk.f32 $0xffff, v3;
	v3 =	vld [tilespmem:$0x18880]  }
0x8a: {  	(xrf0) =	vmax.scan.msk.f32 $0xffff, v4;
	v4 =	vld [tilespmem:$0x18890]  }
0x8b: {  	(xrf0) =	vmax.scan.msk.f32 $0xffff, v0;
	v0 =	vld [tilespmem:$0x188A0]  }
0x8c: {  	v7, _, _ =	vpop (xrf0);
	(xrf0) =	vmax.scan.msk.f32 $0xffff, v1;
	v1 =	vld [tilespmem:$0x188B0]  }
0x8d: {  	v8, _, _ =	vpop (xrf0);
	(xrf0) =	vmax.scan.msk.f32 $0xffff, v2;
	v2 =	vld [tilespmem:$0x188C0]  }
0x8e: {  	v61, _, _ =	vpop (xrf0);
	(xrf0) =	vmax.scan.msk.f32 $0xffff, v3;
	v3 =	vld [tilespmem:$0x188D0]  }
0x8f: {  	v10, _, _ =	vpop (xrf0);
	(xrf0) =	vmax.scan.msk.f32 $0xffff, v4;
	v4 =	vld [tilespmem:$0x188E0]  }
0x90: {  	v11, _, _ =	vpop (xrf0);
	(xrf0) =	vmax.scan.msk.f32 $0xffff, v0;
	v0 =	vld [tilespmem:$0x188F0]  }
0x91: {  	v12, _, _ =	vpop (xrf0);
	(xrf0) =	vmax.scan.msk.f32 $0xffff, v1;
	v1 =	vld [tilespmem:$0x18900]  }
0x92: {  	v13, _, _ =	vpop (xrf0);
	(xrf0) =	vmax.scan.msk.f32 $0xffff, v2;
	v2 =	vld [tilespmem:$0x18910]  }
0x93: {  	v14, _, _ =	vpop (xrf0);
	(xrf0) =	vmax.scan.msk.f32 $0xffff, v3;
	v3 =	vld [tilespmem:$0x18920]  }
0x94: {  	v15, _, _ =	vpop (xrf0);
	(xrf0) =	vmax.scan.msk.f32 $0xffff, v4;
	v4 =	vld [tilespmem:$0x18930]  }
0x95: {  	v16, _, _ =	vpop (xrf0);
	(xrf0) =	vmax.scan.msk.f32 $0xffff, v0;
	v0 =	vld [tilespmem:$0x18940]  }
0x96: {  	v17, _, _ =	vpop (xrf0);
	(xrf0) =	vmax.scan.msk.f32 $0xffff, v1;
	v1 =	vld [tilespmem:$0x18950]  }
0x97: {  	v18, _, _ =	vpop (xrf0);
	(xrf0) =	vmax.scan.msk.f32 $0xffff, v2;
	v2 =	vld [tilespmem:$0x18960]  }
0x98: {  	v19, _, _ =	vpop (xrf0);
	(xrf0) =	vmax.scan.msk.f32 $0xffff, v3;
	v3 =	vld [tilespmem:$0x18970]  }
0x99: {  	v20, _, _ =	vpop (xrf0);
	(xrf0) =	vmax.scan.msk.f32 $0xffff, v4;
	v4 =	vld [tilespmem:$0x18980]  }
0x9a: {  	v5 =	vld [tilespmem:$0x18990];
	v21, _, _ =	vpop (xrf0);
	(xrf0) =	vmax.scan.msk.f32 $0xffff, v0  }
0x9b: {  	v0, _, _ =	vpop (xrf0);
	(xrf0) =	vmax.scan.msk.f32 $0xffff, v1;
	v1 =	vld [tilespmem:$0x189A0]  }
0x9c: {  	v22, _, _ =	vpop (xrf0);
	(xrf0) =	vmax.scan.msk.f32 $0xffff, v2;
	v2 =	vld [tilespmem:$0x189B0]  }
0x9d: {  	v23, _, _ =	vpop (xrf0);
	(xrf0) =	vmax.scan.msk.f32 $0xffff, v3;
	v3 =	vld [tilespmem:$0x189C0]  }
0x9e: {  	v24, _, _ =	vpop (xrf0);
	(xrf0) =	vmax.scan.msk.f32 $0xffff, v4;
	v4 =	vld [tilespmem:$0x189D0]  }
0x9f: {  	v25, _, _ =	vpop (xrf0);
	(xrf0) =	vmax.scan.msk.f32 $0xffff, v5;
	v5 =	vld [tilespmem:$0x189E0]  }
0xa0: {  	v26, _, _ =	vpop (xrf0);
	(xrf0) =	vmax.scan.msk.f32 $0xffff, v1;
	v1 =	vld [tilespmem:$0x189F0]  }
0xa1: {  	v27, _, _ =	vpop (xrf0);
	(xrf0) =	vmax.scan.msk.f32 $0xffff, v2;
	v2 =	vld [tilespmem:$0x18A00]  }
0xa2: {  	v28, _, _ =	vpop (xrf0);
	(xrf0) =	vmax.scan.msk.f32 $0xffff, v3;
	v3 =	vld [tilespmem:$0x18A10]  }
0xa3: {  	v29, _, _ =	vpop (xrf0);
	(xrf0) =	vmax.scan.msk.f32 $0xffff, v4;
	v4 =	vld [tilespmem:$0x18A20]  }
0xa4: {  	v31 =	vld [tilespmem:$0x18A30];
	v30, _, _ =	vpop (xrf0);
	(xrf0) =	vmax.scan.msk.f32 $0xffff, v5  }
0xa5: {  	v32, _, _ =	vpop (xrf0);
	(xrf0) =	vmax.scan.msk.f32 $0xffff, v1;
	v1 =	vld [tilespmem:$0x18A40]  }
0xa6: {  	v33, _, _ =	vpop (xrf0);
	(xrf0) =	vmax.scan.msk.f32 $0xffff, v2;
	v2 =	vld [tilespmem:$0x18A50]  }
0xa7: {  	v34 =	vld [tilespmem:$0x18A60];
	v7 =	vbroadcast v7, $0xF;
	v8 =	vbroadcast v8, $0xF;
	v6, _, _ =	vpop (xrf0);
	(xrf0) =	vmax.scan.msk.f32 $0xffff, v3  }
0xa8: {  	v35 =	vld [tilespmem:$0x18A70];
	v9 =	vbroadcast v61, $0xF;
	v5, _, _ =	vpop (xrf0);
	(xrf0) =	vmax.scan.msk.f32 $0xffff, v4  }
0xa9: {  	v62 =	vld [tilespmem:$0x18A80];
	v7 =	vsel vm0, v7, v8;
	v8 =	vbroadcast v10, $0xF;
	v4, _, _ =	vpop (xrf0);
	(xrf0) =	vmax.scan.msk.f32 $0xffff, v31  }
0xaa: {  	v36 =	vld [tilespmem:$0x18A90];
	v7 =	vsel vm14, v7, v9;
	v63 =	vbroadcast v11, $0xF;
	v3, _, _ =	vpop (xrf0);
	(xrf0) =	vmax.scan.msk.f32 $0xffff, v1  }
0xab: {  	v7 =	vsel vm1, v7, v8;
	v8 =	vbroadcast v12, $0xF;
	v1, _, _ =	vpop (xrf0);
	(xrf0) =	vmax.scan.msk.f32 $0xffff, v2;
	v2 =	vld [tilespmem:$0x18AA0]  }
0xac: {  	v37 =	vld [tilespmem:$0x18AB0];
	v7 =	vsel vm13, v7, v63;
	v40 =	vbroadcast v13, $0xF;
	v10, _, _ =	vpop (xrf0);
	(xrf0) =	vmax.scan.msk.f32 $0xffff, v34  }
0xad: {  	v39 =	vld [tilespmem:$0x18AC0];
	v7 =	vsel vm2, v7, v8;
	v8 =	vbroadcast v14, $0xF;
	v38, _, _ =	vpop (xrf0);
	(xrf0) =	vmax.scan.msk.f32 $0xffff, v35  }
0xae: {  	v41 =	vld [tilespmem:$0x18AD0];
	v7 =	vsel vm12, v7, v40;
	v43 =	vbroadcast v15, $0xF;
	v13, _, _ =	vpop (xrf0);
	(xrf0) =	vmax.scan.msk.f32 $0xffff, v62  }
0xaf: {  	v42 =	vld [tilespmem:$0x18AE0];
	v7 =	vsel vm11, v7, v8;
	v8 =	vbroadcast v16, $0xF;
	v14, _, _ =	vpop (xrf0);
	(xrf0) =	vmax.scan.msk.f32 $0xffff, v36  }
0xb0: {  	v7 =	vsel vm10, v7, v43;
	v45 =	vbroadcast v17, $0xF;
	v15, _, _ =	vpop (xrf0);
	(xrf0) =	vmax.scan.msk.f32 $0xffff, v2;
	v2 =	vld [tilespmem:$0x18AF0]  }
0xb1: {  	v44 =	vld [tilespmem:$0x18B00];
	v7 =	vsel vm9, v7, v8;
	v8 =	vbroadcast v18, $0xF;
	v16, _, _ =	vpop (xrf0);
	(xrf0) =	vmax.scan.msk.f32 $0xffff, v37  }
0xb2: {  	v46 =	vld [tilespmem:$0x18B10];
	v7 =	vsel vm8, v7, v45;
	v48 =	vbroadcast v19, $0xF;
	v17, _, _ =	vpop (xrf0);
	(xrf0) =	vmax.scan.msk.f32 $0xffff, v39  }
0xb3: {  	v47 =	vld [tilespmem:$0x18B20];
	v7 =	vsel vm7, v7, v8;
	v8 =	vbroadcast v22, $0xF;
	v50 =	vbroadcast v23, $0xF;
	v18, _, _ =	vpop (xrf0);
	(xrf0) =	vmax.scan.msk.f32 $0xffff, v41  }
0xb4: {  	v49 =	vld [tilespmem:$0x18B30];
	v20 =	vbroadcast v20, $0xF;
	v7 =	vsel vm6, v7, v48;
	v51 =	vbroadcast v24, $0xF;
	v19, _, _ =	vpop (xrf0);
	(xrf0) =	vmax.scan.msk.f32 $0xffff, v42  }
0xb5: {  	v21 =	vbroadcast v21, $0xF;
	v8 =	vsel vm0, v8, v50;
	v53 =	vbroadcast v25, $0xF;
	v23, _, _ =	vpop (xrf0);
	(xrf0) =	vmax.scan.msk.f32 $0xffff, v2;
	v2 =	vld [tilespmem:$0x18B40]  }
0xb6: {  	v52 =	vld [tilespmem:$0x18B50];
	v7 =	vsel vm4, v7, v20;
	v8 =	vsel vm14, v8, v51;
	v55 =	vbroadcast v26, $0xF;
	v24, _, _ =	vpop (xrf0);
	(xrf0) =	vmax.scan.msk.f32 $0xffff, v44  }
0xb7: {  	v54 =	vld [tilespmem:$0x18B60];
	v7 =	vsel vm5, v7, v21;
	v8 =	vsel vm1, v8, v53;
	v57 =	vbroadcast v27, $0xF;
	v25, _, _ =	vpop (xrf0);
	(xrf0) =	vmax.scan.msk.f32 $0xffff, v46  }
0xb8: {  	v56 =	vld [tilespmem:$0x18B70];
	v0 =	vsel vm3, v7, v0;
	v8 =	vsel vm13, v8, v55;
	v59 =	vbroadcast v28, $0xF;
	v26, _, _ =	vpop (xrf0);
	(xrf0) =	vmax.scan.msk.f32 $0xffff, v47  }
0xb9: {  	v58 =	vld [tilespmem:$0x18B80];
	v7 =	vsel vm2, v8, v57;
	v8 =	vbroadcast v29, $0xF;
	v63 =	vbroadcast v32, $0xF;
	v22, _, _ =	vpop (xrf0);
	(xrf0) =	vmax.scan.msk.f32 $0xffff, v49  }
0xba: {  	v60 =	vld [tilespmem:$0x18B90];
	v7 =	vsel vm12, v7, v59;
	v40 =	vbroadcast v33, $0xF;
	v6 =	vbroadcast v6, $0xF;
	v21, _, _ =	vpop (xrf0);
	(xrf0) =	vmax.scan.msk.f32 $0xffff, v2  }
0xbb: {  	v61 =	vld [tilespmem:$0x18BA0];
	v7 =	vsel vm11, v7, v8;
	v8 =	vbroadcast v10, $0xF;
	v37 =	vbroadcast v38, $0xF;
	v2, _, _ =	vpop (xrf0);
	(xrf0) =	vmax.scan.msk.f32 $0xffff, v52  }
0xbc: {  	v62 =	vbroadcast v30, $0xF;
	v36 =	vld [tilespmem:$0x18BB0];
	v13 =	vbroadcast v13, $0xF;
	v29, _, _ =	vpop (xrf0);
	(xrf0) =	vmax.scan.msk.f32 $0xffff, v54  }
0xbd: {  	v5 =	vbroadcast v5, $0xF;
	v43 =	vbroadcast v14, $0xF;
	v39 =	vld [tilespmem:$0x18BC0];
	v8 =	vsel vm0, v8, v37;
	v38, _, _ =	vpop (xrf0);
	(xrf0) =	vmax.scan.msk.f32 $0xffff, v56  }
0xbe: {  	v7 =	vsel vm10, v7, v62;
	v42 =	vld [tilespmem:$0x18BD0];
	v8 =	vsel vm14, v8, v13;
	v46 =	vbroadcast v15, $0xF;
	v41, _, _ =	vpop (xrf0);
	(xrf0) =	vmax.scan.msk.f32 $0xffff, v58  }
0xbf: {  	v45 =	vld [tilespmem:$0x18BE0];
	v7 =	vsel vm9, v7, v63;
	v8 =	vsel vm1, v8, v43;
	v49 =	vbroadcast v16, $0xF;
	v44, _, _ =	vpop (xrf0);
	(xrf0) =	vmax.scan.msk.f32 $0xffff, v60  }
0xc0: {  	v48 =	vld [tilespmem:$0x18BF0];
	v7 =	vsel vm8, v7, v40;
	v8 =	vsel vm13, v8, v46;
	v52 =	vbroadcast v17, $0xF;
	v47, _, _ =	vpop (xrf0);
	(xrf0) =	vmax.scan.msk.f32 $0xffff, v61  }
0xc1: {  	v51 =	vld [tilespmem:$0x18C00];
	v6 =	vsel vm7, v7, v6;
	v7 =	vsel vm2, v8, v49;
	v8 =	vbroadcast v18, $0xF;
	v50, _, _ =	vpop (xrf0);
	(xrf0) =	vmax.scan.msk.f32 $0xffff, v36  }
0xc2: {  	v5 =	vsel vm6, v6, v5;
	v54 =	vld [tilespmem:$0x18C10];
	v6 =	vsel vm12, v7, v52;
	v7 =	vbroadcast v19, $0xF;
	v53, _, _ =	vpop (xrf0);
	(xrf0) =	vmax.scan.msk.f32 $0xffff, v39  }
0xc3: {  	v4 =	vbroadcast v4, $0xF;
	v56 =	vld [tilespmem:$0x18C20];
	v6 =	vsel vm11, v6, v8;
	v8 =	vbroadcast v23, $0xF;
	v55, _, _ =	vpop (xrf0);
	(xrf0) =	vmax.scan.msk.f32 $0xffff, v42  }
0xc4: {  	v3 =	vbroadcast v3, $0xF;
	v58 =	vld [tilespmem:$0x18C30];
	v6 =	vsel vm10, v6, v7;
	v7 =	vbroadcast v24, $0xF;
	v57, _, _ =	vpop (xrf0);
	(xrf0) =	vmax.scan.msk.f32 $0xffff, v45  }
0xc5: {  	v4 =	vsel vm4, v5, v4;
	v60 =	vld [tilespmem:$0x18C40];
	v5 =	vsel vm9, v6, v8;
	v6 =	vbroadcast v25, $0xF;
	v59, _, _ =	vpop (xrf0);
	(xrf0) =	vmax.scan.msk.f32 $0xffff, v48  }
0xc6: {  	v62 =	vld [tilespmem:$0x18C50];
	v3 =	vsel vm5, v4, v3;
	v4 =	vsel vm8, v5, v7;
	v7 =	vbroadcast v26, $0xF;
	v61, _, _ =	vpop (xrf0);
	(xrf0) =	vmax.scan.msk.f32 $0xffff, v51  }
0xc7: {  	v63 =	vld [tilespmem:$0x18C60];
	v27 =	vbroadcast v22, $0xF;
	v4 =	vsel vm7, v4, v6;
	v8, _, _ =	vpop (xrf0);
	(xrf0) =	vmax.scan.msk.f32 $0xffff, v54  }
0xc8: {  	v12 =	vbroadcast v38, $0xF;
	v4 =	vsel vm6, v4, v7;
	v7 =	vbroadcast v29, $0xF;
	v5, _, _ =	vpop (xrf0);
	(xrf0) =	vmax.scan.msk.f32 $0xffff, v56  }
0xc9: {  	v30 =	vld [tilespmem:$0x18C70];
	v1 =	vsel vm3, v3, v1;
	v3 =	vsel vm4, v4, v27;
	v4 =	vbroadcast v41, $0xF;
	v6, _, _ =	vpop (xrf0);
	(xrf0) =	vmax.scan.msk.f32 $0xffff, v58  }
0xca: {  	v32 =	vld [tilespmem:$0x18C80];
	v33 =	vbroadcast v44, $0xF;
	v7 =	vsel vm0, v7, v12;
	v29, _, _ =	vpop (xrf0);
	(xrf0) =	vmax.scan.msk.f32 $0xffff, v60  }
0xcb: {  	v35 =	vld [tilespmem:$0x18C90];
	v4 =	vsel vm14, v7, v4;
	v7 =	vbroadcast v47, $0xF;
	v31, _, _ =	vpop (xrf0);
	(xrf0) =	vmax.scan.msk.f32 $0xffff, v62  }
0xcc: {  	v38 =	vld [tilespmem:$0x18CA0];
	v36 =	vbroadcast v50, $0xF;
	v10 =	vbroadcast v55, $0xF;
	v4 =	vsel vm1, v4, v33;
	v34, _, _ =	vpop (xrf0);
	(xrf0) =	vmax.scan.msk.f32 $0xffff, v63  }
0xcd: {  	v42 =	vld [tilespmem:$0x18CB0];
	v9 =	vbroadcast v57, $0xF;
	v4 =	vsel vm13, v4, v7;
	v7 =	vbroadcast v53, $0xF;
	v37, _, _ =	vpop (xrf0)  }
0xce: {  	v53 =	vbroadcast v59, $0xF;
	v56 =	vbroadcast v61, $0xF;
	v41, _, _ =	vpop (xrf0);
	(xrf0) =	vmax.scan.msk.f32 $0xffff, v30  }
0xcf: {  	v44 =	vld [tilespmem:$0x18CC0];
	v39 =	vbroadcast v34, $0xF;
	v40 =	vbroadcast v37, $0xF;
	v43, _, _ =	vpop (xrf0);
	(xrf0) =	vmax.scan.msk.f32 $0xffff, v32  }
0xd0: {  	v8 =	vbroadcast v8, $0xF;
	v4 =	vsel vm2, v4, v36;
	v15 =	vbroadcast v41, $0xF;
	v46, _, _ =	vpop (xrf0);
	(xrf0) =	vmax.scan.msk.f32 $0xffff, v35  }
0xd1: {  	v47 =	vld [tilespmem:$0x18CD0];
	v5 =	vbroadcast v5, $0xF;
	v12 =	vsel vm0, v39, v40;
	v45 =	vbroadcast v43, $0xF;
	v48, _, _ =	vpop (xrf0);
	(xrf0) =	vmax.scan.msk.f32 $0xffff, v38  }
0xd2: {  	v49 =	vld [tilespmem:$0x18CE0];
	v4 =	vsel vm12, v4, v7;
	v12 =	vsel vm14, v12, v15;
	v7 =	vbroadcast v46, $0xF;
	v51, _, _ =	vpop (xrf0);
	(xrf0) =	vmax.scan.msk.f32 $0xffff, v42  }
0xd3: {  	v4 =	vsel vm11, v4, v10;
	v12 =	vsel vm1, v12, v45;
	v50 =	vbroadcast v48, $0xF  }
0xd4: {  	v4 =	vsel vm10, v4, v9;
	v7 =	vsel vm13, v12, v7;
	v52 =	vbroadcast v51, $0xF;
	(xrf0) =	vmax.scan.msk.f32 $0xffff, v44;
	v55, _, _ =	vpop (xrf0)  }
0xd5: {  	v54 =	vld [tilespmem:$0x18CF0];
	v4 =	vsel vm9, v4, v53;
	v7 =	vsel vm2, v7, v50;
	v57, _, _ =	vpop (xrf0);
	v9 =	vbroadcast v55, $0xF  }
0xd6: {  	v4 =	vsel vm8, v4, v56;
	(xrf0) =	vmax.scan.msk.f32 $0xffff, v47;
	v7 =	vsel vm12, v7, v52;
	v10 =	vbroadcast v57, $0xF;
	v58, _, _ =	vpop (xrf0)  }
0xd7: {  	v4 =	vsel vm7, v4, v8;
	(xrf0) =	vmax.scan.msk.f32 $0xffff, v49;
	v7 =	vsel vm11, v7, v9;
	v8 =	vbroadcast v58, $0xF;
	v59, _, _ =	vpop (xrf0)  }
0xd8: {  	v4 =	vsel vm6, v4, v5;
	v5 =	vsel vm10, v7, v10;
	v60, _, _ =	vpop (xrf0)  }
0xd9: {  	v7 =	vbroadcast v59, $0xF;
	v5 =	vsel vm9, v5, v8;
	v8 =	vbroadcast v60, $0xF  }
0xda: {  	(xrf0) =	vmax.scan.msk.f32 $0xffff, v54;
	v61, _, _ =	vpop (xrf0)  }
0xdb: {  	v6 =	vbroadcast v6, $0xF;
	v5 =	vsel vm8, v5, v7;
	v7 =	vbroadcast v61, $0xF  }
0xdc: {  	v28 =	vbroadcast v21, $0xF;
	v62 =	vbroadcast v29, $0xF;
	v63, _, _ =	vpop (xrf0);
	v5 =	vsel vm7, v5, v8  }
0xdd: {  	v4 =	vsel vm4, v4, v6;
	v6 =	vbroadcast v63, $0xF;
	v5 =	vsel vm6, v5, v7;
	v8, _, _ =	vpop (xrf0)  }
0xde: {  	v3 =	vsel vm5, v3, v28;
	v4 =	vsel vm5, v4, v62;
	v7 =	vbroadcast v8, $0xF  }
0xdf: {  	v2 =	vsel vm3, v3, v2;
	v3 =	vsel vm3, v4, v31;
	v4 =	vsel vm4, v5, v6  }
0xe0: {  	v6 =	vmax.f32 v0, v1;
	v5, _, _ =	vpop (xrf0);
	v4 =	vsel vm5, v4, v7;
	v7 =	vmax.f32 v2, v3  }
0xe1: {  	v4 =	vsel vm3, v4, v5;
	v5 =	vmax.f32 v6, v7  }
0xe2: {  	v5 =	vmax.f32 v5, v4  }
0xe3: {  	(xrf0) =	vmax.scan.msk.f32 $0xffff, v5;
	_ =	sdelay $0x5  }
0xe4: {  	v5, _, _ =	vpop (xrf0)  }
0xe5: {  	(v2sf) =	vpush v5, $0xF;
	_ =	sdelay $0xd  }
0xe6: {  	s31 =	simm.s32 $0x1;
	s4 =	simm.s32 $0x18D00  }
0xe7: {  	s5 =	simm.s32 $0x18D80;
	s6 =	simm.s32 $0x18E00;
	s2 =	spop (v2sf)  }
0xe8: {  	s7 =	simm.s32 $0x18E80;
	s8 =	simm.s32 $0x18F00;
	_ =	swait.ge [sflag:s31], $0x13880  }
0xe9: {  	s9 =	simm.s32 $0x18F80;
	s10 =	simm.s32 $0x13900;
	vm4 =	vcmask $0x3F10;
	[sflag:s31] =	ssyncset.done $0x0  }
0xea: {  	s11 =	simm.s32 $0x18800;
	s3 =	simm.s32 $0x0;
	vm3 =	vmxor vm3, vm3;
	v6 =	vimm.f32 $-Inf;
	v5 =	vlaneseq.u32;
	[sflag:s31] =	ssyncadd.s32 $0xFFFEC780  }
.LBB2_4:
0xeb: {  	vm5 =	veq.f32 v0, s2  }
0xec: {  	v7 =	vmctz.xlane vm5  }
0xed: {  	vm5 =	veq.f32 v1, s2  }
0xee: {  	(v2sf) =	vpush v7, $0x0;
	v7 =	vmctz.xlane vm5  }
0xef: {  	vm5 =	veq.f32 v2, s2  }
0xf0: {  	(v2sf) =	vpush v7, $0x0;
	v7 =	vmctz.xlane vm5;
	_ =	sdelay $0x1  }
0xf1: {  	vm5 =	veq.f32 v3, s2;
	(v2sf) =	vpush v7, $0x0  }
0xf2: {  	v7 =	vmctz.xlane vm5  }
0xf3: {  	vm5 =	veq.f32 v4, s2  }
0xf4: {  	(v2sf) =	vpush v7, $0x0;
	v7 =	vmctz.xlane vm5;
	_ =	sdelay $0x1  }
0xf5: {  	(v2sf) =	vpush v7, $0x0;
	_ =	sdelay $0x5  }
0xf6: {  	s12 =	spop (v2sf)  }
0xf7: {  	p1 =	slt.s32 s12, $0x2710  }
0xf8: {  	p0 =	slt.s32 s12, $0x10;
	s12 =	simm.s32 @!p1 $0x2710;
	s13 =	spop (v2sf)  }
0xf9: {  	s12 =	simm.s32 @!p0 $0x2710;
	s14 =	sadd.s32 $0x10, s13  }
0xfa: {  	p0 =	slt.s32 s13, $0x10;
	p1 =	slt.s32 s12, s14;
	s19 =	spop (v2sf)  }
0xfb: {  	s14 =	smov.u32 @p1 s12;
	p1 =	slt.s32 s19, $0x10;
	s13 =	sadd.s32 $0x20, s19  }
0xfc: {  	s12 =	smov.u32 @p0 s14;
	s13 =	simm.s32 @!p1 $0x2710  }
0xfd: {  	s20 =	spop (v2sf);
	p0 =	slt.s32 s12, s13  }
0xfe: {  	s13 =	smov.u32 @p0 s12;
	p0 =	slt.s32 s20, $0x10;
	s12 =	sadd.s32 $0x30, s20  }
0xff: {  	s21 =	spop (v2sf);
	s12 =	simm.s32 @!p0 $0x2710  }
0x100: {  	p1 =	slt.s32 s21, $0x10;
	s14 =	sadd.s32 $0x40, s21;
	p0 =	slt.s32 s13, s12  }
0x101: {  	s14 =	simm.s32 @!p1 $0x2710;
	s12 =	smov.u32 @p0 s13  }
0x102: {  	p0 =	slt.s32 s12, s14  }
0x103: {  	s14 =	smov.u32 @p0 s12  }
0x104: {  	p0 =	slt.s32 s14, $0x4F  }
0x105: {  	s14 =	simm.s32 @!p0 $0x4F  }
0x106: {  	s22 =	sshll.u32 s14, $0x4  }
0x107: {  	v12 =	vld [tilespmem:s22+$0x18800];
	_ =	sdelay $0x4  }
0x108: {  	vm5 =	veq.f32 v12, s2  }
0x109: {  	v7 =	vmctz.xlane vm5;
	_ =	sdelay $0x1  }
0x10a: {  	(v2sf) =	vpush v7, $0x0;
	_ =	sdelay $0xe  }
0x10b: {  	s16 =	spop (v2sf)  }
0x10c: {  	p0 =	slt.s32 s16, $0xF  }
0x10d: {  	s16 =	simm.s32 @!p0 $0xF  }
0x10e: {  	s12 =	sadd.s32 s16, s22  }
0x10f: {  	s23 =	sshll.u32 s12, $0x4  }
0x110: {  	v13 =	vld [tilespmem:s23+$0x13900];
	_ =	sdelay $0x4  }
0x111: {  	vm5 =	veq.f32 v13, s2  }
0x112: {  	v7 =	vmctz.xlane vm5;
	_ =	sdelay $0x1  }
0x113: {  	(v2sf) =	vpush v7, $0x0;
	_ =	sdelay $0xe  }
0x114: {  	s17 =	spop (v2sf)  }
0x115: {  	p0 =	slt.s32 s17, $0xF  }
0x116: {  	v14 =	vld [tilespmem:$0x18D00];
	s17 =	simm.s32 @!p0 $0xF  }
0x117: {  	v15 =	vld [tilespmem:$0x18D80];
	s13 =	sadd.s32 s17, s23  }
0x118: {  	v16 =	vld [tilespmem:$0x18E00];
	p0 =	slt.s32 s13, $0x4E1F  }
0x119: {  	v17 =	vld [tilespmem:$0x18E80];
	s13 =	simm.s32 @!p0 $0x4E1F  }
0x11a: {  	v19 =	vld [tilespmem:$0x18D10];
	s15 =	sshll.u32 s13, $0x4  }
0x11b: {  	v20 =	vld [tilespmem:$0x18D90];
	s15 =	sshra.s32 s15, $0x2  }
0x11c: {  	v7 =	vld [tilespmem:s15+$0x0]  }
0x11d: {  	v21 =	vld [tilespmem:$0x18E10]  }
0x11e: {  	v22 =	vld [tilespmem:$0x18E90]  }
0x11f: {  	v24 =	vld [tilespmem:$0x18D20]  }
0x120: {  	v25 =	vld [tilespmem:$0x18DA0]  }
0x121: {  	v26 =	vld [tilespmem:$0x18E20];
	(v2sf) =	vpush v7, $0x0  }
0x122: {  	v38 =	vld [tilespmem:$0x18EA0];
	(v2sf) =	vpush v7, $0x1  }
0x123: {  	v42 =	vld [tilespmem:$0x18D30];
	(v2sf) =	vpush v7, $0x2  }
0x124: {  	v43 =	vld [tilespmem:$0x18DB0];
	(v2sf) =	vpush v7, $0x3  }
0x125: {  	v27 =	vld [tilespmem:$0x18EB0]  }
0x126: {  	v47 =	vld [tilespmem:$0x18D40];
	v10 =	vbroadcast v7, $0x0;
	v9 =	vbroadcast v7, $0x2  }
0x127: {  	v51 =	vld [tilespmem:$0x18EC0];
	v11 =	vbroadcast v7, $0x1;
	v8 =	vbroadcast v7, $0x3  }
0x128: {  	v29 =	vld [tilespmem:$0x18D50];
	v14 =	vmax.f32 v10, v14  }
0x129: {  	v61 =	vld [tilespmem:$0x18E60];
	v16 =	vmin.f32 v9, v16;
	v15 =	vmax.f32 v11, v15;
	v17 =	vmin.f32 v8, v17  }
0x12a: {  	v48 =	vld [tilespmem:$0x18DC0];
	v39 =	vmax.f32 v10, v19;
	v40 =	vmin.f32 v9, v21;
	v20 =	vmax.f32 v11, v20  }
0x12b: {  	v49 =	vld [tilespmem:$0x18E40];
	v22 =	vmin.f32 v8, v22;
	v24 =	vmax.f32 v10, v24;
	v25 =	vmax.f32 v11, v25  }
0x12c: {  	v55 =	vld [tilespmem:$0x18E50];
	v26 =	vmin.f32 v9, v26;
	v19 =	vmax.f32 v10, v42;
	v27 =	vmin.f32 v8, v27  }
0x12d: {  	v56 =	vld [tilespmem:$0x18ED0];
	v21 =	vmin.f32 v8, v51;
	v32 =	vmax.f32 v10, v29;
	v14 =	vsub.f32 v16, v14  }
0x12e: {  	v18 =	vld [tilespmem:$0x18F00];
	v34 =	vmin.f32 v9, v61;
	v15 =	vsub.f32 v17, v15;
	v17 =	vsub.f32 v40, v39  }
0x12f: {  	v57 =	vld [tilespmem:$0x18D60];
	v20 =	vsub.f32 v22, v20;
	v16 =	vmin.f32 v8, v38;
	v46 =	vsub.f32 v26, v24  }
0x130: {  	v23 =	vld [tilespmem:$0x18F10];
	v22 =	vmax.f32 v11, v43;
	v24 =	vmax.f32 v10, v47;
	v26 =	vmin.f32 v9, v49;
	s24 =	spop (v2sf)  }
0x131: {  	v41 =	vld [tilespmem:$0x18F20];
	v16 =	vsub.f32 v16, v25;
	v22 =	vsub.f32 v27, v22;
	v25 =	vmax.f32 v11, v48;
	s18 =	spop (v2sf)  }
0x132: {  	v45 =	vld [tilespmem:$0x18E30];
	v24 =	vsub.f32 v26, v24;
	v27 =	vmin.f32 v9, v55;
	v26 =	vmin.f32 v8, v56;
	s19 =	spop (v2sf)  }
0x133: {  	v28 =	vld [tilespmem:$0x18F30];
	v14 =	vmax.f32 v14, $0.0e+00;
	v15 =	vmax.f32 v15, $0.0e+00;
	v17 =	vmax.f32 v17, $0.0e+00;
	s20 =	spop (v2sf);
	s15 =	ssub.f32 s19, s24  }
0x134: {  	v62 =	vld [tilespmem:$0x18EE0];
	v20 =	vmax.f32 v20, $0.0e+00;
	v21 =	vsub.f32 v21, v25;
	v25 =	vmax.f32 v10, v57;
	s18 =	ssub.f32 s20, s18  }
0x135: {  	v33 =	vld [tilespmem:$0x18F50];
	v14 =	vmul.f32 v15, v14;
	v17 =	vmul.f32 v20, v17;
	v20 =	vmax.f32 v46, $0.0e+00  }
0x136: {  	v54 =	vld [tilespmem:$0x18DD0];
	v16 =	vmax.f32 v16, $0.0e+00;
	v22 =	vmax.f32 v22, $0.0e+00;
	v24 =	vmax.f32 v24, $0.0e+00;
	s15 =	smul.f32 s18, s15  }
0x137: {  	v36 =	vsub.f32 v34, v25;
	v16 =	vmul.f32 v16, v20;
	v21 =	vmax.f32 v21, $0.0e+00  }
0x138: {  	v53 =	vld [tilespmem:$0x18F40];
	v21 =	vmul.f32 v21, v24;
	v44 =	vadd.f32 s15, v18;
	v23 =	vadd.f32 s15, v23  }
0x139: {  	v60 =	vld [tilespmem:$0x18DE0];
	v50 =	vadd.f32 s15, v41;
	v18 =	vmin.f32 v9, v45;
	v59 =	vadd.f32 s15, v28  }
0x13a: {  	v24 =	vmin.f32 v8, v62;
	v38 =	vadd.f32 s15, v33;
	v18 =	vsub.f32 v18, v19  }
0x13b: {  	v19 =	vmax.f32 v11, v54;
	v15 =	vsub.f32 v44, v14;
	v23 =	vsub.f32 v23, v17  }
0x13c: {  	v20 =	vsub.f32 v50, v16;
	v19 =	vsub.f32 v26, v19;
	v18 =	vmax.f32 v18, $0.0e+00  }
0x13d: {  	v15 =	vmax.f32 v15, $9.999999710e-10;
	v52 =	vmax.f32 v23, $9.999999710e-10;
	v58 =	vmul.f32 v22, v18  }
0x13e: {  	v20 =	vmax.f32 v20, $9.999999710e-10;
	v23 =	vadd.f32 s15, v53;
	v22 =	vmax.f32 v11, v60  }
0x13f: {  	v35 =	vld [tilespmem:$0x18F60];
	(erf) = vrcp.f32 v15;
	v22 =	vsub.f32 v24, v22;
	v18 =	vsub.f32 v59, v58  }
0x140: {  	(erf) = vrcp.f32 v52;
	v63 =	vsub.f32 v23, v21;
	v23 =	vsub.f32 v27, v32  }
0x141: {  	v19 =	vmax.f32 v19, $0.0e+00;
	(erf) = vrcp.f32 v20;
	v22 =	vmax.f32 v22, $0.0e+00  }
0x142: {  	v18 =	vmax.f32 v18, $9.999999710e-10;
	v20 =	vmax.f32 v63, $9.999999710e-10;
	v23 =	vmax.f32 v23, $0.0e+00  }
0x143: {  	(erf) = vrcp.f32 v18;
	v19 =	vmul.f32 v19, v23;
	v18 =	vmax.f32 v36, $0.0e+00  }
0x144: {  	v39 =	vadd.f32 s15, v35;
	(erf) = vrcp.f32 v20;
	v18 =	vmul.f32 v22, v18  }
0x145: {  	v42 =	vmov s3;
	v23 =	vsub.f32 v38, v19  }
0x146: {  	vm6 =	vgt.u32 v42, v5;
	v49 =	vor.u32 $0x40, v5;
	v20 =	vsub.f32 v39, v18  }
0x147: {  	v48 =	vor.u32 $0x30, v5;
	v55 =	vor.u32 $0x60, v5;
	v43 =	vmax.f32 v23, $9.999999710e-10  }
0x148: {  	v45 =	vor.u32 $0x20, v5;
	v37 =	vpop (erf);
	(erf) = vrcp.f32 v43;
	v20 =	vmax.f32 v20, $9.999999710e-10  }
0x149: {  	vm8 =	vgt.u32 v42, v45;
	v14 =	vmul.f32 v37, v14;
	v40 =	vpop (erf);
	(erf) = vrcp.f32 v20  }
0x14a: {  	v54 =	vmov s16;
	v44 =	vor.u32 $0x10, v5;
	v17 =	vmul.f32 v40, v17;
	v41 =	vpop (erf)  }
0x14b: {  	v50 =	vor.u32 $0x50, v5;
	vm5 =	vgt.f32 v14, $5.000000000e-01;
	v16 =	vmul.f32 v41, v16  }
0x14c: {  	vm5 =	vmand vm6, vm5;
	vm6 =	vgt.u32 v42, v44;
	vm7 =	vgt.f32 v17, $5.000000000e-01;
	v46 =	vpop (erf)  }
0x14d: {  	vm6 =	vmand vm6, vm7;
	vm7 =	vgt.f32 v16, $5.000000000e-01;
	v47 =	vpop (erf);
	v15 =	vmul.f32 v46, v58  }
0x14e: {  	vm5 =	vmor vm5, vm6;
	vm6 =	vmand vm8, vm7;
	v16 =	vmul.f32 v47, v21  }
0x14f: {  	vm5 =	vmor vm5, vm6;
	vm6 =	vgt.u32 v42, v48;
	vm7 =	vgt.f32 v15, $5.000000000e-01  }
0x150: {  	vm6 =	vmand vm6, vm7;
	vm7 =	vgt.u32 v42, v49;
	vm13 =	vgt.f32 v16, $5.000000000e-01  }
0x151: {  	v52 =	vmov s17;
	vm5 =	vmor vm5, vm6;
	vm6 =	vmand vm7, vm13;
	v51 =	vpop (erf)  }
0x152: {  	vm7 =	veq.s32 v52, v5;
	vm5 =	vmor vm5, vm6;
	v16 =	vmul.f32 v51, v19;
	v53 =	vpop (erf)  }
0x153: {  	v13 =	vsel vm7, $0xFF800000, v13;
	vm7 =	veq.s32 v54, v5;
	v17 =	vmul.f32 v53, v18  }
0x154: {  	vm6 =	vgt.u32 v42, v50;
	(xrf0) =	vmax.scan.msk.f32 $0xffff, v13;
	v12 =	vsel vm7, $0xFF800000, v12;
	vm14 =	vgt.f32 v16, $5.000000000e-01  }
0x155: {  	vm7 =	vgt.u32 v42, v55;
	(xrf0) =	vmax.scan.msk.f32 $0xffff, v12;
	vm6 =	vmand vm6, vm14;
	vm15 =	vgt.f32 v17, $5.000000000e-01  }
0x156: {  	vm5 =	vmor vm5, vm6;
	vm6 =	vmand vm7, vm15  }
0x157: {  	vm5 =	vmor vm5, vm6  }
0x158: {  	v56 =	vmpcnt.ones.xlane vm5;
	_ =	sdelay $0x1  }
0x159: {  	v13, _, _ =	vpop (xrf0);
	(v2sf) =	vpush v56, $0x0  }
0x15a: {  	v57, _, _ =	vpop (xrf0);
	(v2sf) =	vpush v13, $0xF  }
0x15b: {  	(v2sf) =	vpush v57, $0xF;
	_ =	sdelay $0xa  }
0x15c: {  	s28 =	sshra.s32 s14, $0x4;
	p0 =	sgt.f32 s2, $-Inf  }
0x15d: {  	s14 =	sand.u32 $0xF, s14;
	p5 =	seq.s32 s28, $0x0;
	p2 =	seq.s32 s28, $0x1  }
0x15e: {  	p3 =	seq.s32 s28, $0x2;
	p1 =	por !p0, !p5;
	s25 =	spop (v2sf)  }
0x15f: {  	p2 =	por !p0, !p2;
	p1 =	por !p1, !p1;
	v58 =	vmov s14;
	vm5 =	vmmov vm3;
	s26 =	spop (v2sf)  }
0x160: {  	p3 =	por !p0, !p3;
	vm7 =	vmmov vm3;
	vm6 =	veq.s32 v58, v5;
	vm5 =	vmneg @p1 vm5;
	p1 =	por !p2, !p2;
	s29 =	spop (v2sf)  }
0x161: {  	p6 =	seq.s32 s28, $0x3;
	vm8 =	vmmov vm3;
	p2 =	por !p3, !p3;
	vm7 =	vmneg @p1 vm7;
	vm5 =	vmand vm6, vm5;
	s30 =	smax.f32 s29, s26  }
0x162: {  	p4 =	por !p0, !p6;
	p5 =	seq.s32 s28, $0x4;
	vm8 =	vmneg @p2 vm8;
	v0 =	vsel vm5, s30, v0;
	vm5 =	vmand vm6, vm7  }
0x163: {  	p1 =	por !p4, !p4;
	p2 =	por !p0, !p5;
	vm7 =	vmand vm6, vm8;
	vm8 =	vmmov vm3;
	v1 =	vsel vm5, s30, v1  }
0x164: {  	v2 =	vsel vm7, s30, v2;
	vm8 =	vmneg @p1 vm8;
	p1 =	por !p2, !p2;
	vm5 =	vmmov vm3  }
0x165: {  	v59 =	vmax.f32 v0, v1;
	vm7 =	vmand vm6, vm8;
	vm5 =	vmneg @p1 vm5  }
0x166: {  	v12 =	vmax.f32 v59, v2;
	v3 =	vsel vm7, s30, v3;
	vm5 =	vmand vm6, vm5  }
0x167: {  	v12 =	vmax.f32 v12, v3;
	v4 =	vsel vm5, s30, v4  }
0x168: {  	v12 =	vmax.f32 v12, v4  }
0x169: {  	(xrf0) =	vmax.scan.msk.f32 $0xffff, v12;
	_ =	sdelay $0x5  }
0x16a: {  	p6 =	seq.s32 s25, $0x0;
	v12, _, _ =	vpop (xrf0)  }
0x16b: {  	p1 =	por !p0, !p6;
	(v2sf) =	vpush v12, $0xF  }
0x16c: {  	p1 =	por !p1, !p1;
	vm5 =	vmmov vm3  }
0x16d: {  	vm5 =	vmneg @p1 vm5  }
0x16e: {  	vm6 =	vmand vm5, vm0;
	_ =	sdelay $0x1  }
0x16f: {  	s14 =	simm.s32 $0x1  }
0x170: {  	s14 =	simm.s32 @!p1 $0x0  }
0x171: {  	s31 =	smul.u32 $0x5, s3;
	vm7 =	vmmov vm3;
	s3 =	sadd.s32 s14, s3  }
0x172: {  	vm7 =	vmneg @p0 vm7;
	vm5 =	vmand vm5, vm2;
	p1 =	sgt.u32 s3, $0x63  }
0x173: {  	v60 =	vadd.s32 s31, v5;
	vm7 =	vmand vm7, vm0;
	p2 =	sgt.f32 @!p1 s2, $-Inf;
	[tilespmem:v42+s4+$0x0] =	vst.idx.msk vm6, v10  }
0x174: {  	v61 =	vmov s13;
	[tilespmem:v42+s5+$0x0] =	vst.idx.msk vm6, v11  }
0x175: {  	v62 =	vmov s12;
	p1 =	por p1, !p2;
	[tilespmem:v42+s6+$0x0] =	vst.idx.msk vm6, v9  }
.Ltmp1:
0x176: {  	v63 =	vmov s15;
	[tilespmem:v42+s7+$0x0] =	vst.idx.msk vm6, v8;
	v8 =	vsel vm4, s2, v8;
	(pc) =	sbr.rel @!p1 .LBB2_4-.Ltmp1, $4  }
0x177: {  	[tilespmem:v42+s8+$0x0] =	vst.idx.msk vm6, v63;
	v7 =	vsel vm1, v7, v8  }
0x178: {  	[tilespmem:v60+s9+$0x0] =	vst.idx.msk vm5, v7;
	v7 =	vbroadcast v13, $0xF  }
0x179: {  	[tilespmem:v61+s10+$0x0] =	vst.idx.msk vm7, v6;
	s12 =	spop (v2sf)  }
0x17a: {  	[tilespmem:v62+s11+$0x0] =	vst.idx.msk vm7, v7;
	s2 =	smov.u32 @p0 s12  }
0x17b: {  	s2 =	simm.s32 $0x0;
	s3 =	simm.s32 $0x18F80;
	s31 =	simm.s32 $0x2  }
0x17c: {  	[hbm4b:s1+s2] =	stream.linear.scatter [tilespmem:s3], [sflag:$0x2], $0x200, $0x38;
	[tilespmem:$0x19180] =	vst v63  }
0x17d: {  	_ =	swait.ge [sflag:s31], $0x200  }
0x17e: {  	[sflag:s31] =	ssyncset.done $0x0  }
0x17f: {  	[sflag:s31] =	ssyncadd.s32 $0xFFFFFE00  }
0x180: {  	_ =	sfence.sel $0x180000  }
0x181: {  	[bflag:$0x0] =	sbarrier.arrive $0xFFFF  }
0x182: {  	_ =	strace $0x90000047  }
0x183: {  	s0 =	sadd.s32 $0x100000, s0;
	[bflag:$0x2] =	sbarrier.arrive $0xFFFF  }
0x184: {  	[sflag:s0] =	ssyncadd.tile.s32 $0x1;
	_ =	shalt  }
.Lfunc_end2:
_tile_overlayer_lowered:
.L_overlay_start_2:
0x185: {  	(tag) =	ssettag $0x2  }
0x186: {  	s0 =	rddreg [dreg:$0x0];
	s2 =	stileid.u32  }
0x187: {  	s1 =	rddreg [dreg:$0x1];
	p0 =	sne.s32 s2, $0x0  }
0x188: {  	s3 =	rddreg [dreg:$0x2];
	[bflag:$0x3] =	sbarrier.arrive $0xFFFF;
	s2 =	simm.s32 @!p0 $0x1C02  }
0x189: {  	[timem:s3], [sflag:s2] =	dma.local @!p0 [hbm:s0], s1  }
0x18a: {  	s0 =	simm.s32 @!p0 $0x2  }
0x18b: {  	_ =	swait.ge @!p0 [sflag:s0], s1  }
0x18c: {  	s1 =	ssub.s32 @!p0 $0x0, s1;
	[sflag:s0] =	ssyncset.done @!p0 $0x0  }
0x18d: {  	[sflag:s0] =	ssyncadd.s32 @!p0 s1  }
0x18e: {  	[bflag:$0x3] =	sbarrier.arrive $0xFFFF  }
0x18f: {  	_ =	shalt  }

</sc_bundles>
